<compile_context>
chip_gen: v7x
topology: tpu7x:2x2x1
jax: 0.10.2.dev20260603
libtpu: 0.0.44.dev20260713+nightly
codegen_flags: <defaults>
</compile_context>

<pallas_src>
import functools

import jax
import jax.numpy as jnp
from jax import lax
from jax.experimental import pallas as pl
from jax.experimental.pallas import tpu as pltpu
from jax.experimental.pallas import tpu_sc as plsc

N_NODES = 10000
N_EDGES = 160000
D_FEAT = 256

NC = 2
NS = 16
DH = D_FEAT // NC
EPT = N_EDGES // NS
EB = 80
NB = EPT // EB
NPAD = 10112
RPT = NPAD // NS
LASTR = N_NODES - (NS - 1) * RPT
NBUF = 4
KIDX = 8


def _mp_sc(x1, eidx):
    mesh = plsc.VectorSubcoreMesh(core_axis_name="c", subcore_axis_name="s")

    @functools.partial(
        pl.kernel,
        mesh=mesh,
        out_type=jax.ShapeDtypeStruct((N_NODES, D_FEAT), jnp.float32),
        scratch_types=(
            [pltpu.VMEM((EB,), jnp.int32) for _ in range(KIDX)]
            + [pltpu.VMEM((EB,), jnp.int32) for _ in range(KIDX)]
            + [pltpu.VMEM((EB, DH), jnp.float32) for _ in range(NBUF)]
            + [pltpu.VMEM((40, DH), jnp.float32)]
            + [pltpu.VMEM_SHARED((NPAD, DH), jnp.float32)]
            + [pltpu.SemaphoreType.DMA for _ in range(KIDX)]
            + [pltpu.SemaphoreType.DMA]
            + [pltpu.SemaphoreType.DMA for _ in range(2 * NBUF)]
        ),
    )
    def body(x_hbm, e_hbm, out_hbm, *refs):
        sring = refs[0:KIDX]
        dring = refs[KIDX:2 * KIDX]
        rows = refs[2 * KIDX:2 * KIDX + NBUF]
        zbuf = refs[2 * KIDX + NBUF]
        acc = refs[2 * KIDX + NBUF + 1]
        isem = refs[2 * KIDX + NBUF + 2:3 * KIDX + NBUF + 2]
        zsem = refs[3 * KIDX + NBUF + 2]
        gsem = refs[3 * KIDX + NBUF + 3:3 * KIDX + 2 * NBUF + 3]
        ssem = refs[3 * KIDX + 2 * NBUF + 3:3 * KIDX + 3 * NBUF + 3]

        c = lax.axis_index("c")
        s = lax.axis_index("s")

        def sslice(b):
            off = pl.multiple_of(s * EPT + b * EB, 8)
            return e_hbm.at[pl.ds(off, EB)]

        def dslice(b):
            off = pl.multiple_of(N_EDGES + s * EPT + b * EB, 8)
            return e_hbm.at[pl.ds(off, EB)]

        def idx_start(b, k):
            pltpu.async_copy(sslice(b), sring[k], isem[k])
            pltpu.async_copy(dslice(b), dring[k], isem[k])

        def idx_wait(b, k):
            pltpu.make_async_copy(sslice(b), sring[k], isem[k]).wait()
            pltpu.make_async_copy(dslice(b), dring[k], isem[k]).wait()
            for t in range(EB // 16):
                v = sring[k][pl.ds(t * 16, 16)]
                sring[k][pl.ds(t * 16, 16)] = v * 2 + c

        def gather_start(j, k):
            pltpu.async_copy(x_hbm.at[sring[k]], rows[j], gsem[j])

        def gather_wait(j):
            pltpu.make_async_copy(x_hbm.at[sring[0]], rows[j],
                                  gsem[j]).wait()

        def scatter_start(j, k):
            pltpu.async_copy(rows[j], acc.at[dring[k]], ssem[j], add=True)

        def scatter_wait(j):
            pltpu.make_async_copy(rows[0], acc.at[dring[0]],
                                  ssem[j]).wait()

        for b in range(4):
            idx_start(b, b)

        def zstore(t, carry):
            zbuf[t // 8, pl.ds((t % 8) * 16, 16)] = jnp.zeros((16,),
                                                              jnp.float32)
            return carry

        lax.fori_loop(0, 40 * (DH // 16), zstore, 0)

        def zcopy(k, n):
            off = pl.multiple_of(s * RPT + k * 40, 8)
            return zbuf.at[pl.ds(0, n)], acc.at[pl.ds(off, n)]

        for k in range(15):
            pltpu.async_copy(*zcopy(k, 40), zsem)
        pltpu.async_copy(*zcopy(15, 32), zsem)

        idx_wait(0, 0)
        idx_wait(1, 1)
        gather_start(0, 0)
        gather_start(1, 1)
        for k in range(15):
            pltpu.make_async_copy(*zcopy(k, 40), zsem).wait()
        pltpu.make_async_copy(*zcopy(15, 32), zsem).wait()
        plsc.subcore_barrier()

        def slot(b, head=False, idx=True, gather=True):
            if gather:
                idx_wait(b + 2, (b + 2) % KIDX)
            if not head:
                scatter_wait((b - 2) % NBUF)
            if gather:
                gather_start((b + 2) % NBUF, (b + 2) % KIDX)
            gather_wait(b % NBUF)
            scatter_start(b % NBUF, b % KIDX)
            if idx:
                idx_start(b + 4, (b + 4) % KIDX)

        slot(0, head=True)
        slot(1, head=True)

        def step(ii, carry):
            base = 2 + ii * KIDX
            for j in range(KIDX):
                bb = 2 + j
                idx_wait(base + j + 2, (bb + 2) % KIDX)
                scatter_wait((bb - 2) % NBUF)
                gather_start((bb + 2) % NBUF, (bb + 2) % KIDX)
                gather_wait(bb % NBUF)
                scatter_start(bb % NBUF, bb % KIDX)

                @pl.when(base + j + 4 < NB)
                def _():
                    idx_start(base + j + 4, (bb + 4) % KIDX)
            return carry

        lax.fori_loop(0, (NB - 5) // KIDX, step, 0)

        slot(NB - 3, idx=False)
        slot(NB - 2, idx=False, gather=False)
        slot(NB - 1, idx=False, gather=False)
        scatter_wait((NB - 2) % NBUF)
        scatter_wait((NB - 1) % NBUF)
        plsc.subcore_barrier()

        coff = pl.multiple_of(c * DH, 128)
        aoff = pl.multiple_of(s * RPT, 8)

        @pl.when(s < NS - 1)
        def _():
            pltpu.sync_copy(acc.at[pl.ds(aoff, RPT)],
                            out_hbm.at[pl.ds(aoff, RPT), pl.ds(coff, DH)])

        @pl.when(s == NS - 1)
        def _():
            pltpu.sync_copy(acc.at[pl.ds(aoff, LASTR)],
                            out_hbm.at[pl.ds(aoff, LASTR), pl.ds(coff, DH)])

    return body(x1, eidx)


def kernel(x, edge_index):
    x1 = x.reshape(2 * N_NODES, DH)
    eidx = edge_index.astype(jnp.int32).reshape(2 * N_EDGES)
    return _mp_sc(x1, eidx)

# --- scband reference (transcript-rebuilt; emitter-appended) ---
"""Pipeline reference for scband-message-passing-33011118637725 (READ-ONLY COPY).

The authoritative reference and input builder live on the scoring server;
editing this copy changes nothing except your own understanding.
"""

import jax, jax.numpy as jnp
import numpy as np

N_NODES = 10000
N_EDGES = 160000
D_FEAT = 256

def setup_inputs(seed: int = 0) -> dict:
    key = jax.random.key(seed)
    kx, ke = jax.random.split(key)
    x = jax.random.normal(kx, (N_NODES, D_FEAT), dtype=jnp.float32)
    edge_index = jax.random.randint(ke, (2, N_EDGES), 0, N_NODES, dtype=jnp.int64 if jax.config.jax_enable_x64 else jnp.int32)
    return {"x": x, "edge_index": edge_index}

def reference(x, edge_index):
    # MessagePassing.propagate with default sum aggregation:
    # message: gather source node features along edges (no edge_weight)
    src_index = edge_index[0, :]
    msgs = jnp.take(x, src_index, axis=0)
    # aggregate: scatter-add messages into destination nodes (dim_size -> num nodes)
    dst_index = edge_index[1, :]
    out = jax.ops.segment_sum(msgs, dst_index, num_segments=x.shape[0])
    # update: identity
    return out

if __name__ == "__main__":
    import jax
    _d = setup_inputs()
    print(jax.jit(kernel)(*tuple(_d.values())))

</pallas_src>

<mosaic_0001>
#map = affine_map<(d0, d1) -> (0, 0)>
#map1 = affine_map<(d0, d1) -> (0)>
module attributes {stable_mosaic.version = 14 : i64} {
  func.func @body(%arg0: i32, %arg1: i32, %arg2: memref<20000x128xf32, #tpu.memory_space<hbm>>, %arg3: memref<320000xi32, #tpu.memory_space<hbm>>, %arg4: memref<10000x256xf32, #tpu.memory_space<hbm>>, %arg5: memref<80xi32, #tpu.memory_space<vmem>>, %arg6: memref<80xi32, #tpu.memory_space<vmem>>, %arg7: memref<80xi32, #tpu.memory_space<vmem>>, %arg8: memref<80xi32, #tpu.memory_space<vmem>>, %arg9: memref<80xi32, #tpu.memory_space<vmem>>, %arg10: memref<80xi32, #tpu.memory_space<vmem>>, %arg11: memref<80xi32, #tpu.memory_space<vmem>>, %arg12: memref<80xi32, #tpu.memory_space<vmem>>, %arg13: memref<80xi32, #tpu.memory_space<vmem>>, %arg14: memref<80xi32, #tpu.memory_space<vmem>>, %arg15: memref<80xi32, #tpu.memory_space<vmem>>, %arg16: memref<80xi32, #tpu.memory_space<vmem>>, %arg17: memref<80xi32, #tpu.memory_space<vmem>>, %arg18: memref<80xi32, #tpu.memory_space<vmem>>, %arg19: memref<80xi32, #tpu.memory_space<vmem>>, %arg20: memref<80xi32, #tpu.memory_space<vmem>>, %arg21: memref<80x128xf32, #tpu.memory_space<vmem>>, %arg22: memref<80x128xf32, #tpu.memory_space<vmem>>, %arg23: memref<80x128xf32, #tpu.memory_space<vmem>>, %arg24: memref<80x128xf32, #tpu.memory_space<vmem>>, %arg25: memref<40x128xf32, #tpu.memory_space<vmem>>, %arg26: memref<10112x128xf32, #tpu.memory_space<vmem_shared>>, %arg27: memref<!tpu.dma_semaphore, #tpu.memory_space<semaphore_mem>>, %arg28: memref<!tpu.dma_semaphore, #tpu.memory_space<semaphore_mem>>, %arg29: memref<!tpu.dma_semaphore, #tpu.memory_space<semaphore_mem>>, %arg30: memref<!tpu.dma_semaphore, #tpu.memory_space<semaphore_mem>>, %arg31: memref<!tpu.dma_semaphore, #tpu.memory_space<semaphore_mem>>, %arg32: memref<!tpu.dma_semaphore, #tpu.memory_space<semaphore_mem>>, %arg33: memref<!tpu.dma_semaphore, #tpu.memory_space<semaphore_mem>>, %arg34: memref<!tpu.dma_semaphore, #tpu.memory_space<semaphore_mem>>, %arg35: memref<!tpu.dma_semaphore, #tpu.memory_space<semaphore_mem>>, %arg36: memref<!tpu.dma_semaphore, #tpu.memory_space<semaphore_mem>>, %arg37: memref<!tpu.dma_semaphore, #tpu.memory_space<semaphore_mem>>, %arg38: memref<!tpu.dma_semaphore, #tpu.memory_space<semaphore_mem>>, %arg39: memref<!tpu.dma_semaphore, #tpu.memory_space<semaphore_mem>>, %arg40: memref<!tpu.dma_semaphore, #tpu.memory_space<semaphore_mem>>, %arg41: memref<!tpu.dma_semaphore, #tpu.memory_space<semaphore_mem>>, %arg42: memref<!tpu.dma_semaphore, #tpu.memory_space<semaphore_mem>>, %arg43: memref<!tpu.dma_semaphore, #tpu.memory_space<semaphore_mem>>) attributes {dimension_semantics = [#tpu.dimension_semantics<core_parallel>, #tpu.dimension_semantics<subcore_parallel>], iteration_bounds = array<i64: 2, 16>, scalar_prefetch = 0 : i64, scratch_operands = 39 : i64, tpu.core_type = #tpu.core_type<sc_vector_subcore>, window_params = [{transform_indices = #map}, {transform_indices = #map1}, {transform_indices = #map}]} {
    %mul3A = arith.constant 10000 : i32
    %mul3A_0 = arith.muli %arg1, %mul3A : i32
    %add3A = arith.constant 0 : i32
    %add3A_1 = arith.addi %mul3A_0, %add3A : i32
    %multiple_of3A = tpu.assume_multiple %add3A_1, 8 : i32
    %dma_start3A = tpu.memref_slice %arg3[%multiple_of3A] : memref<320000xi32, #tpu.memory_space<hbm>> -> memref<80xi32, #tpu.memory_space<hbm>>
    %dma_start3A_2 = tpu.memref_slice %arg3[%multiple_of3A] : memref<320000xi32, #tpu.memory_space<hbm>> -> memref<80xi32, #tpu.memory_space<hbm>>
    tpu.enqueue_dma source(%dma_start3A_2 : memref<80xi32, #tpu.memory_space<hbm>>) target(%arg5 : memref<80xi32, #tpu.memory_space<vmem>>) target_semaphore(%arg27 : memref<!tpu.dma_semaphore, #tpu.memory_space<semaphore_mem>>)
    %mul3A_3 = arith.constant 10000 : i32
    %mul3A_4 = arith.muli %arg1, %mul3A_3 : i32
    %add3A_5 = arith.constant 160000 : i32
    %add3A_6 = arith.addi %add3A_5, %mul3A_4 : i32
    %add3A_7 = arith.constant 0 : i32
    %add3A_8 = arith.addi %add3A_6, %add3A_7 : i32
    %multiple_of3A_9 = tpu.assume_multiple %add3A_8, 8 : i32
    %dma_start3A_10 = tpu.memref_slice %arg3[%multiple_of3A_9] : memref<320000xi32, #tpu.memory_space<hbm>> -> memref<80xi32, #tpu.memory_space<hbm>>
    %dma_start3A_11 = tpu.memref_slice %arg3[%multiple_of3A_9] : memref<320000xi32, #tpu.memory_space<hbm>> -> memref<80xi32, #tpu.memory_space<hbm>>
    tpu.enqueue_dma source(%dma_start3A_11 : memref<80xi32, #tpu.memory_space<hbm>>) target(%arg13 : memref<80xi32, #tpu.memory_space<vmem>>) target_semaphore(%arg27 : memref<!tpu.dma_semaphore, #tpu.memory_space<semaphore_mem>>)
    %mul3A_12 = arith.constant 10000 : i32
    %mul3A_13 = arith.muli %arg1, %mul3A_12 : i32
    %add3A_14 = arith.constant 80 : i32
    %add3A_15 = arith.addi %mul3A_13, %add3A_14 : i32
    %multiple_of3A_16 = tpu.assume_multiple %add3A_15, 8 : i32
    %dma_start3A_17 = tpu.memref_slice %arg3[%multiple_of3A_16] : memref<320000xi32, #tpu.memory_space<hbm>> -> memref<80xi32, #tpu.memory_space<hbm>>
    %dma_start3A_18 = tpu.memref_slice %arg3[%multiple_of3A_16] : memref<320000xi32, #tpu.memory_space<hbm>> -> memref<80xi32, #tpu.memory_space<hbm>>
    tpu.enqueue_dma source(%dma_start3A_18 : memref<80xi32, #tpu.memory_space<hbm>>) target(%arg6 : memref<80xi32, #tpu.memory_space<vmem>>) target_semaphore(%arg28 : memref<!tpu.dma_semaphore, #tpu.memory_space<semaphore_mem>>)
    %mul3A_19 = arith.constant 10000 : i32
    %mul3A_20 = arith.muli %arg1, %mul3A_19 : i32
    %add3A_21 = arith.constant 160000 : i32
    %add3A_22 = arith.addi %add3A_21, %mul3A_20 : i32
    %add3A_23 = arith.constant 80 : i32
    %add3A_24 = arith.addi %add3A_22, %add3A_23 : i32
    %multiple_of3A_25 = tpu.assume_multiple %add3A_24, 8 : i32
    %dma_start3A_26 = tpu.memref_slice %arg3[%multiple_of3A_25] : memref<320000xi32, #tpu.memory_space<hbm>> -> memref<80xi32, #tpu.memory_space<hbm>>
    %dma_start3A_27 = tpu.memref_slice %arg3[%multiple_of3A_25] : memref<320000xi32, #tpu.memory_space<hbm>> -> memref<80xi32, #tpu.memory_space<hbm>>
    tpu.enqueue_dma source(%dma_start3A_27 : memref<80xi32, #tpu.memory_space<hbm>>) target(%arg14 : memref<80xi32, #tpu.memory_space<vmem>>) target_semaphore(%arg28 : memref<!tpu.dma_semaphore, #tpu.memory_space<semaphore_mem>>)
    %mul3A_28 = arith.constant 10000 : i32
    %mul3A_29 = arith.muli %arg1, %mul3A_28 : i32
    %add3A_30 = arith.constant 160 : i32
    %add3A_31 = arith.addi %mul3A_29, %add3A_30 : i32
    %multiple_of3A_32 = tpu.assume_multiple %add3A_31, 8 : i32
    %dma_start3A_33 = tpu.memref_slice %arg3[%multiple_of3A_32] : memref<320000xi32, #tpu.memory_space<hbm>> -> memref<80xi32, #tpu.memory_space<hbm>>
    %dma_start3A_34 = tpu.memref_slice %arg3[%multiple_of3A_32] : memref<320000xi32, #tpu.memory_space<hbm>> -> memref<80xi32, #tpu.memory_space<hbm>>
    tpu.enqueue_dma source(%dma_start3A_34 : memref<80xi32, #tpu.memory_space<hbm>>) target(%arg7 : memref<80xi32, #tpu.memory_space<vmem>>) target_semaphore(%arg29 : memref<!tpu.dma_semaphore, #tpu.memory_space<semaphore_mem>>)
    %mul3A_35 = arith.constant 10000 : i32
    %mul3A_36 = arith.muli %arg1, %mul3A_35 : i32
    %add3A_37 = arith.constant 160000 : i32
    %add3A_38 = arith.addi %add3A_37, %mul3A_36 : i32
    %add3A_39 = arith.constant 160 : i32
    %add3A_40 = arith.addi %add3A_38, %add3A_39 : i32
    %multiple_of3A_41 = tpu.assume_multiple %add3A_40, 8 : i32
    %dma_start3A_42 = tpu.memref_slice %arg3[%multiple_of3A_41] : memref<320000xi32, #tpu.memory_space<hbm>> -> memref<80xi32, #tpu.memory_space<hbm>>
    %dma_start3A_43 = tpu.memref_slice %arg3[%multiple_of3A_41] : memref<320000xi32, #tpu.memory_space<hbm>> -> memref<80xi32, #tpu.memory_space<hbm>>
    tpu.enqueue_dma source(%dma_start3A_43 : memref<80xi32, #tpu.memory_space<hbm>>) target(%arg15 : memref<80xi32, #tpu.memory_space<vmem>>) target_semaphore(%arg29 : memref<!tpu.dma_semaphore, #tpu.memory_space<semaphore_mem>>)
    %mul3A_44 = arith.constant 10000 : i32
    %mul3A_45 = arith.muli %arg1, %mul3A_44 : i32
    %add3A_46 = arith.constant 240 : i32
    %add3A_47 = arith.addi %mul3A_45, %add3A_46 : i32
    %multiple_of3A_48 = tpu.assume_multiple %add3A_47, 8 : i32
    %dma_start3A_49 = tpu.memref_slice %arg3[%multiple_of3A_48] : memref<320000xi32, #tpu.memory_space<hbm>> -> memref<80xi32, #tpu.memory_space<hbm>>
    %dma_start3A_50 = tpu.memref_slice %arg3[%multiple_of3A_48] : memref<320000xi32, #tpu.memory_space<hbm>> -> memref<80xi32, #tpu.memory_space<hbm>>
    tpu.enqueue_dma source(%dma_start3A_50 : memref<80xi32, #tpu.memory_space<hbm>>) target(%arg8 : memref<80xi32, #tpu.memory_space<vmem>>) target_semaphore(%arg30 : memref<!tpu.dma_semaphore, #tpu.memory_space<semaphore_mem>>)
    %mul3A_51 = arith.constant 10000 : i32
    %mul3A_52 = arith.muli %arg1, %mul3A_51 : i32
    %add3A_53 = arith.constant 160000 : i32
    %add3A_54 = arith.addi %add3A_53, %mul3A_52 : i32
    %add3A_55 = arith.constant 240 : i32
    %add3A_56 = arith.addi %add3A_54, %add3A_55 : i32
    %multiple_of3A_57 = tpu.assume_multiple %add3A_56, 8 : i32
    %dma_start3A_58 = tpu.memref_slice %arg3[%multiple_of3A_57] : memref<320000xi32, #tpu.memory_space<hbm>> -> memref<80xi32, #tpu.memory_space<hbm>>
    %dma_start3A_59 = tpu.memref_slice %arg3[%multiple_of3A_57] : memref<320000xi32, #tpu.memory_space<hbm>> -> memref<80xi32, #tpu.memory_space<hbm>>
    tpu.enqueue_dma source(%dma_start3A_59 : memref<80xi32, #tpu.memory_space<hbm>>) target(%arg16 : memref<80xi32, #tpu.memory_space<vmem>>) target_semaphore(%arg30 : memref<!tpu.dma_semaphore, #tpu.memory_space<semaphore_mem>>)
    %scan3A = arith.constant 0 : i32
    %scan3A_60 = arith.constant 0 : i32
    %scan3A_61 = arith.constant 320 : i32
    %scan3A_62 = arith.addi %scan3A_60, %scan3A_61 : i32
    %scan3A_63 = arith.constant 1 : i32
    scf.for %scan3A_1033 = %scan3A_60 to %scan3A_62 step %scan3A_63  : i32 {
      %broadcast_in_dim3A = arith.constant 0.000000e+00 : f32
      %broadcast_in_dim3A_1034 = vector.broadcast %broadcast_in_dim3A : f32 to vector<16xf32>
      %jit3A = arith.constant 8 : i32
      %div3A = arith.divsi %scan3A_1033, %jit3A : i32
      %sign3A = arith.constant 0 : i32
      %sign3A_1035 = arith.cmpi sgt, %scan3A_1033, %sign3A : i32
      %sign3A_1036 = arith.extui %sign3A_1035 : i1 to i32
      %sign3A_1037 = arith.constant 0 : i32
      %sign3A_1038 = arith.cmpi slt, %scan3A_1033, %sign3A_1037 : i32
      %sign3A_1039 = arith.extui %sign3A_1038 : i1 to i32
      %sign3A_1040 = arith.subi %sign3A_1036, %sign3A_1039 : i32
      %sign3A_1041 = arith.constant 0 : i32
      %sign3A_1042 = arith.cmpi sgt, %jit3A, %sign3A_1041 : i32
      %sign3A_1043 = arith.extui %sign3A_1042 : i1 to i32
      %sign3A_1044 = arith.constant 0 : i32
      %sign3A_1045 = arith.cmpi slt, %jit3A, %sign3A_1044 : i32
      %sign3A_1046 = arith.extui %sign3A_1045 : i1 to i32
      %sign3A_1047 = arith.subi %sign3A_1043, %sign3A_1046 : i32
      %ne3A = arith.cmpi ne, %sign3A_1040, %sign3A_1047 : i32
      %rem3A = arith.remsi %scan3A_1033, %jit3A : i32
      %ne3A_1048 = arith.constant 0 : i32
      %ne3A_1049 = arith.cmpi ne, %rem3A, %ne3A_1048 : i32
      %and3A = arith.andi %ne3A, %ne3A_1049 : i1
      %sub3A = arith.constant 1 : i32
      %sub3A_1050 = arith.subi %div3A, %sub3A : i32
      %select_n3A = arith.select %and3A, %sub3A_1050, %div3A : i32
      %jit3A_1051 = arith.constant 8 : i32
      %eq3A_1052 = arith.constant 0 : i32
      %eq3A_1053 = arith.cmpi eq, %jit3A_1051, %eq3A_1052 : i32
      %jit3A_1054 = arith.constant 1 : i32
      %select_n3A_1055 = arith.select %eq3A_1053, %jit3A_1054, %jit3A_1051 : i32
      %rem3A_1056 = arith.remsi %scan3A_1033, %select_n3A_1055 : i32
      %ne3A_1057 = arith.constant 0 : i32
      %ne3A_1058 = arith.cmpi ne, %rem3A_1056, %ne3A_1057 : i32
      %lt3A_1059 = arith.constant 0 : i32
      %lt3A_1060 = arith.cmpi slt, %rem3A_1056, %lt3A_1059 : i32
      %lt3A_1061 = arith.constant 0 : i32
      %lt3A_1062 = arith.cmpi slt, %select_n3A_1055, %lt3A_1061 : i32
      %ne3A_1063 = arith.xori %lt3A_1060, %lt3A_1062 : i1
      %and3A_1064 = arith.andi %ne3A_1063, %ne3A_1058 : i1
      %add3A_1065 = arith.addi %rem3A_1056, %select_n3A_1055 : i32
      %select_n3A_1066 = arith.select %and3A_1064, %add3A_1065, %rem3A_1056 : i32
      %mul3A_1067 = arith.constant 16 : i32
      %mul3A_1068 = arith.muli %select_n3A_1066, %mul3A_1067 : i32
      %swap3A_1069 = arith.index_cast %select_n3A : i32 to index
      %swap3A_1070 = arith.index_cast %mul3A_1068 : i32 to index
      %swap3A_1071 = tpu.vector_load %arg25[%swap3A_1069, %swap3A_1070] {strides = array<i32>} : memref<40x128xf32, #tpu.memory_space<vmem>>, vector<1x16xf32>,
      %swap3A_1072 = vector.shape_cast %swap3A_1071 : vector<1x16xf32> to vector<16xf32>
      %swap3A_1073 = vector.shape_cast %broadcast_in_dim3A_1034 : vector<16xf32> to vector<1x16xf32>
      tpu.vector_store %arg25[%swap3A_1069, %swap3A_1070], %swap3A_1073 {strides = array<i32>} : memref<40x128xf32, #tpu.memory_space<vmem>>, vector<1x16xf32>,
    }
    %scan3A_64 = arith.constant 320 : i32
    %mul3A_65 = arith.constant 632 : i32
    %mul3A_66 = arith.muli %arg1, %mul3A_65 : i32
    %add3A_67 = arith.constant 0 : i32
    %add3A_68 = arith.addi %mul3A_66, %add3A_67 : i32
    %multiple_of3A_69 = tpu.assume_multiple %add3A_68, 8 : i32
    %dma_start3A_70 = arith.constant 0 : i32
    %dma_start3A_71 = arith.constant 0 : i32
    %dma_start3A_72 = tpu.memref_slice %arg25[%dma_start3A_70, %dma_start3A_71] : memref<40x128xf32, #tpu.memory_space<vmem>> -> memref<40x128xf32, #tpu.memory_space<vmem>>
    %dma_start3A_73 = arith.constant 0 : i32
    %dma_start3A_74 = tpu.memref_slice %arg26[%multiple_of3A_69, %dma_start3A_73] : memref<10112x128xf32, #tpu.memory_space<vmem_shared>> -> memref<40x128xf32, #tpu.memory_space<vmem_shared>>
    %dma_start3A_75 = arith.constant 0 : i32
    %dma_start3A_76 = tpu.memref_slice %arg26[%multiple_of3A_69, %dma_start3A_75] : memref<10112x128xf32, #tpu.memory_space<vmem_shared>> -> memref<40x128xf32, #tpu.memory_space<vmem_shared>>
    %dma_start3A_77 = arith.constant 0 : i32
    %dma_start3A_78 = arith.constant 0 : i32
    %dma_start3A_79 = tpu.memref_slice %arg25[%dma_start3A_77, %dma_start3A_78] : memref<40x128xf32, #tpu.memory_space<vmem>> -> memref<40x128xf32, #tpu.memory_space<vmem>>
    tpu.enqueue_dma source(%dma_start3A_79 : memref<40x128xf32, #tpu.memory_space<vmem>>) target(%dma_start3A_76 : memref<40x128xf32, #tpu.memory_space<vmem_shared>>) target_semaphore(%arg35 : memref<!tpu.dma_semaphore, #tpu.memory_space<semaphore_mem>>)
    %mul3A_80 = arith.constant 632 : i32
    %mul3A_81 = arith.muli %arg1, %mul3A_80 : i32
    %add3A_82 = arith.constant 40 : i32
    %add3A_83 = arith.addi %mul3A_81, %add3A_82 : i32
    %multiple_of3A_84 = tpu.assume_multiple %add3A_83, 8 : i32
    %dma_start3A_85 = arith.constant 0 : i32
    %dma_start3A_86 = arith.constant 0 : i32
    %dma_start3A_87 = tpu.memref_slice %arg25[%dma_start3A_85, %dma_start3A_86] : memref<40x128xf32, #tpu.memory_space<vmem>> -> memref<40x128xf32, #tpu.memory_space<vmem>>
    %dma_start3A_88 = arith.constant 0 : i32
    %dma_start3A_89 = tpu.memref_slice %arg26[%multiple_of3A_84, %dma_start3A_88] : memref<10112x128xf32, #tpu.memory_space<vmem_shared>> -> memref<40x128xf32, #tpu.memory_space<vmem_shared>>
    %dma_start3A_90 = arith.constant 0 : i32
    %dma_start3A_91 = tpu.memref_slice %arg26[%multiple_of3A_84, %dma_start3A_90] : memref<10112x128xf32, #tpu.memory_space<vmem_shared>> -> memref<40x128xf32, #tpu.memory_space<vmem_shared>>
    %dma_start3A_92 = arith.constant 0 : i32
    %dma_start3A_93 = arith.constant 0 : i32
    %dma_start3A_94 = tpu.memref_slice %arg25[%dma_start3A_92, %dma_start3A_93] : memref<40x128xf32, #tpu.memory_space<vmem>> -> memref<40x128xf32, #tpu.memory_space<vmem>>
    tpu.enqueue_dma source(%dma_start3A_94 : memref<40x128xf32, #tpu.memory_space<vmem>>) target(%dma_start3A_91 : memref<40x128xf32, #tpu.memory_space<vmem_shared>>) target_semaphore(%arg35 : memref<!tpu.dma_semaphore, #tpu.memory_space<semaphore_mem>>)
    %mul3A_95 = arith.constant 632 : i32
    %mul3A_96 = arith.muli %arg1, %mul3A_95 : i32
    %add3A_97 = arith.constant 80 : i32
    %add3A_98 = arith.addi %mul3A_96, %add3A_97 : i32
    %multiple_of3A_99 = tpu.assume_multiple %add3A_98, 8 : i32
    %dma_start3A_100 = arith.constant 0 : i32
    %dma_start3A_101 = arith.constant 0 : i32
    %dma_start3A_102 = tpu.memref_slice %arg25[%dma_start3A_100, %dma_start3A_101] : memref<40x128xf32, #tpu.memory_space<vmem>> -> memref<40x128xf32, #tpu.memory_space<vmem>>
    %dma_start3A_103 = arith.constant 0 : i32
    %dma_start3A_104 = tpu.memref_slice %arg26[%multiple_of3A_99, %dma_start3A_103] : memref<10112x128xf32, #tpu.memory_space<vmem_shared>> -> memref<40x128xf32, #tpu.memory_space<vmem_shared>>
    %dma_start3A_105 = arith.constant 0 : i32
    %dma_start3A_106 = tpu.memref_slice %arg26[%multiple_of3A_99, %dma_start3A_105] : memref<10112x128xf32, #tpu.memory_space<vmem_shared>> -> memref<40x128xf32, #tpu.memory_space<vmem_shared>>
    %dma_start3A_107 = arith.constant 0 : i32
    %dma_start3A_108 = arith.constant 0 : i32
    %dma_start3A_109 = tpu.memref_slice %arg25[%dma_start3A_107, %dma_start3A_108] : memref<40x128xf32, #tpu.memory_space<vmem>> -> memref<40x128xf32, #tpu.memory_space<vmem>>
    tpu.enqueue_dma source(%dma_start3A_109 : memref<40x128xf32, #tpu.memory_space<vmem>>) target(%dma_start3A_106 : memref<40x128xf32, #tpu.memory_space<vmem_shared>>) target_semaphore(%arg35 : memref<!tpu.dma_semaphore, #tpu.memory_space<semaphore_mem>>)
    %mul3A_110 = arith.constant 632 : i32
    %mul3A_111 = arith.muli %arg1, %mul3A_110 : i32
    %add3A_112 = arith.constant 120 : i32
    %add3A_113 = arith.addi %mul3A_111, %add3A_112 : i32
    %multiple_of3A_114 = tpu.assume_multiple %add3A_113, 8 : i32
    %dma_start3A_115 = arith.constant 0 : i32
    %dma_start3A_116 = arith.constant 0 : i32
    %dma_start3A_117 = tpu.memref_slice %arg25[%dma_start3A_115, %dma_start3A_116] : memref<40x128xf32, #tpu.memory_space<vmem>> -> memref<40x128xf32, #tpu.memory_space<vmem>>
    %dma_start3A_118 = arith.constant 0 : i32
    %dma_start3A_119 = tpu.memref_slice %arg26[%multiple_of3A_114, %dma_start3A_118] : memref<10112x128xf32, #tpu.memory_space<vmem_shared>> -> memref<40x128xf32, #tpu.memory_space<vmem_shared>>
    %dma_start3A_120 = arith.constant 0 : i32
    %dma_start3A_121 = tpu.memref_slice %arg26[%multiple_of3A_114, %dma_start3A_120] : memref<10112x128xf32, #tpu.memory_space<vmem_shared>> -> memref<40x128xf32, #tpu.memory_space<vmem_shared>>
    %dma_start3A_122 = arith.constant 0 : i32
    %dma_start3A_123 = arith.constant 0 : i32
    %dma_start3A_124 = tpu.memref_slice %arg25[%dma_start3A_122, %dma_start3A_123] : memref<40x128xf32, #tpu.memory_space<vmem>> -> memref<40x128xf32, #tpu.memory_space<vmem>>
    tpu.enqueue_dma source(%dma_start3A_124 : memref<40x128xf32, #tpu.memory_space<vmem>>) target(%dma_start3A_121 : memref<40x128xf32, #tpu.memory_space<vmem_shared>>) target_semaphore(%arg35 : memref<!tpu.dma_semaphore, #tpu.memory_space<semaphore_mem>>)
    %mul3A_125 = arith.constant 632 : i32
    %mul3A_126 = arith.muli %arg1, %mul3A_125 : i32
    %add3A_127 = arith.constant 160 : i32
    %add3A_128 = arith.addi %mul3A_126, %add3A_127 : i32
    %multiple_of3A_129 = tpu.assume_multiple %add3A_128, 8 : i32
    %dma_start3A_130 = arith.constant 0 : i32
    %dma_start3A_131 = arith.constant 0 : i32
    %dma_start3A_132 = tpu.memref_slice %arg25[%dma_start3A_130, %dma_start3A_131] : memref<40x128xf32, #tpu.memory_space<vmem>> -> memref<40x128xf32, #tpu.memory_space<vmem>>
    %dma_start3A_133 = arith.constant 0 : i32
    %dma_start3A_134 = tpu.memref_slice %arg26[%multiple_of3A_129, %dma_start3A_133] : memref<10112x128xf32, #tpu.memory_space<vmem_shared>> -> memref<40x128xf32, #tpu.memory_space<vmem_shared>>
    %dma_start3A_135 = arith.constant 0 : i32
    %dma_start3A_136 = tpu.memref_slice %arg26[%multiple_of3A_129, %dma_start3A_135] : memref<10112x128xf32, #tpu.memory_space<vmem_shared>> -> memref<40x128xf32, #tpu.memory_space<vmem_shared>>
    %dma_start3A_137 = arith.constant 0 : i32
    %dma_start3A_138 = arith.constant 0 : i32
    %dma_start3A_139 = tpu.memref_slice %arg25[%dma_start3A_137, %dma_start3A_138] : memref<40x128xf32, #tpu.memory_space<vmem>> -> memref<40x128xf32, #tpu.memory_space<vmem>>
    tpu.enqueue_dma source(%dma_start3A_139 : memref<40x128xf32, #tpu.memory_space<vmem>>) target(%dma_start3A_136 : memref<40x128xf32, #tpu.memory_space<vmem_shared>>) target_semaphore(%arg35 : memref<!tpu.dma_semaphore, #tpu.memory_space<semaphore_mem>>)
    %mul3A_140 = arith.constant 632 : i32
    %mul3A_141 = arith.muli %arg1, %mul3A_140 : i32
    %add3A_142 = arith.constant 200 : i32
    %add3A_143 = arith.addi %mul3A_141, %add3A_142 : i32
    %multiple_of3A_144 = tpu.assume_multiple %add3A_143, 8 : i32
    %dma_start3A_145 = arith.constant 0 : i32
    %dma_start3A_146 = arith.constant 0 : i32
    %dma_start3A_147 = tpu.memref_slice %arg25[%dma_start3A_145, %dma_start3A_146] : memref<40x128xf32, #tpu.memory_space<vmem>> -> memref<40x128xf32, #tpu.memory_space<vmem>>
    %dma_start3A_148 = arith.constant 0 : i32
    %dma_start3A_149 = tpu.memref_slice %arg26[%multiple_of3A_144, %dma_start3A_148] : memref<10112x128xf32, #tpu.memory_space<vmem_shared>> -> memref<40x128xf32, #tpu.memory_space<vmem_shared>>
    %dma_start3A_150 = arith.constant 0 : i32
    %dma_start3A_151 = tpu.memref_slice %arg26[%multiple_of3A_144, %dma_start3A_150] : memref<10112x128xf32, #tpu.memory_space<vmem_shared>> -> memref<40x128xf32, #tpu.memory_space<vmem_shared>>
    %dma_start3A_152 = arith.constant 0 : i32
    %dma_start3A_153 = arith.constant 0 : i32
    %dma_start3A_154 = tpu.memref_slice %arg25[%dma_start3A_152, %dma_start3A_153] : memref<40x128xf32, #tpu.memory_space<vmem>> -> memref<40x128xf32, #tpu.memory_space<vmem>>
    tpu.enqueue_dma source(%dma_start3A_154 : memref<40x128xf32, #tpu.memory_space<vmem>>) target(%dma_start3A_151 : memref<40x128xf32, #tpu.memory_space<vmem_shared>>) target_semaphore(%arg35 : memref<!tpu.dma_semaphore, #tpu.memory_space<semaphore_mem>>)
    %mul3A_155 = arith.constant 632 : i32
    %mul3A_156 = arith.muli %arg1, %mul3A_155 : i32
    %add3A_157 = arith.constant 240 : i32
    %add3A_158 = arith.addi %mul3A_156, %add3A_157 : i32
    %multiple_of3A_159 = tpu.assume_multiple %add3A_158, 8 : i32
    %dma_start3A_160 = arith.constant 0 : i32
    %dma_start3A_161 = arith.constant 0 : i32
    %dma_start3A_162 = tpu.memref_slice %arg25[%dma_start3A_160, %dma_start3A_161] : memref<40x128xf32, #tpu.memory_space<vmem>> -> memref<40x128xf32, #tpu.memory_space<vmem>>
    %dma_start3A_163 = arith.constant 0 : i32
    %dma_start3A_164 = tpu.memref_slice %arg26[%multiple_of3A_159, %dma_start3A_163] : memref<10112x128xf32, #tpu.memory_space<vmem_shared>> -> memref<40x128xf32, #tpu.memory_space<vmem_shared>>
    %dma_start3A_165 = arith.constant 0 : i32
    %dma_start3A_166 = tpu.memref_slice %arg26[%multiple_of3A_159, %dma_start3A_165] : memref<10112x128xf32, #tpu.memory_space<vmem_shared>> -> memref<40x128xf32, #tpu.memory_space<vmem_shared>>
    %dma_start3A_167 = arith.constant 0 : i32
    %dma_start3A_168 = arith.constant 0 : i32
    %dma_start3A_169 = tpu.memref_slice %arg25[%dma_start3A_167, %dma_start3A_168] : memref<40x128xf32, #tpu.memory_space<vmem>> -> memref<40x128xf32, #tpu.memory_space<vmem>>
    tpu.enqueue_dma source(%dma_start3A_169 : memref<40x128xf32, #tpu.memory_space<vmem>>) target(%dma_start3A_166 : memref<40x128xf32, #tpu.memory_space<vmem_shared>>) target_semaphore(%arg35 : memref<!tpu.dma_semaphore, #tpu.memory_space<semaphore_mem>>)
    %mul3A_170 = arith.constant 632 : i32
    %mul3A_171 = arith.muli %arg1, %mul3A_170 : i32
    %add3A_172 = arith.constant 280 : i32
    %add3A_173 = arith.addi %mul3A_171, %add3A_172 : i32
    %multiple_of3A_174 = tpu.assume_multiple %add3A_173, 8 : i32
    %dma_start3A_175 = arith.constant 0 : i32
    %dma_start3A_176 = arith.constant 0 : i32
    %dma_start3A_177 = tpu.memref_slice %arg25[%dma_start3A_175, %dma_start3A_176] : memref<40x128xf32, #tpu.memory_space<vmem>> -> memref<40x128xf32, #tpu.memory_space<vmem>>
    %dma_start3A_178 = arith.constant 0 : i32
    %dma_start3A_179 = tpu.memref_slice %arg26[%multiple_of3A_174, %dma_start3A_178] : memref<10112x128xf32, #tpu.memory_space<vmem_shared>> -> memref<40x128xf32, #tpu.memory_space<vmem_shared>>
    %dma_start3A_180 = arith.constant 0 : i32
    %dma_start3A_181 = tpu.memref_slice %arg26[%multiple_of3A_174, %dma_start3A_180] : memref<10112x128xf32, #tpu.memory_space<vmem_shared>> -> memref<40x128xf32, #tpu.memory_space<vmem_shared>>
    %dma_start3A_182 = arith.constant 0 : i32
    %dma_start3A_183 = arith.constant 0 : i32
    %dma_start3A_184 = tpu.memref_slice %arg25[%dma_start3A_182, %dma_start3A_183] : memref<40x128xf32, #tpu.memory_space<vmem>> -> memref<40x128xf32, #tpu.memory_space<vmem>>
    tpu.enqueue_dma source(%dma_start3A_184 : memref<40x128xf32, #tpu.memory_space<vmem>>) target(%dma_start3A_181 : memref<40x128xf32, #tpu.memory_space<vmem_shared>>) target_semaphore(%arg35 : memref<!tpu.dma_semaphore, #tpu.memory_space<semaphore_mem>>)
    %mul3A_185 = arith.constant 632 : i32
    %mul3A_186 = arith.muli %arg1, %mul3A_185 : i32
    %add3A_187 = arith.constant 320 : i32
    %add3A_188 = arith.addi %mul3A_186, %add3A_187 : i32
    %multiple_of3A_189 = tpu.assume_multiple %add3A_188, 8 : i32
    %dma_start3A_190 = arith.constant 0 : i32
    %dma_start3A_191 = arith.constant 0 : i32
    %dma_start3A_192 = tpu.memref_slice %arg25[%dma_start3A_190, %dma_start3A_191] : memref<40x128xf32, #tpu.memory_space<vmem>> -> memref<40x128xf32, #tpu.memory_space<vmem>>
    %dma_start3A_193 = arith.constant 0 : i32
    %dma_start3A_194 = tpu.memref_slice %arg26[%multiple_of3A_189, %dma_start3A_193] : memref<10112x128xf32, #tpu.memory_space<vmem_shared>> -> memref<40x128xf32, #tpu.memory_space<vmem_shared>>
    %dma_start3A_195 = arith.constant 0 : i32
    %dma_start3A_196 = tpu.memref_slice %arg26[%multiple_of3A_189, %dma_start3A_195] : memref<10112x128xf32, #tpu.memory_space<vmem_shared>> -> memref<40x128xf32, #tpu.memory_space<vmem_shared>>
    %dma_start3A_197 = arith.constant 0 : i32
    %dma_start3A_198 = arith.constant 0 : i32
    %dma_start3A_199 = tpu.memref_slice %arg25[%dma_start3A_197, %dma_start3A_198] : memref<40x128xf32, #tpu.memory_space<vmem>> -> memref<40x128xf32, #tpu.memory_space<vmem>>
    tpu.enqueue_dma source(%dma_start3A_199 : memref<40x128xf32, #tpu.memory_space<vmem>>) target(%dma_start3A_196 : memref<40x128xf32, #tpu.memory_space<vmem_shared>>) target_semaphore(%arg35 : memref<!tpu.dma_semaphore, #tpu.memory_space<semaphore_mem>>)
    %mul3A_200 = arith.constant 632 : i32
    %mul3A_201 = arith.muli %arg1, %mul3A_200 : i32
    %add3A_202 = arith.constant 360 : i32
    %add3A_203 = arith.addi %mul3A_201, %add3A_202 : i32
    %multiple_of3A_204 = tpu.assume_multiple %add3A_203, 8 : i32
    %dma_start3A_205 = arith.constant 0 : i32
    %dma_start3A_206 = arith.constant 0 : i32
    %dma_start3A_207 = tpu.memref_slice %arg25[%dma_start3A_205, %dma_start3A_206] : memref<40x128xf32, #tpu.memory_space<vmem>> -> memref<40x128xf32, #tpu.memory_space<vmem>>
    %dma_start3A_208 = arith.constant 0 : i32
    %dma_start3A_209 = tpu.memref_slice %arg26[%multiple_of3A_204, %dma_start3A_208] : memref<10112x128xf32, #tpu.memory_space<vmem_shared>> -> memref<40x128xf32, #tpu.memory_space<vmem_shared>>
    %dma_start3A_210 = arith.constant 0 : i32
    %dma_start3A_211 = tpu.memref_slice %arg26[%multiple_of3A_204, %dma_start3A_210] : memref<10112x128xf32, #tpu.memory_space<vmem_shared>> -> memref<40x128xf32, #tpu.memory_space<vmem_shared>>
    %dma_start3A_212 = arith.constant 0 : i32
    %dma_start3A_213 = arith.constant 0 : i32
    %dma_start3A_214 = tpu.memref_slice %arg25[%dma_start3A_212, %dma_start3A_213] : memref<40x128xf32, #tpu.memory_space<vmem>> -> memref<40x128xf32, #tpu.memory_space<vmem>>
    tpu.enqueue_dma source(%dma_start3A_214 : memref<40x128xf32, #tpu.memory_space<vmem>>) target(%dma_start3A_211 : memref<40x128xf32, #tpu.memory_space<vmem_shared>>) target_semaphore(%arg35 : memref<!tpu.dma_semaphore, #tpu.memory_space<semaphore_mem>>)
    %mul3A_215 = arith.constant 632 : i32
    %mul3A_216 = arith.muli %arg1, %mul3A_215 : i32
    %add3A_217 = arith.constant 400 : i32
    %add3A_218 = arith.addi %mul3A_216, %add3A_217 : i32
    %multiple_of3A_219 = tpu.assume_multiple %add3A_218, 8 : i32
    %dma_start3A_220 = arith.constant 0 : i32
    %dma_start3A_221 = arith.constant 0 : i32
    %dma_start3A_222 = tpu.memref_slice %arg25[%dma_start3A_220, %dma_start3A_221] : memref<40x128xf32, #tpu.memory_space<vmem>> -> memref<40x128xf32, #tpu.memory_space<vmem>>
    %dma_start3A_223 = arith.constant 0 : i32
    %dma_start3A_224 = tpu.memref_slice %arg26[%multiple_of3A_219, %dma_start3A_223] : memref<10112x128xf32, #tpu.memory_space<vmem_shared>> -> memref<40x128xf32, #tpu.memory_space<vmem_shared>>
    %dma_start3A_225 = arith.constant 0 : i32
    %dma_start3A_226 = tpu.memref_slice %arg26[%multiple_of3A_219, %dma_start3A_225] : memref<10112x128xf32, #tpu.memory_space<vmem_shared>> -> memref<40x128xf32, #tpu.memory_space<vmem_shared>>
    %dma_start3A_227 = arith.constant 0 : i32
    %dma_start3A_228 = arith.constant 0 : i32
    %dma_start3A_229 = tpu.memref_slice %arg25[%dma_start3A_227, %dma_start3A_228] : memref<40x128xf32, #tpu.memory_space<vmem>> -> memref<40x128xf32, #tpu.memory_space<vmem>>
    tpu.enqueue_dma source(%dma_start3A_229 : memref<40x128xf32, #tpu.memory_space<vmem>>) target(%dma_start3A_226 : memref<40x128xf32, #tpu.memory_space<vmem_shared>>) target_semaphore(%arg35 : memref<!tpu.dma_semaphore, #tpu.memory_space<semaphore_mem>>)
    %mul3A_230 = arith.constant 632 : i32
    %mul3A_231 = arith.muli %arg1, %mul3A_230 : i32
    %add3A_232 = arith.constant 440 : i32
    %add3A_233 = arith.addi %mul3A_231, %add3A_232 : i32
    %multiple_of3A_234 = tpu.assume_multiple %add3A_233, 8 : i32
    %dma_start3A_235 = arith.constant 0 : i32
    %dma_start3A_236 = arith.constant 0 : i32
    %dma_start3A_237 = tpu.memref_slice %arg25[%dma_start3A_235, %dma_start3A_236] : memref<40x128xf32, #tpu.memory_space<vmem>> -> memref<40x128xf32, #tpu.memory_space<vmem>>
    %dma_start3A_238 = arith.constant 0 : i32
    %dma_start3A_239 = tpu.memref_slice %arg26[%multiple_of3A_234, %dma_start3A_238] : memref<10112x128xf32, #tpu.memory_space<vmem_shared>> -> memref<40x128xf32, #tpu.memory_space<vmem_shared>>
    %dma_start3A_240 = arith.constant 0 : i32
    %dma_start3A_241 = tpu.memref_slice %arg26[%multiple_of3A_234, %dma_start3A_240] : memref<10112x128xf32, #tpu.memory_space<vmem_shared>> -> memref<40x128xf32, #tpu.memory_space<vmem_shared>>
    %dma_start3A_242 = arith.constant 0 : i32
    %dma_start3A_243 = arith.constant 0 : i32
    %dma_start3A_244 = tpu.memref_slice %arg25[%dma_start3A_242, %dma_start3A_243] : memref<40x128xf32, #tpu.memory_space<vmem>> -> memref<40x128xf32, #tpu.memory_space<vmem>>
    tpu.enqueue_dma source(%dma_start3A_244 : memref<40x128xf32, #tpu.memory_space<vmem>>) target(%dma_start3A_241 : memref<40x128xf32, #tpu.memory_space<vmem_shared>>) target_semaphore(%arg35 : memref<!tpu.dma_semaphore, #tpu.memory_space<semaphore_mem>>)
    %mul3A_245 = arith.constant 632 : i32
    %mul3A_246 = arith.muli %arg1, %mul3A_245 : i32
    %add3A_247 = arith.constant 480 : i32
    %add3A_248 = arith.addi %mul3A_246, %add3A_247 : i32
    %multiple_of3A_249 = tpu.assume_multiple %add3A_248, 8 : i32
    %dma_start3A_250 = arith.constant 0 : i32
    %dma_start3A_251 = arith.constant 0 : i32
    %dma_start3A_252 = tpu.memref_slice %arg25[%dma_start3A_250, %dma_start3A_251] : memref<40x128xf32, #tpu.memory_space<vmem>> -> memref<40x128xf32, #tpu.memory_space<vmem>>
    %dma_start3A_253 = arith.constant 0 : i32
    %dma_start3A_254 = tpu.memref_slice %arg26[%multiple_of3A_249, %dma_start3A_253] : memref<10112x128xf32, #tpu.memory_space<vmem_shared>> -> memref<40x128xf32, #tpu.memory_space<vmem_shared>>
    %dma_start3A_255 = arith.constant 0 : i32
    %dma_start3A_256 = tpu.memref_slice %arg26[%multiple_of3A_249, %dma_start3A_255] : memref<10112x128xf32, #tpu.memory_space<vmem_shared>> -> memref<40x128xf32, #tpu.memory_space<vmem_shared>>
    %dma_start3A_257 = arith.constant 0 : i32
    %dma_start3A_258 = arith.constant 0 : i32
    %dma_start3A_259 = tpu.memref_slice %arg25[%dma_start3A_257, %dma_start3A_258] : memref<40x128xf32, #tpu.memory_space<vmem>> -> memref<40x128xf32, #tpu.memory_space<vmem>>
    tpu.enqueue_dma source(%dma_start3A_259 : memref<40x128xf32, #tpu.memory_space<vmem>>) target(%dma_start3A_256 : memref<40x128xf32, #tpu.memory_space<vmem_shared>>) target_semaphore(%arg35 : memref<!tpu.dma_semaphore, #tpu.memory_space<semaphore_mem>>)
    %mul3A_260 = arith.constant 632 : i32
    %mul3A_261 = arith.muli %arg1, %mul3A_260 : i32
    %add3A_262 = arith.constant 520 : i32
    %add3A_263 = arith.addi %mul3A_261, %add3A_262 : i32
    %multiple_of3A_264 = tpu.assume_multiple %add3A_263, 8 : i32
    %dma_start3A_265 = arith.constant 0 : i32
    %dma_start3A_266 = arith.constant 0 : i32
    %dma_start3A_267 = tpu.memref_slice %arg25[%dma_start3A_265, %dma_start3A_266] : memref<40x128xf32, #tpu.memory_space<vmem>> -> memref<40x128xf32, #tpu.memory_space<vmem>>
    %dma_start3A_268 = arith.constant 0 : i32
    %dma_start3A_269 = tpu.memref_slice %arg26[%multiple_of3A_264, %dma_start3A_268] : memref<10112x128xf32, #tpu.memory_space<vmem_shared>> -> memref<40x128xf32, #tpu.memory_space<vmem_shared>>
    %dma_start3A_270 = arith.constant 0 : i32
    %dma_start3A_271 = tpu.memref_slice %arg26[%multiple_of3A_264, %dma_start3A_270] : memref<10112x128xf32, #tpu.memory_space<vmem_shared>> -> memref<40x128xf32, #tpu.memory_space<vmem_shared>>
    %dma_start3A_272 = arith.constant 0 : i32
    %dma_start3A_273 = arith.constant 0 : i32
    %dma_start3A_274 = tpu.memref_slice %arg25[%dma_start3A_272, %dma_start3A_273] : memref<40x128xf32, #tpu.memory_space<vmem>> -> memref<40x128xf32, #tpu.memory_space<vmem>>
    tpu.enqueue_dma source(%dma_start3A_274 : memref<40x128xf32, #tpu.memory_space<vmem>>) target(%dma_start3A_271 : memref<40x128xf32, #tpu.memory_space<vmem_shared>>) target_semaphore(%arg35 : memref<!tpu.dma_semaphore, #tpu.memory_space<semaphore_mem>>)
    %mul3A_275 = arith.constant 632 : i32
    %mul3A_276 = arith.muli %arg1, %mul3A_275 : i32
    %add3A_277 = arith.constant 560 : i32
    %add3A_278 = arith.addi %mul3A_276, %add3A_277 : i32
    %multiple_of3A_279 = tpu.assume_multiple %add3A_278, 8 : i32
    %dma_start3A_280 = arith.constant 0 : i32
    %dma_start3A_281 = arith.constant 0 : i32
    %dma_start3A_282 = tpu.memref_slice %arg25[%dma_start3A_280, %dma_start3A_281] : memref<40x128xf32, #tpu.memory_space<vmem>> -> memref<40x128xf32, #tpu.memory_space<vmem>>
    %dma_start3A_283 = arith.constant 0 : i32
    %dma_start3A_284 = tpu.memref_slice %arg26[%multiple_of3A_279, %dma_start3A_283] : memref<10112x128xf32, #tpu.memory_space<vmem_shared>> -> memref<40x128xf32, #tpu.memory_space<vmem_shared>>
    %dma_start3A_285 = arith.constant 0 : i32
    %dma_start3A_286 = tpu.memref_slice %arg26[%multiple_of3A_279, %dma_start3A_285] : memref<10112x128xf32, #tpu.memory_space<vmem_shared>> -> memref<40x128xf32, #tpu.memory_space<vmem_shared>>
    %dma_start3A_287 = arith.constant 0 : i32
    %dma_start3A_288 = arith.constant 0 : i32
    %dma_start3A_289 = tpu.memref_slice %arg25[%dma_start3A_287, %dma_start3A_288] : memref<40x128xf32, #tpu.memory_space<vmem>> -> memref<40x128xf32, #tpu.memory_space<vmem>>
    tpu.enqueue_dma source(%dma_start3A_289 : memref<40x128xf32, #tpu.memory_space<vmem>>) target(%dma_start3A_286 : memref<40x128xf32, #tpu.memory_space<vmem_shared>>) target_semaphore(%arg35 : memref<!tpu.dma_semaphore, #tpu.memory_space<semaphore_mem>>)
    %mul3A_290 = arith.constant 632 : i32
    %mul3A_291 = arith.muli %arg1, %mul3A_290 : i32
    %add3A_292 = arith.constant 600 : i32
    %add3A_293 = arith.addi %mul3A_291, %add3A_292 : i32
    %multiple_of3A_294 = tpu.assume_multiple %add3A_293, 8 : i32
    %dma_start3A_295 = arith.constant 0 : i32
    %dma_start3A_296 = arith.constant 0 : i32
    %dma_start3A_297 = tpu.memref_slice %arg25[%dma_start3A_295, %dma_start3A_296] : memref<40x128xf32, #tpu.memory_space<vmem>> -> memref<32x128xf32, #tpu.memory_space<vmem>>
    %dma_start3A_298 = arith.constant 0 : i32
    %dma_start3A_299 = tpu.memref_slice %arg26[%multiple_of3A_294, %dma_start3A_298] : memref<10112x128xf32, #tpu.memory_space<vmem_shared>> -> memref<32x128xf32, #tpu.memory_space<vmem_shared>>
    %dma_start3A_300 = arith.constant 0 : i32
    %dma_start3A_301 = tpu.memref_slice %arg26[%multiple_of3A_294, %dma_start3A_300] : memref<10112x128xf32, #tpu.memory_space<vmem_shared>> -> memref<32x128xf32, #tpu.memory_space<vmem_shared>>
    %dma_start3A_302 = arith.constant 0 : i32
    %dma_start3A_303 = arith.constant 0 : i32
    %dma_start3A_304 = tpu.memref_slice %arg25[%dma_start3A_302, %dma_start3A_303] : memref<40x128xf32, #tpu.memory_space<vmem>> -> memref<32x128xf32, #tpu.memory_space<vmem>>
    tpu.enqueue_dma source(%dma_start3A_304 : memref<32x128xf32, #tpu.memory_space<vmem>>) target(%dma_start3A_301 : memref<32x128xf32, #tpu.memory_space<vmem_shared>>) target_semaphore(%arg35 : memref<!tpu.dma_semaphore, #tpu.memory_space<semaphore_mem>>)
    %mul3A_305 = arith.constant 10000 : i32
    %mul3A_306 = arith.muli %arg1, %mul3A_305 : i32
    %add3A_307 = arith.constant 0 : i32
    %add3A_308 = arith.addi %mul3A_306, %add3A_307 : i32
    %multiple_of3A_309 = tpu.assume_multiple %add3A_308, 8 : i32
    %dma_wait3A = tpu.memref_slice %arg3[%multiple_of3A_309] : memref<320000xi32, #tpu.memory_space<hbm>> -> memref<80xi32, #tpu.memory_space<hbm>>
    %dma_wait3A_310 = tpu.memref_slice %arg3[%multiple_of3A_309] : memref<320000xi32, #tpu.memory_space<hbm>> -> memref<80xi32, #tpu.memory_space<hbm>>
    tpu.wait_dma2 semaphore(%arg27 : memref<!tpu.dma_semaphore, #tpu.memory_space<semaphore_mem>>) src(%dma_wait3A_310 : memref<80xi32, #tpu.memory_space<hbm>>) dst(%arg5 : memref<80xi32, #tpu.memory_space<vmem>>)
    %mul3A_311 = arith.constant 10000 : i32
    %mul3A_312 = arith.muli %arg1, %mul3A_311 : i32
    %add3A_313 = arith.constant 160000 : i32
    %add3A_314 = arith.addi %add3A_313, %mul3A_312 : i32
    %add3A_315 = arith.constant 0 : i32
    %add3A_316 = arith.addi %add3A_314, %add3A_315 : i32
    %multiple_of3A_317 = tpu.assume_multiple %add3A_316, 8 : i32
    %dma_wait3A_318 = tpu.memref_slice %arg3[%multiple_of3A_317] : memref<320000xi32, #tpu.memory_space<hbm>> -> memref<80xi32, #tpu.memory_space<hbm>>
    %dma_wait3A_319 = tpu.memref_slice %arg3[%multiple_of3A_317] : memref<320000xi32, #tpu.memory_space<hbm>> -> memref<80xi32, #tpu.memory_space<hbm>>
    tpu.wait_dma2 semaphore(%arg27 : memref<!tpu.dma_semaphore, #tpu.memory_space<semaphore_mem>>) src(%dma_wait3A_319 : memref<80xi32, #tpu.memory_space<hbm>>) dst(%arg13 : memref<80xi32, #tpu.memory_space<vmem>>)
    %get3A = arith.constant 0 : index
    %get3A_320 = tpu.vector_load %arg5[%get3A] {strides = array<i32>} : memref<80xi32, #tpu.memory_space<vmem>>, vector<16xi32>,
    %get3A_321 = vector.shape_cast %get3A_320 : vector<16xi32> to vector<16xi32>
    %mul3A_322 = arith.constant 2 : i32
    %mul3A_323 = vector.broadcast %mul3A_322 : i32 to vector<16xi32>
    %mul3A_324 = arith.muli %get3A_321, %mul3A_323 : vector<16xi32>
    %add3A_325 = vector.broadcast %arg0 : i32 to vector<16xi32>
    %add3A_326 = arith.addi %mul3A_324, %add3A_325 : vector<16xi32>
    %swap3A = arith.constant 0 : index
    %swap3A_327 = tpu.vector_load %arg5[%swap3A] {strides = array<i32>} : memref<80xi32, #tpu.memory_space<vmem>>, vector<16xi32>,
    %swap3A_328 = vector.shape_cast %swap3A_327 : vector<16xi32> to vector<16xi32>
    %swap3A_329 = vector.shape_cast %add3A_326 : vector<16xi32> to vector<16xi32>
    tpu.vector_store %arg5[%swap3A], %swap3A_329 {strides = array<i32>} : memref<80xi32, #tpu.memory_space<vmem>>, vector<16xi32>,
    %get3A_330 = arith.constant 16 : index
    %get3A_331 = tpu.vector_load %arg5[%get3A_330] {strides = array<i32>} : memref<80xi32, #tpu.memory_space<vmem>>, vector<16xi32>,
    %get3A_332 = vector.shape_cast %get3A_331 : vector<16xi32> to vector<16xi32>
    %mul3A_333 = arith.constant 2 : i32
    %mul3A_334 = vector.broadcast %mul3A_333 : i32 to vector<16xi32>
    %mul3A_335 = arith.muli %get3A_332, %mul3A_334 : vector<16xi32>
    %add3A_336 = vector.broadcast %arg0 : i32 to vector<16xi32>
    %add3A_337 = arith.addi %mul3A_335, %add3A_336 : vector<16xi32>
    %swap3A_338 = arith.constant 16 : index
    %swap3A_339 = tpu.vector_load %arg5[%swap3A_338] {strides = array<i32>} : memref<80xi32, #tpu.memory_space<vmem>>, vector<16xi32>,
    %swap3A_340 = vector.shape_cast %swap3A_339 : vector<16xi32> to vector<16xi32>
    %swap3A_341 = vector.shape_cast %add3A_337 : vector<16xi32> to vector<16xi32>
    tpu.vector_store %arg5[%swap3A_338], %swap3A_341 {strides = array<i32>} : memref<80xi32, #tpu.memory_space<vmem>>, vector<16xi32>,
    %get3A_342 = arith.constant 32 : index
    %get3A_343 = tpu.vector_load %arg5[%get3A_342] {strides = array<i32>} : memref<80xi32, #tpu.memory_space<vmem>>, vector<16xi32>,
    %get3A_344 = vector.shape_cast %get3A_343 : vector<16xi32> to vector<16xi32>
    %mul3A_345 = arith.constant 2 : i32
    %mul3A_346 = vector.broadcast %mul3A_345 : i32 to vector<16xi32>
    %mul3A_347 = arith.muli %get3A_344, %mul3A_346 : vector<16xi32>
    %add3A_348 = vector.broadcast %arg0 : i32 to vector<16xi32>
    %add3A_349 = arith.addi %mul3A_347, %add3A_348 : vector<16xi32>
    %swap3A_350 = arith.constant 32 : index
    %swap3A_351 = tpu.vector_load %arg5[%swap3A_350] {strides = array<i32>} : memref<80xi32, #tpu.memory_space<vmem>>, vector<16xi32>,
    %swap3A_352 = vector.shape_cast %swap3A_351 : vector<16xi32> to vector<16xi32>
    %swap3A_353 = vector.shape_cast %add3A_349 : vector<16xi32> to vector<16xi32>
    tpu.vector_store %arg5[%swap3A_350], %swap3A_353 {strides = array<i32>} : memref<80xi32, #tpu.memory_space<vmem>>, vector<16xi32>,
    %get3A_354 = arith.constant 48 : index
    %get3A_355 = tpu.vector_load %arg5[%get3A_354] {strides = array<i32>} : memref<80xi32, #tpu.memory_space<vmem>>, vector<16xi32>,
    %get3A_356 = vector.shape_cast %get3A_355 : vector<16xi32> to vector<16xi32>
    %mul3A_357 = arith.constant 2 : i32
    %mul3A_358 = vector.broadcast %mul3A_357 : i32 to vector<16xi32>
    %mul3A_359 = arith.muli %get3A_356, %mul3A_358 : vector<16xi32>
    %add3A_360 = vector.broadcast %arg0 : i32 to vector<16xi32>
    %add3A_361 = arith.addi %mul3A_359, %add3A_360 : vector<16xi32>
    %swap3A_362 = arith.constant 48 : index
    %swap3A_363 = tpu.vector_load %arg5[%swap3A_362] {strides = array<i32>} : memref<80xi32, #tpu.memory_space<vmem>>, vector<16xi32>,
    %swap3A_364 = vector.shape_cast %swap3A_363 : vector<16xi32> to vector<16xi32>
    %swap3A_365 = vector.shape_cast %add3A_361 : vector<16xi32> to vector<16xi32>
    tpu.vector_store %arg5[%swap3A_362], %swap3A_365 {strides = array<i32>} : memref<80xi32, #tpu.memory_space<vmem>>, vector<16xi32>,
    %get3A_366 = arith.constant 64 : index
    %get3A_367 = tpu.vector_load %arg5[%get3A_366] {strides = array<i32>} : memref<80xi32, #tpu.memory_space<vmem>>, vector<16xi32>,
    %get3A_368 = vector.shape_cast %get3A_367 : vector<16xi32> to vector<16xi32>
    %mul3A_369 = arith.constant 2 : i32
    %mul3A_370 = vector.broadcast %mul3A_369 : i32 to vector<16xi32>
    %mul3A_371 = arith.muli %get3A_368, %mul3A_370 : vector<16xi32>
    %add3A_372 = vector.broadcast %arg0 : i32 to vector<16xi32>
    %add3A_373 = arith.addi %mul3A_371, %add3A_372 : vector<16xi32>
    %swap3A_374 = arith.constant 64 : index
    %swap3A_375 = tpu.vector_load %arg5[%swap3A_374] {strides = array<i32>} : memref<80xi32, #tpu.memory_space<vmem>>, vector<16xi32>,
    %swap3A_376 = vector.shape_cast %swap3A_375 : vector<16xi32> to vector<16xi32>
    %swap3A_377 = vector.shape_cast %add3A_373 : vector<16xi32> to vector<16xi32>
    tpu.vector_store %arg5[%swap3A_374], %swap3A_377 {strides = array<i32>} : memref<80xi32, #tpu.memory_space<vmem>>, vector<16xi32>,
    %mul3A_378 = arith.constant 10000 : i32
    %mul3A_379 = arith.muli %arg1, %mul3A_378 : i32
    %add3A_380 = arith.constant 80 : i32
    %add3A_381 = arith.addi %mul3A_379, %add3A_380 : i32
    %multiple_of3A_382 = tpu.assume_multiple %add3A_381, 8 : i32
    %dma_wait3A_383 = tpu.memref_slice %arg3[%multiple_of3A_382] : memref<320000xi32, #tpu.memory_space<hbm>> -> memref<80xi32, #tpu.memory_space<hbm>>
    %dma_wait3A_384 = tpu.memref_slice %arg3[%multiple_of3A_382] : memref<320000xi32, #tpu.memory_space<hbm>> -> memref<80xi32, #tpu.memory_space<hbm>>
    tpu.wait_dma2 semaphore(%arg28 : memref<!tpu.dma_semaphore, #tpu.memory_space<semaphore_mem>>) src(%dma_wait3A_384 : memref<80xi32, #tpu.memory_space<hbm>>) dst(%arg6 : memref<80xi32, #tpu.memory_space<vmem>>)
    %mul3A_385 = arith.constant 10000 : i32
    %mul3A_386 = arith.muli %arg1, %mul3A_385 : i32
    %add3A_387 = arith.constant 160000 : i32
    %add3A_388 = arith.addi %add3A_387, %mul3A_386 : i32
    %add3A_389 = arith.constant 80 : i32
    %add3A_390 = arith.addi %add3A_388, %add3A_389 : i32
    %multiple_of3A_391 = tpu.assume_multiple %add3A_390, 8 : i32
    %dma_wait3A_392 = tpu.memref_slice %arg3[%multiple_of3A_391] : memref<320000xi32, #tpu.memory_space<hbm>> -> memref<80xi32, #tpu.memory_space<hbm>>
    %dma_wait3A_393 = tpu.memref_slice %arg3[%multiple_of3A_391] : memref<320000xi32, #tpu.memory_space<hbm>> -> memref<80xi32, #tpu.memory_space<hbm>>
    tpu.wait_dma2 semaphore(%arg28 : memref<!tpu.dma_semaphore, #tpu.memory_space<semaphore_mem>>) src(%dma_wait3A_393 : memref<80xi32, #tpu.memory_space<hbm>>) dst(%arg14 : memref<80xi32, #tpu.memory_space<vmem>>)
    %get3A_394 = arith.constant 0 : index
    %get3A_395 = tpu.vector_load %arg6[%get3A_394] {strides = array<i32>} : memref<80xi32, #tpu.memory_space<vmem>>, vector<16xi32>,
    %get3A_396 = vector.shape_cast %get3A_395 : vector<16xi32> to vector<16xi32>
    %mul3A_397 = arith.constant 2 : i32
    %mul3A_398 = vector.broadcast %mul3A_397 : i32 to vector<16xi32>
    %mul3A_399 = arith.muli %get3A_396, %mul3A_398 : vector<16xi32>
    %add3A_400 = vector.broadcast %arg0 : i32 to vector<16xi32>
    %add3A_401 = arith.addi %mul3A_399, %add3A_400 : vector<16xi32>
    %swap3A_402 = arith.constant 0 : index
    %swap3A_403 = tpu.vector_load %arg6[%swap3A_402] {strides = array<i32>} : memref<80xi32, #tpu.memory_space<vmem>>, vector<16xi32>,
    %swap3A_404 = vector.shape_cast %swap3A_403 : vector<16xi32> to vector<16xi32>
    %swap3A_405 = vector.shape_cast %add3A_401 : vector<16xi32> to vector<16xi32>
    tpu.vector_store %arg6[%swap3A_402], %swap3A_405 {strides = array<i32>} : memref<80xi32, #tpu.memory_space<vmem>>, vector<16xi32>,
    %get3A_406 = arith.constant 16 : index
    %get3A_407 = tpu.vector_load %arg6[%get3A_406] {strides = array<i32>} : memref<80xi32, #tpu.memory_space<vmem>>, vector<16xi32>,
    %get3A_408 = vector.shape_cast %get3A_407 : vector<16xi32> to vector<16xi32>
    %mul3A_409 = arith.constant 2 : i32
    %mul3A_410 = vector.broadcast %mul3A_409 : i32 to vector<16xi32>
    %mul3A_411 = arith.muli %get3A_408, %mul3A_410 : vector<16xi32>
    %add3A_412 = vector.broadcast %arg0 : i32 to vector<16xi32>
    %add3A_413 = arith.addi %mul3A_411, %add3A_412 : vector<16xi32>
    %swap3A_414 = arith.constant 16 : index
    %swap3A_415 = tpu.vector_load %arg6[%swap3A_414] {strides = array<i32>} : memref<80xi32, #tpu.memory_space<vmem>>, vector<16xi32>,
    %swap3A_416 = vector.shape_cast %swap3A_415 : vector<16xi32> to vector<16xi32>
    %swap3A_417 = vector.shape_cast %add3A_413 : vector<16xi32> to vector<16xi32>
    tpu.vector_store %arg6[%swap3A_414], %swap3A_417 {strides = array<i32>} : memref<80xi32, #tpu.memory_space<vmem>>, vector<16xi32>,
    %get3A_418 = arith.constant 32 : index
    %get3A_419 = tpu.vector_load %arg6[%get3A_418] {strides = array<i32>} : memref<80xi32, #tpu.memory_space<vmem>>, vector<16xi32>,
    %get3A_420 = vector.shape_cast %get3A_419 : vector<16xi32> to vector<16xi32>
    %mul3A_421 = arith.constant 2 : i32
    %mul3A_422 = vector.broadcast %mul3A_421 : i32 to vector<16xi32>
    %mul3A_423 = arith.muli %get3A_420, %mul3A_422 : vector<16xi32>
    %add3A_424 = vector.broadcast %arg0 : i32 to vector<16xi32>
    %add3A_425 = arith.addi %mul3A_423, %add3A_424 : vector<16xi32>
    %swap3A_426 = arith.constant 32 : index
    %swap3A_427 = tpu.vector_load %arg6[%swap3A_426] {strides = array<i32>} : memref<80xi32, #tpu.memory_space<vmem>>, vector<16xi32>,
    %swap3A_428 = vector.shape_cast %swap3A_427 : vector<16xi32> to vector<16xi32>
    %swap3A_429 = vector.shape_cast %add3A_425 : vector<16xi32> to vector<16xi32>
    tpu.vector_store %arg6[%swap3A_426], %swap3A_429 {strides = array<i32>} : memref<80xi32, #tpu.memory_space<vmem>>, vector<16xi32>,
    %get3A_430 = arith.constant 48 : index
    %get3A_431 = tpu.vector_load %arg6[%get3A_430] {strides = array<i32>} : memref<80xi32, #tpu.memory_space<vmem>>, vector<16xi32>,
    %get3A_432 = vector.shape_cast %get3A_431 : vector<16xi32> to vector<16xi32>
    %mul3A_433 = arith.constant 2 : i32
    %mul3A_434 = vector.broadcast %mul3A_433 : i32 to vector<16xi32>
    %mul3A_435 = arith.muli %get3A_432, %mul3A_434 : vector<16xi32>
    %add3A_436 = vector.broadcast %arg0 : i32 to vector<16xi32>
    %add3A_437 = arith.addi %mul3A_435, %add3A_436 : vector<16xi32>
    %swap3A_438 = arith.constant 48 : index
    %swap3A_439 = tpu.vector_load %arg6[%swap3A_438] {strides = array<i32>} : memref<80xi32, #tpu.memory_space<vmem>>, vector<16xi32>,
    %swap3A_440 = vector.shape_cast %swap3A_439 : vector<16xi32> to vector<16xi32>
    %swap3A_441 = vector.shape_cast %add3A_437 : vector<16xi32> to vector<16xi32>
    tpu.vector_store %arg6[%swap3A_438], %swap3A_441 {strides = array<i32>} : memref<80xi32, #tpu.memory_space<vmem>>, vector<16xi32>,
    %get3A_442 = arith.constant 64 : index
    %get3A_443 = tpu.vector_load %arg6[%get3A_442] {strides = array<i32>} : memref<80xi32, #tpu.memory_space<vmem>>, vector<16xi32>,
    %get3A_444 = vector.shape_cast %get3A_443 : vector<16xi32> to vector<16xi32>
    %mul3A_445 = arith.constant 2 : i32
    %mul3A_446 = vector.broadcast %mul3A_445 : i32 to vector<16xi32>
    %mul3A_447 = arith.muli %get3A_444, %mul3A_446 : vector<16xi32>
    %add3A_448 = vector.broadcast %arg0 : i32 to vector<16xi32>
    %add3A_449 = arith.addi %mul3A_447, %add3A_448 : vector<16xi32>
    %swap3A_450 = arith.constant 64 : index
    %swap3A_451 = tpu.vector_load %arg6[%swap3A_450] {strides = array<i32>} : memref<80xi32, #tpu.memory_space<vmem>>, vector<16xi32>,
    %swap3A_452 = vector.shape_cast %swap3A_451 : vector<16xi32> to vector<16xi32>
    %swap3A_453 = vector.shape_cast %add3A_449 : vector<16xi32> to vector<16xi32>
    tpu.vector_store %arg6[%swap3A_450], %swap3A_453 {strides = array<i32>} : memref<80xi32, #tpu.memory_space<vmem>>, vector<16xi32>,
    %dma_start3A_454 = arith.constant 0 : i32
    %dma_start3A_455 = arith.constant 0 : i32
    %dma_start3A_456 = tpu.memref_slice %arg2[%dma_start3A_454, %dma_start3A_455] : memref<20000x128xf32, #tpu.memory_space<hbm>> -> memref<20000x128xf32, #tpu.memory_space<hbm>>
    tpu.enqueue_indirect_dma source(%dma_start3A_456 : memref<20000x128xf32, #tpu.memory_space<hbm>>) target(%arg21 : memref<80x128xf32, #tpu.memory_space<vmem>>) offsets(%arg5 : memref<80xi32, #tpu.memory_space<vmem>>) semaphore(%arg36 : memref<!tpu.dma_semaphore, #tpu.memory_space<semaphore_mem>>)
    %dma_start3A_457 = arith.constant 0 : i32
    %dma_start3A_458 = arith.constant 0 : i32
    %dma_start3A_459 = tpu.memref_slice %arg2[%dma_start3A_457, %dma_start3A_458] : memref<20000x128xf32, #tpu.memory_space<hbm>> -> memref<20000x128xf32, #tpu.memory_space<hbm>>
    tpu.enqueue_indirect_dma source(%dma_start3A_459 : memref<20000x128xf32, #tpu.memory_space<hbm>>) target(%arg22 : memref<80x128xf32, #tpu.memory_space<vmem>>) offsets(%arg6 : memref<80xi32, #tpu.memory_space<vmem>>) semaphore(%arg37 : memref<!tpu.dma_semaphore, #tpu.memory_space<semaphore_mem>>)
    %mul3A_460 = arith.constant 632 : i32
    %mul3A_461 = arith.muli %arg1, %mul3A_460 : i32
    %add3A_462 = arith.constant 0 : i32
    %add3A_463 = arith.addi %mul3A_461, %add3A_462 : i32
    %multiple_of3A_464 = tpu.assume_multiple %add3A_463, 8 : i32
    %dma_wait3A_465 = arith.constant 0 : i32
    %dma_wait3A_466 = arith.constant 0 : i32
    %dma_wait3A_467 = tpu.memref_slice %arg25[%dma_wait3A_465, %dma_wait3A_466] : memref<40x128xf32, #tpu.memory_space<vmem>> -> memref<40x128xf32, #tpu.memory_space<vmem>>
    %dma_wait3A_468 = arith.constant 0 : i32
    %dma_wait3A_469 = tpu.memref_slice %arg26[%multiple_of3A_464, %dma_wait3A_468] : memref<10112x128xf32, #tpu.memory_space<vmem_shared>> -> memref<40x128xf32, #tpu.memory_space<vmem_shared>>
    %dma_wait3A_470 = arith.constant 0 : i32
    %dma_wait3A_471 = tpu.memref_slice %arg26[%multiple_of3A_464, %dma_wait3A_470] : memref<10112x128xf32, #tpu.memory_space<vmem_shared>> -> memref<40x128xf32, #tpu.memory_space<vmem_shared>>
    %dma_wait3A_472 = arith.constant 0 : i32
    %dma_wait3A_473 = arith.constant 0 : i32
    %dma_wait3A_474 = tpu.memref_slice %arg25[%dma_wait3A_472, %dma_wait3A_473] : memref<40x128xf32, #tpu.memory_space<vmem>> -> memref<40x128xf32, #tpu.memory_space<vmem>>
    tpu.wait_dma2 semaphore(%arg35 : memref<!tpu.dma_semaphore, #tpu.memory_space<semaphore_mem>>) src(%dma_wait3A_474 : memref<40x128xf32, #tpu.memory_space<vmem>>) dst(%dma_wait3A_471 : memref<40x128xf32, #tpu.memory_space<vmem_shared>>)
    %mul3A_475 = arith.constant 632 : i32
    %mul3A_476 = arith.muli %arg1, %mul3A_475 : i32
    %add3A_477 = arith.constant 40 : i32
    %add3A_478 = arith.addi %mul3A_476, %add3A_477 : i32
    %multiple_of3A_479 = tpu.assume_multiple %add3A_478, 8 : i32
    %dma_wait3A_480 = arith.constant 0 : i32
    %dma_wait3A_481 = arith.constant 0 : i32
    %dma_wait3A_482 = tpu.memref_slice %arg25[%dma_wait3A_480, %dma_wait3A_481] : memref<40x128xf32, #tpu.memory_space<vmem>> -> memref<40x128xf32, #tpu.memory_space<vmem>>
    %dma_wait3A_483 = arith.constant 0 : i32
    %dma_wait3A_484 = tpu.memref_slice %arg26[%multiple_of3A_479, %dma_wait3A_483] : memref<10112x128xf32, #tpu.memory_space<vmem_shared>> -> memref<40x128xf32, #tpu.memory_space<vmem_shared>>
    %dma_wait3A_485 = arith.constant 0 : i32
    %dma_wait3A_486 = tpu.memref_slice %arg26[%multiple_of3A_479, %dma_wait3A_485] : memref<10112x128xf32, #tpu.memory_space<vmem_shared>> -> memref<40x128xf32, #tpu.memory_space<vmem_shared>>
    %dma_wait3A_487 = arith.constant 0 : i32
    %dma_wait3A_488 = arith.constant 0 : i32
    %dma_wait3A_489 = tpu.memref_slice %arg25[%dma_wait3A_487, %dma_wait3A_488] : memref<40x128xf32, #tpu.memory_space<vmem>> -> memref<40x128xf32, #tpu.memory_space<vmem>>
    tpu.wait_dma2 semaphore(%arg35 : memref<!tpu.dma_semaphore, #tpu.memory_space<semaphore_mem>>) src(%dma_wait3A_489 : memref<40x128xf32, #tpu.memory_space<vmem>>) dst(%dma_wait3A_486 : memref<40x128xf32, #tpu.memory_space<vmem_shared>>)
    %mul3A_490 = arith.constant 632 : i32
    %mul3A_491 = arith.muli %arg1, %mul3A_490 : i32
    %add3A_492 = arith.constant 80 : i32
    %add3A_493 = arith.addi %mul3A_491, %add3A_492 : i32
    %multiple_of3A_494 = tpu.assume_multiple %add3A_493, 8 : i32
    %dma_wait3A_495 = arith.constant 0 : i32
    %dma_wait3A_496 = arith.constant 0 : i32
    %dma_wait3A_497 = tpu.memref_slice %arg25[%dma_wait3A_495, %dma_wait3A_496] : memref<40x128xf32, #tpu.memory_space<vmem>> -> memref<40x128xf32, #tpu.memory_space<vmem>>
    %dma_wait3A_498 = arith.constant 0 : i32
    %dma_wait3A_499 = tpu.memref_slice %arg26[%multiple_of3A_494, %dma_wait3A_498] : memref<10112x128xf32, #tpu.memory_space<vmem_shared>> -> memref<40x128xf32, #tpu.memory_space<vmem_shared>>
    %dma_wait3A_500 = arith.constant 0 : i32
    %dma_wait3A_501 = tpu.memref_slice %arg26[%multiple_of3A_494, %dma_wait3A_500] : memref<10112x128xf32, #tpu.memory_space<vmem_shared>> -> memref<40x128xf32, #tpu.memory_space<vmem_shared>>
    %dma_wait3A_502 = arith.constant 0 : i32
    %dma_wait3A_503 = arith.constant 0 : i32
    %dma_wait3A_504 = tpu.memref_slice %arg25[%dma_wait3A_502, %dma_wait3A_503] : memref<40x128xf32, #tpu.memory_space<vmem>> -> memref<40x128xf32, #tpu.memory_space<vmem>>
    tpu.wait_dma2 semaphore(%arg35 : memref<!tpu.dma_semaphore, #tpu.memory_space<semaphore_mem>>) src(%dma_wait3A_504 : memref<40x128xf32, #tpu.memory_space<vmem>>) dst(%dma_wait3A_501 : memref<40x128xf32, #tpu.memory_space<vmem_shared>>)
    %mul3A_505 = arith.constant 632 : i32
    %mul3A_506 = arith.muli %arg1, %mul3A_505 : i32
    %add3A_507 = arith.constant 120 : i32
    %add3A_508 = arith.addi %mul3A_506, %add3A_507 : i32
    %multiple_of3A_509 = tpu.assume_multiple %add3A_508, 8 : i32
    %dma_wait3A_510 = arith.constant 0 : i32
    %dma_wait3A_511 = arith.constant 0 : i32
    %dma_wait3A_512 = tpu.memref_slice %arg25[%dma_wait3A_510, %dma_wait3A_511] : memref<40x128xf32, #tpu.memory_space<vmem>> -> memref<40x128xf32, #tpu.memory_space<vmem>>
    %dma_wait3A_513 = arith.constant 0 : i32
    %dma_wait3A_514 = tpu.memref_slice %arg26[%multiple_of3A_509, %dma_wait3A_513] : memref<10112x128xf32, #tpu.memory_space<vmem_shared>> -> memref<40x128xf32, #tpu.memory_space<vmem_shared>>
    %dma_wait3A_515 = arith.constant 0 : i32
    %dma_wait3A_516 = tpu.memref_slice %arg26[%multiple_of3A_509, %dma_wait3A_515] : memref<10112x128xf32, #tpu.memory_space<vmem_shared>> -> memref<40x128xf32, #tpu.memory_space<vmem_shared>>
    %dma_wait3A_517 = arith.constant 0 : i32
    %dma_wait3A_518 = arith.constant 0 : i32
    %dma_wait3A_519 = tpu.memref_slice %arg25[%dma_wait3A_517, %dma_wait3A_518] : memref<40x128xf32, #tpu.memory_space<vmem>> -> memref<40x128xf32, #tpu.memory_space<vmem>>
    tpu.wait_dma2 semaphore(%arg35 : memref<!tpu.dma_semaphore, #tpu.memory_space<semaphore_mem>>) src(%dma_wait3A_519 : memref<40x128xf32, #tpu.memory_space<vmem>>) dst(%dma_wait3A_516 : memref<40x128xf32, #tpu.memory_space<vmem_shared>>)
    %mul3A_520 = arith.constant 632 : i32
    %mul3A_521 = arith.muli %arg1, %mul3A_520 : i32
    %add3A_522 = arith.constant 160 : i32
    %add3A_523 = arith.addi %mul3A_521, %add3A_522 : i32
    %multiple_of3A_524 = tpu.assume_multiple %add3A_523, 8 : i32
    %dma_wait3A_525 = arith.constant 0 : i32
    %dma_wait3A_526 = arith.constant 0 : i32
    %dma_wait3A_527 = tpu.memref_slice %arg25[%dma_wait3A_525, %dma_wait3A_526] : memref<40x128xf32, #tpu.memory_space<vmem>> -> memref<40x128xf32, #tpu.memory_space<vmem>>
    %dma_wait3A_528 = arith.constant 0 : i32
    %dma_wait3A_529 = tpu.memref_slice %arg26[%multiple_of3A_524, %dma_wait3A_528] : memref<10112x128xf32, #tpu.memory_space<vmem_shared>> -> memref<40x128xf32, #tpu.memory_space<vmem_shared>>
    %dma_wait3A_530 = arith.constant 0 : i32
    %dma_wait3A_531 = tpu.memref_slice %arg26[%multiple_of3A_524, %dma_wait3A_530] : memref<10112x128xf32, #tpu.memory_space<vmem_shared>> -> memref<40x128xf32, #tpu.memory_space<vmem_shared>>
    %dma_wait3A_532 = arith.constant 0 : i32
    %dma_wait3A_533 = arith.constant 0 : i32
    %dma_wait3A_534 = tpu.memref_slice %arg25[%dma_wait3A_532, %dma_wait3A_533] : memref<40x128xf32, #tpu.memory_space<vmem>> -> memref<40x128xf32, #tpu.memory_space<vmem>>
    tpu.wait_dma2 semaphore(%arg35 : memref<!tpu.dma_semaphore, #tpu.memory_space<semaphore_mem>>) src(%dma_wait3A_534 : memref<40x128xf32, #tpu.memory_space<vmem>>) dst(%dma_wait3A_531 : memref<40x128xf32, #tpu.memory_space<vmem_shared>>)
    %mul3A_535 = arith.constant 632 : i32
    %mul3A_536 = arith.muli %arg1, %mul3A_535 : i32
    %add3A_537 = arith.constant 200 : i32
    %add3A_538 = arith.addi %mul3A_536, %add3A_537 : i32
    %multiple_of3A_539 = tpu.assume_multiple %add3A_538, 8 : i32
    %dma_wait3A_540 = arith.constant 0 : i32
    %dma_wait3A_541 = arith.constant 0 : i32
    %dma_wait3A_542 = tpu.memref_slice %arg25[%dma_wait3A_540, %dma_wait3A_541] : memref<40x128xf32, #tpu.memory_space<vmem>> -> memref<40x128xf32, #tpu.memory_space<vmem>>
    %dma_wait3A_543 = arith.constant 0 : i32
    %dma_wait3A_544 = tpu.memref_slice %arg26[%multiple_of3A_539, %dma_wait3A_543] : memref<10112x128xf32, #tpu.memory_space<vmem_shared>> -> memref<40x128xf32, #tpu.memory_space<vmem_shared>>
    %dma_wait3A_545 = arith.constant 0 : i32
    %dma_wait3A_546 = tpu.memref_slice %arg26[%multiple_of3A_539, %dma_wait3A_545] : memref<10112x128xf32, #tpu.memory_space<vmem_shared>> -> memref<40x128xf32, #tpu.memory_space<vmem_shared>>
    %dma_wait3A_547 = arith.constant 0 : i32
    %dma_wait3A_548 = arith.constant 0 : i32
    %dma_wait3A_549 = tpu.memref_slice %arg25[%dma_wait3A_547, %dma_wait3A_548] : memref<40x128xf32, #tpu.memory_space<vmem>> -> memref<40x128xf32, #tpu.memory_space<vmem>>
    tpu.wait_dma2 semaphore(%arg35 : memref<!tpu.dma_semaphore, #tpu.memory_space<semaphore_mem>>) src(%dma_wait3A_549 : memref<40x128xf32, #tpu.memory_space<vmem>>) dst(%dma_wait3A_546 : memref<40x128xf32, #tpu.memory_space<vmem_shared>>)
    %mul3A_550 = arith.constant 632 : i32
    %mul3A_551 = arith.muli %arg1, %mul3A_550 : i32
    %add3A_552 = arith.constant 240 : i32
    %add3A_553 = arith.addi %mul3A_551, %add3A_552 : i32
    %multiple_of3A_554 = tpu.assume_multiple %add3A_553, 8 : i32
    %dma_wait3A_555 = arith.constant 0 : i32
    %dma_wait3A_556 = arith.constant 0 : i32
    %dma_wait3A_557 = tpu.memref_slice %arg25[%dma_wait3A_555, %dma_wait3A_556] : memref<40x128xf32, #tpu.memory_space<vmem>> -> memref<40x128xf32, #tpu.memory_space<vmem>>
    %dma_wait3A_558 = arith.constant 0 : i32
    %dma_wait3A_559 = tpu.memref_slice %arg26[%multiple_of3A_554, %dma_wait3A_558] : memref<10112x128xf32, #tpu.memory_space<vmem_shared>> -> memref<40x128xf32, #tpu.memory_space<vmem_shared>>
    %dma_wait3A_560 = arith.constant 0 : i32
    %dma_wait3A_561 = tpu.memref_slice %arg26[%multiple_of3A_554, %dma_wait3A_560] : memref<10112x128xf32, #tpu.memory_space<vmem_shared>> -> memref<40x128xf32, #tpu.memory_space<vmem_shared>>
    %dma_wait3A_562 = arith.constant 0 : i32
    %dma_wait3A_563 = arith.constant 0 : i32
    %dma_wait3A_564 = tpu.memref_slice %arg25[%dma_wait3A_562, %dma_wait3A_563] : memref<40x128xf32, #tpu.memory_space<vmem>> -> memref<40x128xf32, #tpu.memory_space<vmem>>
    tpu.wait_dma2 semaphore(%arg35 : memref<!tpu.dma_semaphore, #tpu.memory_space<semaphore_mem>>) src(%dma_wait3A_564 : memref<40x128xf32, #tpu.memory_space<vmem>>) dst(%dma_wait3A_561 : memref<40x128xf32, #tpu.memory_space<vmem_shared>>)
    %mul3A_565 = arith.constant 632 : i32
    %mul3A_566 = arith.muli %arg1, %mul3A_565 : i32
    %add3A_567 = arith.constant 280 : i32
    %add3A_568 = arith.addi %mul3A_566, %add3A_567 : i32
    %multiple_of3A_569 = tpu.assume_multiple %add3A_568, 8 : i32
    %dma_wait3A_570 = arith.constant 0 : i32
    %dma_wait3A_571 = arith.constant 0 : i32
    %dma_wait3A_572 = tpu.memref_slice %arg25[%dma_wait3A_570, %dma_wait3A_571] : memref<40x128xf32, #tpu.memory_space<vmem>> -> memref<40x128xf32, #tpu.memory_space<vmem>>
    %dma_wait3A_573 = arith.constant 0 : i32
    %dma_wait3A_574 = tpu.memref_slice %arg26[%multiple_of3A_569, %dma_wait3A_573] : memref<10112x128xf32, #tpu.memory_space<vmem_shared>> -> memref<40x128xf32, #tpu.memory_space<vmem_shared>>
    %dma_wait3A_575 = arith.constant 0 : i32
    %dma_wait3A_576 = tpu.memref_slice %arg26[%multiple_of3A_569, %dma_wait3A_575] : memref<10112x128xf32, #tpu.memory_space<vmem_shared>> -> memref<40x128xf32, #tpu.memory_space<vmem_shared>>
    %dma_wait3A_577 = arith.constant 0 : i32
    %dma_wait3A_578 = arith.constant 0 : i32
    %dma_wait3A_579 = tpu.memref_slice %arg25[%dma_wait3A_577, %dma_wait3A_578] : memref<40x128xf32, #tpu.memory_space<vmem>> -> memref<40x128xf32, #tpu.memory_space<vmem>>
    tpu.wait_dma2 semaphore(%arg35 : memref<!tpu.dma_semaphore, #tpu.memory_space<semaphore_mem>>) src(%dma_wait3A_579 : memref<40x128xf32, #tpu.memory_space<vmem>>) dst(%dma_wait3A_576 : memref<40x128xf32, #tpu.memory_space<vmem_shared>>)
    %mul3A_580 = arith.constant 632 : i32
    %mul3A_581 = arith.muli %arg1, %mul3A_580 : i32
    %add3A_582 = arith.constant 320 : i32
    %add3A_583 = arith.addi %mul3A_581, %add3A_582 : i32
    %multiple_of3A_584 = tpu.assume_multiple %add3A_583, 8 : i32
    %dma_wait3A_585 = arith.constant 0 : i32
    %dma_wait3A_586 = arith.constant 0 : i32
    %dma_wait3A_587 = tpu.memref_slice %arg25[%dma_wait3A_585, %dma_wait3A_586] : memref<40x128xf32, #tpu.memory_space<vmem>> -> memref<40x128xf32, #tpu.memory_space<vmem>>
    %dma_wait3A_588 = arith.constant 0 : i32
    %dma_wait3A_589 = tpu.memref_slice %arg26[%multiple_of3A_584, %dma_wait3A_588] : memref<10112x128xf32, #tpu.memory_space<vmem_shared>> -> memref<40x128xf32, #tpu.memory_space<vmem_shared>>
    %dma_wait3A_590 = arith.constant 0 : i32
    %dma_wait3A_591 = tpu.memref_slice %arg26[%multiple_of3A_584, %dma_wait3A_590] : memref<10112x128xf32, #tpu.memory_space<vmem_shared>> -> memref<40x128xf32, #tpu.memory_space<vmem_shared>>
    %dma_wait3A_592 = arith.constant 0 : i32
    %dma_wait3A_593 = arith.constant 0 : i32
    %dma_wait3A_594 = tpu.memref_slice %arg25[%dma_wait3A_592, %dma_wait3A_593] : memref<40x128xf32, #tpu.memory_space<vmem>> -> memref<40x128xf32, #tpu.memory_space<vmem>>
    tpu.wait_dma2 semaphore(%arg35 : memref<!tpu.dma_semaphore, #tpu.memory_space<semaphore_mem>>) src(%dma_wait3A_594 : memref<40x128xf32, #tpu.memory_space<vmem>>) dst(%dma_wait3A_591 : memref<40x128xf32, #tpu.memory_space<vmem_shared>>)
    %mul3A_595 = arith.constant 632 : i32
    %mul3A_596 = arith.muli %arg1, %mul3A_595 : i32
    %add3A_597 = arith.constant 360 : i32
    %add3A_598 = arith.addi %mul3A_596, %add3A_597 : i32
    %multiple_of3A_599 = tpu.assume_multiple %add3A_598, 8 : i32
    %dma_wait3A_600 = arith.constant 0 : i32
    %dma_wait3A_601 = arith.constant 0 : i32
    %dma_wait3A_602 = tpu.memref_slice %arg25[%dma_wait3A_600, %dma_wait3A_601] : memref<40x128xf32, #tpu.memory_space<vmem>> -> memref<40x128xf32, #tpu.memory_space<vmem>>
    %dma_wait3A_603 = arith.constant 0 : i32
    %dma_wait3A_604 = tpu.memref_slice %arg26[%multiple_of3A_599, %dma_wait3A_603] : memref<10112x128xf32, #tpu.memory_space<vmem_shared>> -> memref<40x128xf32, #tpu.memory_space<vmem_shared>>
    %dma_wait3A_605 = arith.constant 0 : i32
    %dma_wait3A_606 = tpu.memref_slice %arg26[%multiple_of3A_599, %dma_wait3A_605] : memref<10112x128xf32, #tpu.memory_space<vmem_shared>> -> memref<40x128xf32, #tpu.memory_space<vmem_shared>>
    %dma_wait3A_607 = arith.constant 0 : i32
    %dma_wait3A_608 = arith.constant 0 : i32
    %dma_wait3A_609 = tpu.memref_slice %arg25[%dma_wait3A_607, %dma_wait3A_608] : memref<40x128xf32, #tpu.memory_space<vmem>> -> memref<40x128xf32, #tpu.memory_space<vmem>>
    tpu.wait_dma2 semaphore(%arg35 : memref<!tpu.dma_semaphore, #tpu.memory_space<semaphore_mem>>) src(%dma_wait3A_609 : memref<40x128xf32, #tpu.memory_space<vmem>>) dst(%dma_wait3A_606 : memref<40x128xf32, #tpu.memory_space<vmem_shared>>)
    %mul3A_610 = arith.constant 632 : i32
    %mul3A_611 = arith.muli %arg1, %mul3A_610 : i32
    %add3A_612 = arith.constant 400 : i32
    %add3A_613 = arith.addi %mul3A_611, %add3A_612 : i32
    %multiple_of3A_614 = tpu.assume_multiple %add3A_613, 8 : i32
    %dma_wait3A_615 = arith.constant 0 : i32
    %dma_wait3A_616 = arith.constant 0 : i32
    %dma_wait3A_617 = tpu.memref_slice %arg25[%dma_wait3A_615, %dma_wait3A_616] : memref<40x128xf32, #tpu.memory_space<vmem>> -> memref<40x128xf32, #tpu.memory_space<vmem>>
    %dma_wait3A_618 = arith.constant 0 : i32
    %dma_wait3A_619 = tpu.memref_slice %arg26[%multiple_of3A_614, %dma_wait3A_618] : memref<10112x128xf32, #tpu.memory_space<vmem_shared>> -> memref<40x128xf32, #tpu.memory_space<vmem_shared>>
    %dma_wait3A_620 = arith.constant 0 : i32
    %dma_wait3A_621 = tpu.memref_slice %arg26[%multiple_of3A_614, %dma_wait3A_620] : memref<10112x128xf32, #tpu.memory_space<vmem_shared>> -> memref<40x128xf32, #tpu.memory_space<vmem_shared>>
    %dma_wait3A_622 = arith.constant 0 : i32
    %dma_wait3A_623 = arith.constant 0 : i32
    %dma_wait3A_624 = tpu.memref_slice %arg25[%dma_wait3A_622, %dma_wait3A_623] : memref<40x128xf32, #tpu.memory_space<vmem>> -> memref<40x128xf32, #tpu.memory_space<vmem>>
    tpu.wait_dma2 semaphore(%arg35 : memref<!tpu.dma_semaphore, #tpu.memory_space<semaphore_mem>>) src(%dma_wait3A_624 : memref<40x128xf32, #tpu.memory_space<vmem>>) dst(%dma_wait3A_621 : memref<40x128xf32, #tpu.memory_space<vmem_shared>>)
    %mul3A_625 = arith.constant 632 : i32
    %mul3A_626 = arith.muli %arg1, %mul3A_625 : i32
    %add3A_627 = arith.constant 440 : i32
    %add3A_628 = arith.addi %mul3A_626, %add3A_627 : i32
    %multiple_of3A_629 = tpu.assume_multiple %add3A_628, 8 : i32
    %dma_wait3A_630 = arith.constant 0 : i32
    %dma_wait3A_631 = arith.constant 0 : i32
    %dma_wait3A_632 = tpu.memref_slice %arg25[%dma_wait3A_630, %dma_wait3A_631] : memref<40x128xf32, #tpu.memory_space<vmem>> -> memref<40x128xf32, #tpu.memory_space<vmem>>
    %dma_wait3A_633 = arith.constant 0 : i32
    %dma_wait3A_634 = tpu.memref_slice %arg26[%multiple_of3A_629, %dma_wait3A_633] : memref<10112x128xf32, #tpu.memory_space<vmem_shared>> -> memref<40x128xf32, #tpu.memory_space<vmem_shared>>
    %dma_wait3A_635 = arith.constant 0 : i32
    %dma_wait3A_636 = tpu.memref_slice %arg26[%multiple_of3A_629, %dma_wait3A_635] : memref<10112x128xf32, #tpu.memory_space<vmem_shared>> -> memref<40x128xf32, #tpu.memory_space<vmem_shared>>
    %dma_wait3A_637 = arith.constant 0 : i32
    %dma_wait3A_638 = arith.constant 0 : i32
    %dma_wait3A_639 = tpu.memref_slice %arg25[%dma_wait3A_637, %dma_wait3A_638] : memref<40x128xf32, #tpu.memory_space<vmem>> -> memref<40x128xf32, #tpu.memory_space<vmem>>
    tpu.wait_dma2 semaphore(%arg35 : memref<!tpu.dma_semaphore, #tpu.memory_space<semaphore_mem>>) src(%dma_wait3A_639 : memref<40x128xf32, #tpu.memory_space<vmem>>) dst(%dma_wait3A_636 : memref<40x128xf32, #tpu.memory_space<vmem_shared>>)
    %mul3A_640 = arith.constant 632 : i32
    %mul3A_641 = arith.muli %arg1, %mul3A_640 : i32
    %add3A_642 = arith.constant 480 : i32
    %add3A_643 = arith.addi %mul3A_641, %add3A_642 : i32
    %multiple_of3A_644 = tpu.assume_multiple %add3A_643, 8 : i32
    %dma_wait3A_645 = arith.constant 0 : i32
    %dma_wait3A_646 = arith.constant 0 : i32
    %dma_wait3A_647 = tpu.memref_slice %arg25[%dma_wait3A_645, %dma_wait3A_646] : memref<40x128xf32, #tpu.memory_space<vmem>> -> memref<40x128xf32, #tpu.memory_space<vmem>>
    %dma_wait3A_648 = arith.constant 0 : i32
    %dma_wait3A_649 = tpu.memref_slice %arg26[%multiple_of3A_644, %dma_wait3A_648] : memref<10112x128xf32, #tpu.memory_space<vmem_shared>> -> memref<40x128xf32, #tpu.memory_space<vmem_shared>>
    %dma_wait3A_650 = arith.constant 0 : i32
    %dma_wait3A_651 = tpu.memref_slice %arg26[%multiple_of3A_644, %dma_wait3A_650] : memref<10112x128xf32, #tpu.memory_space<vmem_shared>> -> memref<40x128xf32, #tpu.memory_space<vmem_shared>>
    %dma_wait3A_652 = arith.constant 0 : i32
    %dma_wait3A_653 = arith.constant 0 : i32
    %dma_wait3A_654 = tpu.memref_slice %arg25[%dma_wait3A_652, %dma_wait3A_653] : memref<40x128xf32, #tpu.memory_space<vmem>> -> memref<40x128xf32, #tpu.memory_space<vmem>>
    tpu.wait_dma2 semaphore(%arg35 : memref<!tpu.dma_semaphore, #tpu.memory_space<semaphore_mem>>) src(%dma_wait3A_654 : memref<40x128xf32, #tpu.memory_space<vmem>>) dst(%dma_wait3A_651 : memref<40x128xf32, #tpu.memory_space<vmem_shared>>)
    %mul3A_655 = arith.constant 632 : i32
    %mul3A_656 = arith.muli %arg1, %mul3A_655 : i32
    %add3A_657 = arith.constant 520 : i32
    %add3A_658 = arith.addi %mul3A_656, %add3A_657 : i32
    %multiple_of3A_659 = tpu.assume_multiple %add3A_658, 8 : i32
    %dma_wait3A_660 = arith.constant 0 : i32
    %dma_wait3A_661 = arith.constant 0 : i32
    %dma_wait3A_662 = tpu.memref_slice %arg25[%dma_wait3A_660, %dma_wait3A_661] : memref<40x128xf32, #tpu.memory_space<vmem>> -> memref<40x128xf32, #tpu.memory_space<vmem>>
    %dma_wait3A_663 = arith.constant 0 : i32
    %dma_wait3A_664 = tpu.memref_slice %arg26[%multiple_of3A_659, %dma_wait3A_663] : memref<10112x128xf32, #tpu.memory_space<vmem_shared>> -> memref<40x128xf32, #tpu.memory_space<vmem_shared>>
    %dma_wait3A_665 = arith.constant 0 : i32
    %dma_wait3A_666 = tpu.memref_slice %arg26[%multiple_of3A_659, %dma_wait3A_665] : memref<10112x128xf32, #tpu.memory_space<vmem_shared>> -> memref<40x128xf32, #tpu.memory_space<vmem_shared>>
    %dma_wait3A_667 = arith.constant 0 : i32
    %dma_wait3A_668 = arith.constant 0 : i32
    %dma_wait3A_669 = tpu.memref_slice %arg25[%dma_wait3A_667, %dma_wait3A_668] : memref<40x128xf32, #tpu.memory_space<vmem>> -> memref<40x128xf32, #tpu.memory_space<vmem>>
    tpu.wait_dma2 semaphore(%arg35 : memref<!tpu.dma_semaphore, #tpu.memory_space<semaphore_mem>>) src(%dma_wait3A_669 : memref<40x128xf32, #tpu.memory_space<vmem>>) dst(%dma_wait3A_666 : memref<40x128xf32, #tpu.memory_space<vmem_shared>>)
    %mul3A_670 = arith.constant 632 : i32
    %mul3A_671 = arith.muli %arg1, %mul3A_670 : i32
    %add3A_672 = arith.constant 560 : i32
    %add3A_673 = arith.addi %mul3A_671, %add3A_672 : i32
    %multiple_of3A_674 = tpu.assume_multiple %add3A_673, 8 : i32
    %dma_wait3A_675 = arith.constant 0 : i32
    %dma_wait3A_676 = arith.constant 0 : i32
    %dma_wait3A_677 = tpu.memref_slice %arg25[%dma_wait3A_675, %dma_wait3A_676] : memref<40x128xf32, #tpu.memory_space<vmem>> -> memref<40x128xf32, #tpu.memory_space<vmem>>
    %dma_wait3A_678 = arith.constant 0 : i32
    %dma_wait3A_679 = tpu.memref_slice %arg26[%multiple_of3A_674, %dma_wait3A_678] : memref<10112x128xf32, #tpu.memory_space<vmem_shared>> -> memref<40x128xf32, #tpu.memory_space<vmem_shared>>
    %dma_wait3A_680 = arith.constant 0 : i32
    %dma_wait3A_681 = tpu.memref_slice %arg26[%multiple_of3A_674, %dma_wait3A_680] : memref<10112x128xf32, #tpu.memory_space<vmem_shared>> -> memref<40x128xf32, #tpu.memory_space<vmem_shared>>
    %dma_wait3A_682 = arith.constant 0 : i32
    %dma_wait3A_683 = arith.constant 0 : i32
    %dma_wait3A_684 = tpu.memref_slice %arg25[%dma_wait3A_682, %dma_wait3A_683] : memref<40x128xf32, #tpu.memory_space<vmem>> -> memref<40x128xf32, #tpu.memory_space<vmem>>
    tpu.wait_dma2 semaphore(%arg35 : memref<!tpu.dma_semaphore, #tpu.memory_space<semaphore_mem>>) src(%dma_wait3A_684 : memref<40x128xf32, #tpu.memory_space<vmem>>) dst(%dma_wait3A_681 : memref<40x128xf32, #tpu.memory_space<vmem_shared>>)
    %mul3A_685 = arith.constant 632 : i32
    %mul3A_686 = arith.muli %arg1, %mul3A_685 : i32
    %add3A_687 = arith.constant 600 : i32
    %add3A_688 = arith.addi %mul3A_686, %add3A_687 : i32
    %multiple_of3A_689 = tpu.assume_multiple %add3A_688, 8 : i32
    %dma_wait3A_690 = arith.constant 0 : i32
    %dma_wait3A_691 = arith.constant 0 : i32
    %dma_wait3A_692 = tpu.memref_slice %arg25[%dma_wait3A_690, %dma_wait3A_691] : memref<40x128xf32, #tpu.memory_space<vmem>> -> memref<32x128xf32, #tpu.memory_space<vmem>>
    %dma_wait3A_693 = arith.constant 0 : i32
    %dma_wait3A_694 = tpu.memref_slice %arg26[%multiple_of3A_689, %dma_wait3A_693] : memref<10112x128xf32, #tpu.memory_space<vmem_shared>> -> memref<32x128xf32, #tpu.memory_space<vmem_shared>>
    %dma_wait3A_695 = arith.constant 0 : i32
    %dma_wait3A_696 = tpu.memref_slice %arg26[%multiple_of3A_689, %dma_wait3A_695] : memref<10112x128xf32, #tpu.memory_space<vmem_shared>> -> memref<32x128xf32, #tpu.memory_space<vmem_shared>>
    %dma_wait3A_697 = arith.constant 0 : i32
    %dma_wait3A_698 = arith.constant 0 : i32
    %dma_wait3A_699 = tpu.memref_slice %arg25[%dma_wait3A_697, %dma_wait3A_698] : memref<40x128xf32, #tpu.memory_space<vmem>> -> memref<32x128xf32, #tpu.memory_space<vmem>>
    tpu.wait_dma2 semaphore(%arg35 : memref<!tpu.dma_semaphore, #tpu.memory_space<semaphore_mem>>) src(%dma_wait3A_699 : memref<32x128xf32, #tpu.memory_space<vmem>>) dst(%dma_wait3A_696 : memref<32x128xf32, #tpu.memory_space<vmem_shared>>)
    %barrier3A = arith.constant 0 : index
    tpu.barrier barrier_id(%barrier3A)
    %mul3A_700 = arith.constant 10000 : i32
    %mul3A_701 = arith.muli %arg1, %mul3A_700 : i32
    %add3A_702 = arith.constant 160 : i32
    %add3A_703 = arith.addi %mul3A_701, %add3A_702 : i32
    %multiple_of3A_704 = tpu.assume_multiple %add3A_703, 8 : i32
    %dma_wait3A_705 = tpu.memref_slice %arg3[%multiple_of3A_704] : memref<320000xi32, #tpu.memory_space<hbm>> -> memref<80xi32, #tpu.memory_space<hbm>>
    %dma_wait3A_706 = tpu.memref_slice %arg3[%multiple_of3A_704] : memref<320000xi32, #tpu.memory_space<hbm>> -> memref<80xi32, #tpu.memory_space<hbm>>
    tpu.wait_dma2 semaphore(%arg29 : memref<!tpu.dma_semaphore, #tpu.memory_space<semaphore_mem>>) src(%dma_wait3A_706 : memref<80xi32, #tpu.memory_space<hbm>>) dst(%arg7 : memref<80xi32, #tpu.memory_space<vmem>>)
    %mul3A_707 = arith.constant 10000 : i32
    %mul3A_708 = arith.muli %arg1, %mul3A_707 : i32
    %add3A_709 = arith.constant 160000 : i32
    %add3A_710 = arith.addi %add3A_709, %mul3A_708 : i32
    %add3A_711 = arith.constant 160 : i32
    %add3A_712 = arith.addi %add3A_710, %add3A_711 : i32
    %multiple_of3A_713 = tpu.assume_multiple %add3A_712, 8 : i32
    %dma_wait3A_714 = tpu.memref_slice %arg3[%multiple_of3A_713] : memref<320000xi32, #tpu.memory_space<hbm>> -> memref<80xi32, #tpu.memory_space<hbm>>
    %dma_wait3A_715 = tpu.memref_slice %arg3[%multiple_of3A_713] : memref<320000xi32, #tpu.memory_space<hbm>> -> memref<80xi32, #tpu.memory_space<hbm>>
    tpu.wait_dma2 semaphore(%arg29 : memref<!tpu.dma_semaphore, #tpu.memory_space<semaphore_mem>>) src(%dma_wait3A_715 : memref<80xi32, #tpu.memory_space<hbm>>) dst(%arg15 : memref<80xi32, #tpu.memory_space<vmem>>)
    %get3A_716 = arith.constant 0 : index
    %get3A_717 = tpu.vector_load %arg7[%get3A_716] {strides = array<i32>} : memref<80xi32, #tpu.memory_space<vmem>>, vector<16xi32>,
    %get3A_718 = vector.shape_cast %get3A_717 : vector<16xi32> to vector<16xi32>
    %mul3A_719 = arith.constant 2 : i32
    %mul3A_720 = vector.broadcast %mul3A_719 : i32 to vector<16xi32>
    %mul3A_721 = arith.muli %get3A_718, %mul3A_720 : vector<16xi32>
    %add3A_722 = vector.broadcast %arg0 : i32 to vector<16xi32>
    %add3A_723 = arith.addi %mul3A_721, %add3A_722 : vector<16xi32>
    %swap3A_724 = arith.constant 0 : index
    %swap3A_725 = tpu.vector_load %arg7[%swap3A_724] {strides = array<i32>} : memref<80xi32, #tpu.memory_space<vmem>>, vector<16xi32>,
    %swap3A_726 = vector.shape_cast %swap3A_725 : vector<16xi32> to vector<16xi32>
    %swap3A_727 = vector.shape_cast %add3A_723 : vector<16xi32> to vector<16xi32>
    tpu.vector_store %arg7[%swap3A_724], %swap3A_727 {strides = array<i32>} : memref<80xi32, #tpu.memory_space<vmem>>, vector<16xi32>,
    %get3A_728 = arith.constant 16 : index
    %get3A_729 = tpu.vector_load %arg7[%get3A_728] {strides = array<i32>} : memref<80xi32, #tpu.memory_space<vmem>>, vector<16xi32>,
    %get3A_730 = vector.shape_cast %get3A_729 : vector<16xi32> to vector<16xi32>
    %mul3A_731 = arith.constant 2 : i32
    %mul3A_732 = vector.broadcast %mul3A_731 : i32 to vector<16xi32>
    %mul3A_733 = arith.muli %get3A_730, %mul3A_732 : vector<16xi32>
    %add3A_734 = vector.broadcast %arg0 : i32 to vector<16xi32>
    %add3A_735 = arith.addi %mul3A_733, %add3A_734 : vector<16xi32>
    %swap3A_736 = arith.constant 16 : index
    %swap3A_737 = tpu.vector_load %arg7[%swap3A_736] {strides = array<i32>} : memref<80xi32, #tpu.memory_space<vmem>>, vector<16xi32>,
    %swap3A_738 = vector.shape_cast %swap3A_737 : vector<16xi32> to vector<16xi32>
    %swap3A_739 = vector.shape_cast %add3A_735 : vector<16xi32> to vector<16xi32>
    tpu.vector_store %arg7[%swap3A_736], %swap3A_739 {strides = array<i32>} : memref<80xi32, #tpu.memory_space<vmem>>, vector<16xi32>,
    %get3A_740 = arith.constant 32 : index
    %get3A_741 = tpu.vector_load %arg7[%get3A_740] {strides = array<i32>} : memref<80xi32, #tpu.memory_space<vmem>>, vector<16xi32>,
    %get3A_742 = vector.shape_cast %get3A_741 : vector<16xi32> to vector<16xi32>
    %mul3A_743 = arith.constant 2 : i32
    %mul3A_744 = vector.broadcast %mul3A_743 : i32 to vector<16xi32>
    %mul3A_745 = arith.muli %get3A_742, %mul3A_744 : vector<16xi32>
    %add3A_746 = vector.broadcast %arg0 : i32 to vector<16xi32>
    %add3A_747 = arith.addi %mul3A_745, %add3A_746 : vector<16xi32>
    %swap3A_748 = arith.constant 32 : index
    %swap3A_749 = tpu.vector_load %arg7[%swap3A_748] {strides = array<i32>} : memref<80xi32, #tpu.memory_space<vmem>>, vector<16xi32>,
    %swap3A_750 = vector.shape_cast %swap3A_749 : vector<16xi32> to vector<16xi32>
    %swap3A_751 = vector.shape_cast %add3A_747 : vector<16xi32> to vector<16xi32>
    tpu.vector_store %arg7[%swap3A_748], %swap3A_751 {strides = array<i32>} : memref<80xi32, #tpu.memory_space<vmem>>, vector<16xi32>,
    %get3A_752 = arith.constant 48 : index
    %get3A_753 = tpu.vector_load %arg7[%get3A_752] {strides = array<i32>} : memref<80xi32, #tpu.memory_space<vmem>>, vector<16xi32>,
    %get3A_754 = vector.shape_cast %get3A_753 : vector<16xi32> to vector<16xi32>
    %mul3A_755 = arith.constant 2 : i32
    %mul3A_756 = vector.broadcast %mul3A_755 : i32 to vector<16xi32>
    %mul3A_757 = arith.muli %get3A_754, %mul3A_756 : vector<16xi32>
    %add3A_758 = vector.broadcast %arg0 : i32 to vector<16xi32>
    %add3A_759 = arith.addi %mul3A_757, %add3A_758 : vector<16xi32>
    %swap3A_760 = arith.constant 48 : index
    %swap3A_761 = tpu.vector_load %arg7[%swap3A_760] {strides = array<i32>} : memref<80xi32, #tpu.memory_space<vmem>>, vector<16xi32>,
    %swap3A_762 = vector.shape_cast %swap3A_761 : vector<16xi32> to vector<16xi32>
    %swap3A_763 = vector.shape_cast %add3A_759 : vector<16xi32> to vector<16xi32>
    tpu.vector_store %arg7[%swap3A_760], %swap3A_763 {strides = array<i32>} : memref<80xi32, #tpu.memory_space<vmem>>, vector<16xi32>,
    %get3A_764 = arith.constant 64 : index
    %get3A_765 = tpu.vector_load %arg7[%get3A_764] {strides = array<i32>} : memref<80xi32, #tpu.memory_space<vmem>>, vector<16xi32>,
    %get3A_766 = vector.shape_cast %get3A_765 : vector<16xi32> to vector<16xi32>
    %mul3A_767 = arith.constant 2 : i32
    %mul3A_768 = vector.broadcast %mul3A_767 : i32 to vector<16xi32>
    %mul3A_769 = arith.muli %get3A_766, %mul3A_768 : vector<16xi32>
    %add3A_770 = vector.broadcast %arg0 : i32 to vector<16xi32>
    %add3A_771 = arith.addi %mul3A_769, %add3A_770 : vector<16xi32>
    %swap3A_772 = arith.constant 64 : index
    %swap3A_773 = tpu.vector_load %arg7[%swap3A_772] {strides = array<i32>} : memref<80xi32, #tpu.memory_space<vmem>>, vector<16xi32>,
    %swap3A_774 = vector.shape_cast %swap3A_773 : vector<16xi32> to vector<16xi32>
    %swap3A_775 = vector.shape_cast %add3A_771 : vector<16xi32> to vector<16xi32>
    tpu.vector_store %arg7[%swap3A_772], %swap3A_775 {strides = array<i32>} : memref<80xi32, #tpu.memory_space<vmem>>, vector<16xi32>,
    %dma_start3A_776 = arith.constant 0 : i32
    %dma_start3A_777 = arith.constant 0 : i32
    %dma_start3A_778 = tpu.memref_slice %arg2[%dma_start3A_776, %dma_start3A_777] : memref<20000x128xf32, #tpu.memory_space<hbm>> -> memref<20000x128xf32, #tpu.memory_space<hbm>>
    tpu.enqueue_indirect_dma source(%dma_start3A_778 : memref<20000x128xf32, #tpu.memory_space<hbm>>) target(%arg23 : memref<80x128xf32, #tpu.memory_space<vmem>>) offsets(%arg7 : memref<80xi32, #tpu.memory_space<vmem>>) semaphore(%arg38 : memref<!tpu.dma_semaphore, #tpu.memory_space<semaphore_mem>>)
    %dma_wait3A_779 = arith.constant 0 : i32
    %dma_wait3A_780 = arith.constant 0 : i32
    %dma_wait3A_781 = tpu.memref_slice %arg2[%dma_wait3A_779, %dma_wait3A_780] : memref<20000x128xf32, #tpu.memory_space<hbm>> -> memref<20000x128xf32, #tpu.memory_space<hbm>>
    tpu.wait_indirect_dma semaphore(%arg36 : memref<!tpu.dma_semaphore, #tpu.memory_space<semaphore_mem>>) src(%dma_wait3A_781 : memref<20000x128xf32, #tpu.memory_space<hbm>>) dst(%arg21 : memref<80x128xf32, #tpu.memory_space<vmem>>)
    %dma_start3A_782 = arith.constant 0 : i32
    %dma_start3A_783 = arith.constant 0 : i32
    %dma_start3A_784 = tpu.memref_slice %arg26[%dma_start3A_782, %dma_start3A_783] : memref<10112x128xf32, #tpu.memory_space<vmem_shared>> -> memref<10112x128xf32, #tpu.memory_space<vmem_shared>>
    tpu.enqueue_indirect_dma source(%arg21 : memref<80x128xf32, #tpu.memory_space<vmem>>) target(%dma_start3A_784 : memref<10112x128xf32, #tpu.memory_space<vmem_shared>>) offsets(%arg13 : memref<80xi32, #tpu.memory_space<vmem>>) semaphore(%arg40 : memref<!tpu.dma_semaphore, #tpu.memory_space<semaphore_mem>>) {add = true}
    %mul3A_785 = arith.constant 10000 : i32
    %mul3A_786 = arith.muli %arg1, %mul3A_785 : i32
    %add3A_787 = arith.constant 320 : i32
    %add3A_788 = arith.addi %mul3A_786, %add3A_787 : i32
    %multiple_of3A_789 = tpu.assume_multiple %add3A_788, 8 : i32
    %dma_start3A_790 = tpu.memref_slice %arg3[%multiple_of3A_789] : memref<320000xi32, #tpu.memory_space<hbm>> -> memref<80xi32, #tpu.memory_space<hbm>>
    %dma_start3A_791 = tpu.memref_slice %arg3[%multiple_of3A_789] : memref<320000xi32, #tpu.memory_space<hbm>> -> memref<80xi32, #tpu.memory_space<hbm>>
    tpu.enqueue_dma source(%dma_start3A_791 : memref<80xi32, #tpu.memory_space<hbm>>) target(%arg9 : memref<80xi32, #tpu.memory_space<vmem>>) target_semaphore(%arg31 : memref<!tpu.dma_semaphore, #tpu.memory_space<semaphore_mem>>)
    %mul3A_792 = arith.constant 10000 : i32
    %mul3A_793 = arith.muli %arg1, %mul3A_792 : i32
    %add3A_794 = arith.constant 160000 : i32
    %add3A_795 = arith.addi %add3A_794, %mul3A_793 : i32
    %add3A_796 = arith.constant 320 : i32
    %add3A_797 = arith.addi %add3A_795, %add3A_796 : i32
    %multiple_of3A_798 = tpu.assume_multiple %add3A_797, 8 : i32
    %dma_start3A_799 = tpu.memref_slice %arg3[%multiple_of3A_798] : memref<320000xi32, #tpu.memory_space<hbm>> -> memref<80xi32, #tpu.memory_space<hbm>>
    %dma_start3A_800 = tpu.memref_slice %arg3[%multiple_of3A_798] : memref<320000xi32, #tpu.memory_space<hbm>> -> memref<80xi32, #tpu.memory_space<hbm>>
    tpu.enqueue_dma source(%dma_start3A_800 : memref<80xi32, #tpu.memory_space<hbm>>) target(%arg17 : memref<80xi32, #tpu.memory_space<vmem>>) target_semaphore(%arg31 : memref<!tpu.dma_semaphore, #tpu.memory_space<semaphore_mem>>)
    %mul3A_801 = arith.constant 10000 : i32
    %mul3A_802 = arith.muli %arg1, %mul3A_801 : i32
    %add3A_803 = arith.constant 240 : i32
    %add3A_804 = arith.addi %mul3A_802, %add3A_803 : i32
    %multiple_of3A_805 = tpu.assume_multiple %add3A_804, 8 : i32
    %dma_wait3A_806 = tpu.memref_slice %arg3[%multiple_of3A_805] : memref<320000xi32, #tpu.memory_space<hbm>> -> memref<80xi32, #tpu.memory_space<hbm>>
    %dma_wait3A_807 = tpu.memref_slice %arg3[%multiple_of3A_805] : memref<320000xi32, #tpu.memory_space<hbm>> -> memref<80xi32, #tpu.memory_space<hbm>>
    tpu.wait_dma2 semaphore(%arg30 : memref<!tpu.dma_semaphore, #tpu.memory_space<semaphore_mem>>) src(%dma_wait3A_807 : memref<80xi32, #tpu.memory_space<hbm>>) dst(%arg8 : memref<80xi32, #tpu.memory_space<vmem>>)
    %mul3A_808 = arith.constant 10000 : i32
    %mul3A_809 = arith.muli %arg1, %mul3A_808 : i32
    %add3A_810 = arith.constant 160000 : i32
    %add3A_811 = arith.addi %add3A_810, %mul3A_809 : i32
    %add3A_812 = arith.constant 240 : i32
    %add3A_813 = arith.addi %add3A_811, %add3A_812 : i32
    %multiple_of3A_814 = tpu.assume_multiple %add3A_813, 8 : i32
    %dma_wait3A_815 = tpu.memref_slice %arg3[%multiple_of3A_814] : memref<320000xi32, #tpu.memory_space<hbm>> -> memref<80xi32, #tpu.memory_space<hbm>>
    %dma_wait3A_816 = tpu.memref_slice %arg3[%multiple_of3A_814] : memref<320000xi32, #tpu.memory_space<hbm>> -> memref<80xi32, #tpu.memory_space<hbm>>
    tpu.wait_dma2 semaphore(%arg30 : memref<!tpu.dma_semaphore, #tpu.memory_space<semaphore_mem>>) src(%dma_wait3A_816 : memref<80xi32, #tpu.memory_space<hbm>>) dst(%arg16 : memref<80xi32, #tpu.memory_space<vmem>>)
    %get3A_817 = arith.constant 0 : index
    %get3A_818 = tpu.vector_load %arg8[%get3A_817] {strides = array<i32>} : memref<80xi32, #tpu.memory_space<vmem>>, vector<16xi32>,
    %get3A_819 = vector.shape_cast %get3A_818 : vector<16xi32> to vector<16xi32>
    %mul3A_820 = arith.constant 2 : i32
    %mul3A_821 = vector.broadcast %mul3A_820 : i32 to vector<16xi32>
    %mul3A_822 = arith.muli %get3A_819, %mul3A_821 : vector<16xi32>
    %add3A_823 = vector.broadcast %arg0 : i32 to vector<16xi32>
    %add3A_824 = arith.addi %mul3A_822, %add3A_823 : vector<16xi32>
    %swap3A_825 = arith.constant 0 : index
    %swap3A_826 = tpu.vector_load %arg8[%swap3A_825] {strides = array<i32>} : memref<80xi32, #tpu.memory_space<vmem>>, vector<16xi32>,
    %swap3A_827 = vector.shape_cast %swap3A_826 : vector<16xi32> to vector<16xi32>
    %swap3A_828 = vector.shape_cast %add3A_824 : vector<16xi32> to vector<16xi32>
    tpu.vector_store %arg8[%swap3A_825], %swap3A_828 {strides = array<i32>} : memref<80xi32, #tpu.memory_space<vmem>>, vector<16xi32>,
    %get3A_829 = arith.constant 16 : index
    %get3A_830 = tpu.vector_load %arg8[%get3A_829] {strides = array<i32>} : memref<80xi32, #tpu.memory_space<vmem>>, vector<16xi32>,
    %get3A_831 = vector.shape_cast %get3A_830 : vector<16xi32> to vector<16xi32>
    %mul3A_832 = arith.constant 2 : i32
    %mul3A_833 = vector.broadcast %mul3A_832 : i32 to vector<16xi32>
    %mul3A_834 = arith.muli %get3A_831, %mul3A_833 : vector<16xi32>
    %add3A_835 = vector.broadcast %arg0 : i32 to vector<16xi32>
    %add3A_836 = arith.addi %mul3A_834, %add3A_835 : vector<16xi32>
    %swap3A_837 = arith.constant 16 : index
    %swap3A_838 = tpu.vector_load %arg8[%swap3A_837] {strides = array<i32>} : memref<80xi32, #tpu.memory_space<vmem>>, vector<16xi32>,
    %swap3A_839 = vector.shape_cast %swap3A_838 : vector<16xi32> to vector<16xi32>
    %swap3A_840 = vector.shape_cast %add3A_836 : vector<16xi32> to vector<16xi32>
    tpu.vector_store %arg8[%swap3A_837], %swap3A_840 {strides = array<i32>} : memref<80xi32, #tpu.memory_space<vmem>>, vector<16xi32>,
    %get3A_841 = arith.constant 32 : index
    %get3A_842 = tpu.vector_load %arg8[%get3A_841] {strides = array<i32>} : memref<80xi32, #tpu.memory_space<vmem>>, vector<16xi32>,
    %get3A_843 = vector.shape_cast %get3A_842 : vector<16xi32> to vector<16xi32>
    %mul3A_844 = arith.constant 2 : i32
    %mul3A_845 = vector.broadcast %mul3A_844 : i32 to vector<16xi32>
    %mul3A_846 = arith.muli %get3A_843, %mul3A_845 : vector<16xi32>
    %add3A_847 = vector.broadcast %arg0 : i32 to vector<16xi32>
    %add3A_848 = arith.addi %mul3A_846, %add3A_847 : vector<16xi32>
    %swap3A_849 = arith.constant 32 : index
    %swap3A_850 = tpu.vector_load %arg8[%swap3A_849] {strides = array<i32>} : memref<80xi32, #tpu.memory_space<vmem>>, vector<16xi32>,
    %swap3A_851 = vector.shape_cast %swap3A_850 : vector<16xi32> to vector<16xi32>
    %swap3A_852 = vector.shape_cast %add3A_848 : vector<16xi32> to vector<16xi32>
    tpu.vector_store %arg8[%swap3A_849], %swap3A_852 {strides = array<i32>} : memref<80xi32, #tpu.memory_space<vmem>>, vector<16xi32>,
    %get3A_853 = arith.constant 48 : index
    %get3A_854 = tpu.vector_load %arg8[%get3A_853] {strides = array<i32>} : memref<80xi32, #tpu.memory_space<vmem>>, vector<16xi32>,
    %get3A_855 = vector.shape_cast %get3A_854 : vector<16xi32> to vector<16xi32>
    %mul3A_856 = arith.constant 2 : i32
    %mul3A_857 = vector.broadcast %mul3A_856 : i32 to vector<16xi32>
    %mul3A_858 = arith.muli %get3A_855, %mul3A_857 : vector<16xi32>
    %add3A_859 = vector.broadcast %arg0 : i32 to vector<16xi32>
    %add3A_860 = arith.addi %mul3A_858, %add3A_859 : vector<16xi32>
    %swap3A_861 = arith.constant 48 : index
    %swap3A_862 = tpu.vector_load %arg8[%swap3A_861] {strides = array<i32>} : memref<80xi32, #tpu.memory_space<vmem>>, vector<16xi32>,
    %swap3A_863 = vector.shape_cast %swap3A_862 : vector<16xi32> to vector<16xi32>
    %swap3A_864 = vector.shape_cast %add3A_860 : vector<16xi32> to vector<16xi32>
    tpu.vector_store %arg8[%swap3A_861], %swap3A_864 {strides = array<i32>} : memref<80xi32, #tpu.memory_space<vmem>>, vector<16xi32>,
    %get3A_865 = arith.constant 64 : index
    %get3A_866 = tpu.vector_load %arg8[%get3A_865] {strides = array<i32>} : memref<80xi32, #tpu.memory_space<vmem>>, vector<16xi32>,
    %get3A_867 = vector.shape_cast %get3A_866 : vector<16xi32> to vector<16xi32>
    %mul3A_868 = arith.constant 2 : i32
    %mul3A_869 = vector.broadcast %mul3A_868 : i32 to vector<16xi32>
    %mul3A_870 = arith.muli %get3A_867, %mul3A_869 : vector<16xi32>
    %add3A_871 = vector.broadcast %arg0 : i32 to vector<16xi32>
    %add3A_872 = arith.addi %mul3A_870, %add3A_871 : vector<16xi32>
    %swap3A_873 = arith.constant 64 : index
    %swap3A_874 = tpu.vector_load %arg8[%swap3A_873] {strides = array<i32>} : memref<80xi32, #tpu.memory_space<vmem>>, vector<16xi32>,
    %swap3A_875 = vector.shape_cast %swap3A_874 : vector<16xi32> to vector<16xi32>
    %swap3A_876 = vector.shape_cast %add3A_872 : vector<16xi32> to vector<16xi32>
    tpu.vector_store %arg8[%swap3A_873], %swap3A_876 {strides = array<i32>} : memref<80xi32, #tpu.memory_space<vmem>>, vector<16xi32>,
    %dma_start3A_877 = arith.constant 0 : i32
    %dma_start3A_878 = arith.constant 0 : i32
    %dma_start3A_879 = tpu.memref_slice %arg2[%dma_start3A_877, %dma_start3A_878] : memref<20000x128xf32, #tpu.memory_space<hbm>> -> memref<20000x128xf32, #tpu.memory_space<hbm>>
    tpu.enqueue_indirect_dma source(%dma_start3A_879 : memref<20000x128xf32, #tpu.memory_space<hbm>>) target(%arg24 : memref<80x128xf32, #tpu.memory_space<vmem>>) offsets(%arg8 : memref<80xi32, #tpu.memory_space<vmem>>) semaphore(%arg39 : memref<!tpu.dma_semaphore, #tpu.memory_space<semaphore_mem>>)
    %dma_wait3A_880 = arith.constant 0 : i32
    %dma_wait3A_881 = arith.constant 0 : i32
    %dma_wait3A_882 = tpu.memref_slice %arg2[%dma_wait3A_880, %dma_wait3A_881] : memref<20000x128xf32, #tpu.memory_space<hbm>> -> memref<20000x128xf32, #tpu.memory_space<hbm>>
    tpu.wait_indirect_dma semaphore(%arg37 : memref<!tpu.dma_semaphore, #tpu.memory_space<semaphore_mem>>) src(%dma_wait3A_882 : memref<20000x128xf32, #tpu.memory_space<hbm>>) dst(%arg22 : memref<80x128xf32, #tpu.memory_space<vmem>>)
    %dma_start3A_883 = arith.constant 0 : i32
    %dma_start3A_884 = arith.constant 0 : i32
    %dma_start3A_885 = tpu.memref_slice %arg26[%dma_start3A_883, %dma_start3A_884] : memref<10112x128xf32, #tpu.memory_space<vmem_shared>> -> memref<10112x128xf32, #tpu.memory_space<vmem_shared>>
    tpu.enqueue_indirect_dma source(%arg22 : memref<80x128xf32, #tpu.memory_space<vmem>>) target(%dma_start3A_885 : memref<10112x128xf32, #tpu.memory_space<vmem_shared>>) offsets(%arg14 : memref<80xi32, #tpu.memory_space<vmem>>) semaphore(%arg41 : memref<!tpu.dma_semaphore, #tpu.memory_space<semaphore_mem>>) {add = true}
    %mul3A_886 = arith.constant 10000 : i32
    %mul3A_887 = arith.muli %arg1, %mul3A_886 : i32
    %add3A_888 = arith.constant 400 : i32
    %add3A_889 = arith.addi %mul3A_887, %add3A_888 : i32
    %multiple_of3A_890 = tpu.assume_multiple %add3A_889, 8 : i32
    %dma_start3A_891 = tpu.memref_slice %arg3[%multiple_of3A_890] : memref<320000xi32, #tpu.memory_space<hbm>> -> memref<80xi32, #tpu.memory_space<hbm>>
    %dma_start3A_892 = tpu.memref_slice %arg3[%multiple_of3A_890] : memref<320000xi32, #tpu.memory_space<hbm>> -> memref<80xi32, #tpu.memory_space<hbm>>
    tpu.enqueue_dma source(%dma_start3A_892 : memref<80xi32, #tpu.memory_space<hbm>>) target(%arg10 : memref<80xi32, #tpu.memory_space<vmem>>) target_semaphore(%arg32 : memref<!tpu.dma_semaphore, #tpu.memory_space<semaphore_mem>>)
    %mul3A_893 = arith.constant 10000 : i32
    %mul3A_894 = arith.muli %arg1, %mul3A_893 : i32
    %add3A_895 = arith.constant 160000 : i32
    %add3A_896 = arith.addi %add3A_895, %mul3A_894 : i32
    %add3A_897 = arith.constant 400 : i32
    %add3A_898 = arith.addi %add3A_896, %add3A_897 : i32
    %multiple_of3A_899 = tpu.assume_multiple %add3A_898, 8 : i32
    %dma_start3A_900 = tpu.memref_slice %arg3[%multiple_of3A_899] : memref<320000xi32, #tpu.memory_space<hbm>> -> memref<80xi32, #tpu.memory_space<hbm>>
    %dma_start3A_901 = tpu.memref_slice %arg3[%multiple_of3A_899] : memref<320000xi32, #tpu.memory_space<hbm>> -> memref<80xi32, #tpu.memory_space<hbm>>
    tpu.enqueue_dma source(%dma_start3A_901 : memref<80xi32, #tpu.memory_space<hbm>>) target(%arg18 : memref<80xi32, #tpu.memory_space<vmem>>) target_semaphore(%arg32 : memref<!tpu.dma_semaphore, #tpu.memory_space<semaphore_mem>>)
    %scan3A_902 = arith.constant 0 : i32
    %scan3A_903 = arith.constant 0 : i32
    %scan3A_904 = arith.constant 15 : i32
    %scan3A_905 = arith.addi %scan3A_903, %scan3A_904 : i32
    %scan3A_906 = arith.constant 1 : i32
    scf.for %scan3A_1033 = %scan3A_903 to %scan3A_905 step %scan3A_906  : i32 {
      %mul3A_1034 = arith.constant 8 : i32
      %mul3A_1035 = arith.muli %scan3A_1033, %mul3A_1034 : i32
      %add3A_1036 = arith.constant 2 : i32
      %add3A_1037 = arith.addi %add3A_1036, %mul3A_1035 : i32
      %add3A_1038 = arith.constant 0 : i32
      %add3A_1039 = arith.addi %add3A_1037, %add3A_1038 : i32
      %add3A_1040 = arith.constant 2 : i32
      %add3A_1041 = arith.addi %add3A_1039, %add3A_1040 : i32
      %mul3A_1042 = arith.constant 10000 : i32
      %mul3A_1043 = arith.muli %arg1, %mul3A_1042 : i32
      %mul3A_1044 = arith.constant 80 : i32
      %mul3A_1045 = arith.muli %add3A_1041, %mul3A_1044 : i32
      %add3A_1046 = arith.addi %mul3A_1043, %mul3A_1045 : i32
      %multiple_of3A_1047 = tpu.assume_multiple %add3A_1046, 8 : i32
      %dma_wait3A_1048 = tpu.memref_slice %arg3[%multiple_of3A_1047] : memref<320000xi32, #tpu.memory_space<hbm>> -> memref<80xi32, #tpu.memory_space<hbm>>
      %dma_wait3A_1049 = tpu.memref_slice %arg3[%multiple_of3A_1047] : memref<320000xi32, #tpu.memory_space<hbm>> -> memref<80xi32, #tpu.memory_space<hbm>>
      tpu.wait_dma2 semaphore(%arg31 : memref<!tpu.dma_semaphore, #tpu.memory_space<semaphore_mem>>) src(%dma_wait3A_1049 : memref<80xi32, #tpu.memory_space<hbm>>) dst(%arg9 : memref<80xi32, #tpu.memory_space<vmem>>)
      %mul3A_1050 = arith.constant 10000 : i32
      %mul3A_1051 = arith.muli %arg1, %mul3A_1050 : i32
      %add3A_1052 = arith.constant 160000 : i32
      %add3A_1053 = arith.addi %add3A_1052, %mul3A_1051 : i32
      %mul3A_1054 = arith.constant 80 : i32
      %mul3A_1055 = arith.muli %add3A_1041, %mul3A_1054 : i32
      %add3A_1056 = arith.addi %add3A_1053, %mul3A_1055 : i32
      %multiple_of3A_1057 = tpu.assume_multiple %add3A_1056, 8 : i32
      %dma_wait3A_1058 = tpu.memref_slice %arg3[%multiple_of3A_1057] : memref<320000xi32, #tpu.memory_space<hbm>> -> memref<80xi32, #tpu.memory_space<hbm>>
      %dma_wait3A_1059 = tpu.memref_slice %arg3[%multiple_of3A_1057] : memref<320000xi32, #tpu.memory_space<hbm>> -> memref<80xi32, #tpu.memory_space<hbm>>
      tpu.wait_dma2 semaphore(%arg31 : memref<!tpu.dma_semaphore, #tpu.memory_space<semaphore_mem>>) src(%dma_wait3A_1059 : memref<80xi32, #tpu.memory_space<hbm>>) dst(%arg17 : memref<80xi32, #tpu.memory_space<vmem>>)
      %get3A_1060 = arith.constant 0 : index
      %get3A_1061 = tpu.vector_load %arg9[%get3A_1060] {strides = array<i32>} : memref<80xi32, #tpu.memory_space<vmem>>, vector<16xi32>,
      %get3A_1062 = vector.shape_cast %get3A_1061 : vector<16xi32> to vector<16xi32>
      %mul3A_1063 = arith.constant 2 : i32
      %mul3A_1064 = vector.broadcast %mul3A_1063 : i32 to vector<16xi32>
      %mul3A_1065 = arith.muli %get3A_1062, %mul3A_1064 : vector<16xi32>
      %add3A_1066 = vector.broadcast %arg0 : i32 to vector<16xi32>
      %add3A_1067 = arith.addi %mul3A_1065, %add3A_1066 : vector<16xi32>
      %swap3A_1068 = arith.constant 0 : index
      %swap3A_1069 = tpu.vector_load %arg9[%swap3A_1068] {strides = array<i32>} : memref<80xi32, #tpu.memory_space<vmem>>, vector<16xi32>,
      %swap3A_1070 = vector.shape_cast %swap3A_1069 : vector<16xi32> to vector<16xi32>
      %swap3A_1071 = vector.shape_cast %add3A_1067 : vector<16xi32> to vector<16xi32>
      tpu.vector_store %arg9[%swap3A_1068], %swap3A_1071 {strides = array<i32>} : memref<80xi32, #tpu.memory_space<vmem>>, vector<16xi32>,
      %get3A_1072 = arith.constant 16 : index
      %get3A_1073 = tpu.vector_load %arg9[%get3A_1072] {strides = array<i32>} : memref<80xi32, #tpu.memory_space<vmem>>, vector<16xi32>,
      %get3A_1074 = vector.shape_cast %get3A_1073 : vector<16xi32> to vector<16xi32>
      %mul3A_1075 = arith.constant 2 : i32
      %mul3A_1076 = vector.broadcast %mul3A_1075 : i32 to vector<16xi32>
      %mul3A_1077 = arith.muli %get3A_1074, %mul3A_1076 : vector<16xi32>
      %add3A_1078 = vector.broadcast %arg0 : i32 to vector<16xi32>
      %add3A_1079 = arith.addi %mul3A_1077, %add3A_1078 : vector<16xi32>
      %swap3A_1080 = arith.constant 16 : index
      %swap3A_1081 = tpu.vector_load %arg9[%swap3A_1080] {strides = array<i32>} : memref<80xi32, #tpu.memory_space<vmem>>, vector<16xi32>,
      %swap3A_1082 = vector.shape_cast %swap3A_1081 : vector<16xi32> to vector<16xi32>
      %swap3A_1083 = vector.shape_cast %add3A_1079 : vector<16xi32> to vector<16xi32>
      tpu.vector_store %arg9[%swap3A_1080], %swap3A_1083 {strides = array<i32>} : memref<80xi32, #tpu.memory_space<vmem>>, vector<16xi32>,
      %get3A_1084 = arith.constant 32 : index
      %get3A_1085 = tpu.vector_load %arg9[%get3A_1084] {strides = array<i32>} : memref<80xi32, #tpu.memory_space<vmem>>, vector<16xi32>,
      %get3A_1086 = vector.shape_cast %get3A_1085 : vector<16xi32> to vector<16xi32>
      %mul3A_1087 = arith.constant 2 : i32
      %mul3A_1088 = vector.broadcast %mul3A_1087 : i32 to vector<16xi32>
      %mul3A_1089 = arith.muli %get3A_1086, %mul3A_1088 : vector<16xi32>
      %add3A_1090 = vector.broadcast %arg0 : i32 to vector<16xi32>
      %add3A_1091 = arith.addi %mul3A_1089, %add3A_1090 : vector<16xi32>
      %swap3A_1092 = arith.constant 32 : index
      %swap3A_1093 = tpu.vector_load %arg9[%swap3A_1092] {strides = array<i32>} : memref<80xi32, #tpu.memory_space<vmem>>, vector<16xi32>,
      %swap3A_1094 = vector.shape_cast %swap3A_1093 : vector<16xi32> to vector<16xi32>
      %swap3A_1095 = vector.shape_cast %add3A_1091 : vector<16xi32> to vector<16xi32>
      tpu.vector_store %arg9[%swap3A_1092], %swap3A_1095 {strides = array<i32>} : memref<80xi32, #tpu.memory_space<vmem>>, vector<16xi32>,
      %get3A_1096 = arith.constant 48 : index
      %get3A_1097 = tpu.vector_load %arg9[%get3A_1096] {strides = array<i32>} : memref<80xi32, #tpu.memory_space<vmem>>, vector<16xi32>,
      %get3A_1098 = vector.shape_cast %get3A_1097 : vector<16xi32> to vector<16xi32>
      %mul3A_1099 = arith.constant 2 : i32
      %mul3A_1100 = vector.broadcast %mul3A_1099 : i32 to vector<16xi32>
      %mul3A_1101 = arith.muli %get3A_1098, %mul3A_1100 : vector<16xi32>
      %add3A_1102 = vector.broadcast %arg0 : i32 to vector<16xi32>
      %add3A_1103 = arith.addi %mul3A_1101, %add3A_1102 : vector<16xi32>
      %swap3A_1104 = arith.constant 48 : index
      %swap3A_1105 = tpu.vector_load %arg9[%swap3A_1104] {strides = array<i32>} : memref<80xi32, #tpu.memory_space<vmem>>, vector<16xi32>,
      %swap3A_1106 = vector.shape_cast %swap3A_1105 : vector<16xi32> to vector<16xi32>
      %swap3A_1107 = vector.shape_cast %add3A_1103 : vector<16xi32> to vector<16xi32>
      tpu.vector_store %arg9[%swap3A_1104], %swap3A_1107 {strides = array<i32>} : memref<80xi32, #tpu.memory_space<vmem>>, vector<16xi32>,
      %get3A_1108 = arith.constant 64 : index
      %get3A_1109 = tpu.vector_load %arg9[%get3A_1108] {strides = array<i32>} : memref<80xi32, #tpu.memory_space<vmem>>, vector<16xi32>,
      %get3A_1110 = vector.shape_cast %get3A_1109 : vector<16xi32> to vector<16xi32>
      %mul3A_1111 = arith.constant 2 : i32
      %mul3A_1112 = vector.broadcast %mul3A_1111 : i32 to vector<16xi32>
      %mul3A_1113 = arith.muli %get3A_1110, %mul3A_1112 : vector<16xi32>
      %add3A_1114 = vector.broadcast %arg0 : i32 to vector<16xi32>
      %add3A_1115 = arith.addi %mul3A_1113, %add3A_1114 : vector<16xi32>
      %swap3A_1116 = arith.constant 64 : index
      %swap3A_1117 = tpu.vector_load %arg9[%swap3A_1116] {strides = array<i32>} : memref<80xi32, #tpu.memory_space<vmem>>, vector<16xi32>,
      %swap3A_1118 = vector.shape_cast %swap3A_1117 : vector<16xi32> to vector<16xi32>
      %swap3A_1119 = vector.shape_cast %add3A_1115 : vector<16xi32> to vector<16xi32>
      tpu.vector_store %arg9[%swap3A_1116], %swap3A_1119 {strides = array<i32>} : memref<80xi32, #tpu.memory_space<vmem>>, vector<16xi32>,
      %dma_wait3A_1120 = arith.constant 0 : i32
      %dma_wait3A_1121 = arith.constant 0 : i32
      %dma_wait3A_1122 = tpu.memref_slice %arg26[%dma_wait3A_1120, %dma_wait3A_1121] : memref<10112x128xf32, #tpu.memory_space<vmem_shared>> -> memref<10112x128xf32, #tpu.memory_space<vmem_shared>>
      tpu.wait_indirect_dma semaphore(%arg40 : memref<!tpu.dma_semaphore, #tpu.memory_space<semaphore_mem>>) src(%arg21 : memref<80x128xf32, #tpu.memory_space<vmem>>) dst(%dma_wait3A_1122 : memref<10112x128xf32, #tpu.memory_space<vmem_shared>>)
      %dma_start3A_1123 = arith.constant 0 : i32
      %dma_start3A_1124 = arith.constant 0 : i32
      %dma_start3A_1125 = tpu.memref_slice %arg2[%dma_start3A_1123, %dma_start3A_1124] : memref<20000x128xf32, #tpu.memory_space<hbm>> -> memref<20000x128xf32, #tpu.memory_space<hbm>>
      tpu.enqueue_indirect_dma source(%dma_start3A_1125 : memref<20000x128xf32, #tpu.memory_space<hbm>>) target(%arg21 : memref<80x128xf32, #tpu.memory_space<vmem>>) offsets(%arg9 : memref<80xi32, #tpu.memory_space<vmem>>) semaphore(%arg36 : memref<!tpu.dma_semaphore, #tpu.memory_space<semaphore_mem>>)
      %dma_wait3A_1126 = arith.constant 0 : i32
      %dma_wait3A_1127 = arith.constant 0 : i32
      %dma_wait3A_1128 = tpu.memref_slice %arg2[%dma_wait3A_1126, %dma_wait3A_1127] : memref<20000x128xf32, #tpu.memory_space<hbm>> -> memref<20000x128xf32, #tpu.memory_space<hbm>>
      tpu.wait_indirect_dma semaphore(%arg38 : memref<!tpu.dma_semaphore, #tpu.memory_space<semaphore_mem>>) src(%dma_wait3A_1128 : memref<20000x128xf32, #tpu.memory_space<hbm>>) dst(%arg23 : memref<80x128xf32, #tpu.memory_space<vmem>>)
      %dma_start3A_1129 = arith.constant 0 : i32
      %dma_start3A_1130 = arith.constant 0 : i32
      %dma_start3A_1131 = tpu.memref_slice %arg26[%dma_start3A_1129, %dma_start3A_1130] : memref<10112x128xf32, #tpu.memory_space<vmem_shared>> -> memref<10112x128xf32, #tpu.memory_space<vmem_shared>>
      tpu.enqueue_indirect_dma source(%arg23 : memref<80x128xf32, #tpu.memory_space<vmem>>) target(%dma_start3A_1131 : memref<10112x128xf32, #tpu.memory_space<vmem_shared>>) offsets(%arg15 : memref<80xi32, #tpu.memory_space<vmem>>) semaphore(%arg42 : memref<!tpu.dma_semaphore, #tpu.memory_space<semaphore_mem>>) {add = true}
      %add3A_1132 = arith.constant 0 : i32
      %add3A_1133 = arith.addi %add3A_1037, %add3A_1132 : i32
      %add3A_1134 = arith.constant 4 : i32
      %add3A_1135 = arith.addi %add3A_1133, %add3A_1134 : i32
      %lt3A_1136 = arith.constant 125 : i32
      %lt3A_1137 = arith.cmpi slt, %add3A_1135, %lt3A_1136 : i32
      %convert_element_type3A_1138 = arith.extui %lt3A_1137 : i1 to i32
      %cond3A_1139 = arith.constant 0 : i32
      %cond3A_1140 = arith.cmpi ne, %convert_element_type3A_1138, %cond3A_1139 : i32
      scf.if %cond3A_1140 {
        %add3A_1862 = arith.constant 0 : i32
        %add3A_1863 = arith.addi %add3A_1037, %add3A_1862 : i32
        %add3A_1864 = arith.constant 4 : i32
        %add3A_1865 = arith.addi %add3A_1863, %add3A_1864 : i32
        %mul3A_1866 = arith.constant 10000 : i32
        %mul3A_1867 = arith.muli %arg1, %mul3A_1866 : i32
        %mul3A_1868 = arith.constant 80 : i32
        %mul3A_1869 = arith.muli %add3A_1865, %mul3A_1868 : i32
        %add3A_1870 = arith.addi %mul3A_1867, %mul3A_1869 : i32
        %multiple_of3A_1871 = tpu.assume_multiple %add3A_1870, 8 : i32
        %dma_start3A_1872 = tpu.memref_slice %arg3[%multiple_of3A_1871] : memref<320000xi32, #tpu.memory_space<hbm>> -> memref<80xi32, #tpu.memory_space<hbm>>
        %dma_start3A_1873 = tpu.memref_slice %arg3[%multiple_of3A_1871] : memref<320000xi32, #tpu.memory_space<hbm>> -> memref<80xi32, #tpu.memory_space<hbm>>
        tpu.enqueue_dma source(%dma_start3A_1873 : memref<80xi32, #tpu.memory_space<hbm>>) target(%arg11 : memref<80xi32, #tpu.memory_space<vmem>>) target_semaphore(%arg33 : memref<!tpu.dma_semaphore, #tpu.memory_space<semaphore_mem>>)
        %mul3A_1874 = arith.constant 10000 : i32
        %mul3A_1875 = arith.muli %arg1, %mul3A_1874 : i32
        %add3A_1876 = arith.constant 160000 : i32
        %add3A_1877 = arith.addi %add3A_1876, %mul3A_1875 : i32
        %mul3A_1878 = arith.constant 80 : i32
        %mul3A_1879 = arith.muli %add3A_1865, %mul3A_1878 : i32
        %add3A_1880 = arith.addi %add3A_1877, %mul3A_1879 : i32
        %multiple_of3A_1881 = tpu.assume_multiple %add3A_1880, 8 : i32
        %dma_start3A_1882 = tpu.memref_slice %arg3[%multiple_of3A_1881] : memref<320000xi32, #tpu.memory_space<hbm>> -> memref<80xi32, #tpu.memory_space<hbm>>
        %dma_start3A_1883 = tpu.memref_slice %arg3[%multiple_of3A_1881] : memref<320000xi32, #tpu.memory_space<hbm>> -> memref<80xi32, #tpu.memory_space<hbm>>
        tpu.enqueue_dma source(%dma_start3A_1883 : memref<80xi32, #tpu.memory_space<hbm>>) target(%arg19 : memref<80xi32, #tpu.memory_space<vmem>>) target_semaphore(%arg33 : memref<!tpu.dma_semaphore, #tpu.memory_space<semaphore_mem>>)
      } else {
      }
      %add3A_1141 = arith.constant 1 : i32
      %add3A_1142 = arith.addi %add3A_1037, %add3A_1141 : i32
      %add3A_1143 = arith.constant 2 : i32
      %add3A_1144 = arith.addi %add3A_1142, %add3A_1143 : i32
      %mul3A_1145 = arith.constant 10000 : i32
      %mul3A_1146 = arith.muli %arg1, %mul3A_1145 : i32
      %mul3A_1147 = arith.constant 80 : i32
      %mul3A_1148 = arith.muli %add3A_1144, %mul3A_1147 : i32
      %add3A_1149 = arith.addi %mul3A_1146, %mul3A_1148 : i32
      %multiple_of3A_1150 = tpu.assume_multiple %add3A_1149, 8 : i32
      %dma_wait3A_1151 = tpu.memref_slice %arg3[%multiple_of3A_1150] : memref<320000xi32, #tpu.memory_space<hbm>> -> memref<80xi32, #tpu.memory_space<hbm>>
      %dma_wait3A_1152 = tpu.memref_slice %arg3[%multiple_of3A_1150] : memref<320000xi32, #tpu.memory_space<hbm>> -> memref<80xi32, #tpu.memory_space<hbm>>
      tpu.wait_dma2 semaphore(%arg32 : memref<!tpu.dma_semaphore, #tpu.memory_space<semaphore_mem>>) src(%dma_wait3A_1152 : memref<80xi32, #tpu.memory_space<hbm>>) dst(%arg10 : memref<80xi32, #tpu.memory_space<vmem>>)
      %mul3A_1153 = arith.constant 10000 : i32
      %mul3A_1154 = arith.muli %arg1, %mul3A_1153 : i32
      %add3A_1155 = arith.constant 160000 : i32
      %add3A_1156 = arith.addi %add3A_1155, %mul3A_1154 : i32
      %mul3A_1157 = arith.constant 80 : i32
      %mul3A_1158 = arith.muli %add3A_1144, %mul3A_1157 : i32
      %add3A_1159 = arith.addi %add3A_1156, %mul3A_1158 : i32
      %multiple_of3A_1160 = tpu.assume_multiple %add3A_1159, 8 : i32
      %dma_wait3A_1161 = tpu.memref_slice %arg3[%multiple_of3A_1160] : memref<320000xi32, #tpu.memory_space<hbm>> -> memref<80xi32, #tpu.memory_space<hbm>>
      %dma_wait3A_1162 = tpu.memref_slice %arg3[%multiple_of3A_1160] : memref<320000xi32, #tpu.memory_space<hbm>> -> memref<80xi32, #tpu.memory_space<hbm>>
      tpu.wait_dma2 semaphore(%arg32 : memref<!tpu.dma_semaphore, #tpu.memory_space<semaphore_mem>>) src(%dma_wait3A_1162 : memref<80xi32, #tpu.memory_space<hbm>>) dst(%arg18 : memref<80xi32, #tpu.memory_space<vmem>>)
      %get3A_1163 = arith.constant 0 : index
      %get3A_1164 = tpu.vector_load %arg10[%get3A_1163] {strides = array<i32>} : memref<80xi32, #tpu.memory_space<vmem>>, vector<16xi32>,
      %get3A_1165 = vector.shape_cast %get3A_1164 : vector<16xi32> to vector<16xi32>
      %mul3A_1166 = arith.constant 2 : i32
      %mul3A_1167 = vector.broadcast %mul3A_1166 : i32 to vector<16xi32>
      %mul3A_1168 = arith.muli %get3A_1165, %mul3A_1167 : vector<16xi32>
      %add3A_1169 = vector.broadcast %arg0 : i32 to vector<16xi32>
      %add3A_1170 = arith.addi %mul3A_1168, %add3A_1169 : vector<16xi32>
      %swap3A_1171 = arith.constant 0 : index
      %swap3A_1172 = tpu.vector_load %arg10[%swap3A_1171] {strides = array<i32>} : memref<80xi32, #tpu.memory_space<vmem>>, vector<16xi32>,
      %swap3A_1173 = vector.shape_cast %swap3A_1172 : vector<16xi32> to vector<16xi32>
      %swap3A_1174 = vector.shape_cast %add3A_1170 : vector<16xi32> to vector<16xi32>
      tpu.vector_store %arg10[%swap3A_1171], %swap3A_1174 {strides = array<i32>} : memref<80xi32, #tpu.memory_space<vmem>>, vector<16xi32>,
      %get3A_1175 = arith.constant 16 : index
      %get3A_1176 = tpu.vector_load %arg10[%get3A_1175] {strides = array<i32>} : memref<80xi32, #tpu.memory_space<vmem>>, vector<16xi32>,
      %get3A_1177 = vector.shape_cast %get3A_1176 : vector<16xi32> to vector<16xi32>
      %mul3A_1178 = arith.constant 2 : i32
      %mul3A_1179 = vector.broadcast %mul3A_1178 : i32 to vector<16xi32>
      %mul3A_1180 = arith.muli %get3A_1177, %mul3A_1179 : vector<16xi32>
      %add3A_1181 = vector.broadcast %arg0 : i32 to vector<16xi32>
      %add3A_1182 = arith.addi %mul3A_1180, %add3A_1181 : vector<16xi32>
      %swap3A_1183 = arith.constant 16 : index
      %swap3A_1184 = tpu.vector_load %arg10[%swap3A_1183] {strides = array<i32>} : memref<80xi32, #tpu.memory_space<vmem>>, vector<16xi32>,
      %swap3A_1185 = vector.shape_cast %swap3A_1184 : vector<16xi32> to vector<16xi32>
      %swap3A_1186 = vector.shape_cast %add3A_1182 : vector<16xi32> to vector<16xi32>
      tpu.vector_store %arg10[%swap3A_1183], %swap3A_1186 {strides = array<i32>} : memref<80xi32, #tpu.memory_space<vmem>>, vector<16xi32>,
      %get3A_1187 = arith.constant 32 : index
      %get3A_1188 = tpu.vector_load %arg10[%get3A_1187] {strides = array<i32>} : memref<80xi32, #tpu.memory_space<vmem>>, vector<16xi32>,
      %get3A_1189 = vector.shape_cast %get3A_1188 : vector<16xi32> to vector<16xi32>
      %mul3A_1190 = arith.constant 2 : i32
      %mul3A_1191 = vector.broadcast %mul3A_1190 : i32 to vector<16xi32>
      %mul3A_1192 = arith.muli %get3A_1189, %mul3A_1191 : vector<16xi32>
      %add3A_1193 = vector.broadcast %arg0 : i32 to vector<16xi32>
      %add3A_1194 = arith.addi %mul3A_1192, %add3A_1193 : vector<16xi32>
      %swap3A_1195 = arith.constant 32 : index
      %swap3A_1196 = tpu.vector_load %arg10[%swap3A_1195] {strides = array<i32>} : memref<80xi32, #tpu.memory_space<vmem>>, vector<16xi32>,
      %swap3A_1197 = vector.shape_cast %swap3A_1196 : vector<16xi32> to vector<16xi32>
      %swap3A_1198 = vector.shape_cast %add3A_1194 : vector<16xi32> to vector<16xi32>
      tpu.vector_store %arg10[%swap3A_1195], %swap3A_1198 {strides = array<i32>} : memref<80xi32, #tpu.memory_space<vmem>>, vector<16xi32>,
      %get3A_1199 = arith.constant 48 : index
      %get3A_1200 = tpu.vector_load %arg10[%get3A_1199] {strides = array<i32>} : memref<80xi32, #tpu.memory_space<vmem>>, vector<16xi32>,
      %get3A_1201 = vector.shape_cast %get3A_1200 : vector<16xi32> to vector<16xi32>
      %mul3A_1202 = arith.constant 2 : i32
      %mul3A_1203 = vector.broadcast %mul3A_1202 : i32 to vector<16xi32>
      %mul3A_1204 = arith.muli %get3A_1201, %mul3A_1203 : vector<16xi32>
      %add3A_1205 = vector.broadcast %arg0 : i32 to vector<16xi32>
      %add3A_1206 = arith.addi %mul3A_1204, %add3A_1205 : vector<16xi32>
      %swap3A_1207 = arith.constant 48 : index
      %swap3A_1208 = tpu.vector_load %arg10[%swap3A_1207] {strides = array<i32>} : memref<80xi32, #tpu.memory_space<vmem>>, vector<16xi32>,
      %swap3A_1209 = vector.shape_cast %swap3A_1208 : vector<16xi32> to vector<16xi32>
      %swap3A_1210 = vector.shape_cast %add3A_1206 : vector<16xi32> to vector<16xi32>
      tpu.vector_store %arg10[%swap3A_1207], %swap3A_1210 {strides = array<i32>} : memref<80xi32, #tpu.memory_space<vmem>>, vector<16xi32>,
      %get3A_1211 = arith.constant 64 : index
      %get3A_1212 = tpu.vector_load %arg10[%get3A_1211] {strides = array<i32>} : memref<80xi32, #tpu.memory_space<vmem>>, vector<16xi32>,
      %get3A_1213 = vector.shape_cast %get3A_1212 : vector<16xi32> to vector<16xi32>
      %mul3A_1214 = arith.constant 2 : i32
      %mul3A_1215 = vector.broadcast %mul3A_1214 : i32 to vector<16xi32>
      %mul3A_1216 = arith.muli %get3A_1213, %mul3A_1215 : vector<16xi32>
      %add3A_1217 = vector.broadcast %arg0 : i32 to vector<16xi32>
      %add3A_1218 = arith.addi %mul3A_1216, %add3A_1217 : vector<16xi32>
      %swap3A_1219 = arith.constant 64 : index
      %swap3A_1220 = tpu.vector_load %arg10[%swap3A_1219] {strides = array<i32>} : memref<80xi32, #tpu.memory_space<vmem>>, vector<16xi32>,
      %swap3A_1221 = vector.shape_cast %swap3A_1220 : vector<16xi32> to vector<16xi32>
      %swap3A_1222 = vector.shape_cast %add3A_1218 : vector<16xi32> to vector<16xi32>
      tpu.vector_store %arg10[%swap3A_1219], %swap3A_1222 {strides = array<i32>} : memref<80xi32, #tpu.memory_space<vmem>>, vector<16xi32>,
      %dma_wait3A_1223 = arith.constant 0 : i32
      %dma_wait3A_1224 = arith.constant 0 : i32
      %dma_wait3A_1225 = tpu.memref_slice %arg26[%dma_wait3A_1223, %dma_wait3A_1224] : memref<10112x128xf32, #tpu.memory_space<vmem_shared>> -> memref<10112x128xf32, #tpu.memory_space<vmem_shared>>
      tpu.wait_indirect_dma semaphore(%arg41 : memref<!tpu.dma_semaphore, #tpu.memory_space<semaphore_mem>>) src(%arg21 : memref<80x128xf32, #tpu.memory_space<vmem>>) dst(%dma_wait3A_1225 : memref<10112x128xf32, #tpu.memory_space<vmem_shared>>)
      %dma_start3A_1226 = arith.constant 0 : i32
      %dma_start3A_1227 = arith.constant 0 : i32
      %dma_start3A_1228 = tpu.memref_slice %arg2[%dma_start3A_1226, %dma_start3A_1227] : memref<20000x128xf32, #tpu.memory_space<hbm>> -> memref<20000x128xf32, #tpu.memory_space<hbm>>
      tpu.enqueue_indirect_dma source(%dma_start3A_1228 : memref<20000x128xf32, #tpu.memory_space<hbm>>) target(%arg22 : memref<80x128xf32, #tpu.memory_space<vmem>>) offsets(%arg10 : memref<80xi32, #tpu.memory_space<vmem>>) semaphore(%arg37 : memref<!tpu.dma_semaphore, #tpu.memory_space<semaphore_mem>>)
      %dma_wait3A_1229 = arith.constant 0 : i32
      %dma_wait3A_1230 = arith.constant 0 : i32
      %dma_wait3A_1231 = tpu.memref_slice %arg2[%dma_wait3A_1229, %dma_wait3A_1230] : memref<20000x128xf32, #tpu.memory_space<hbm>> -> memref<20000x128xf32, #tpu.memory_space<hbm>>
      tpu.wait_indirect_dma semaphore(%arg39 : memref<!tpu.dma_semaphore, #tpu.memory_space<semaphore_mem>>) src(%dma_wait3A_1231 : memref<20000x128xf32, #tpu.memory_space<hbm>>) dst(%arg24 : memref<80x128xf32, #tpu.memory_space<vmem>>)
      %dma_start3A_1232 = arith.constant 0 : i32
      %dma_start3A_1233 = arith.constant 0 : i32
      %dma_start3A_1234 = tpu.memref_slice %arg26[%dma_start3A_1232, %dma_start3A_1233] : memref<10112x128xf32, #tpu.memory_space<vmem_shared>> -> memref<10112x128xf32, #tpu.memory_space<vmem_shared>>
      tpu.enqueue_indirect_dma source(%arg24 : memref<80x128xf32, #tpu.memory_space<vmem>>) target(%dma_start3A_1234 : memref<10112x128xf32, #tpu.memory_space<vmem_shared>>) offsets(%arg16 : memref<80xi32, #tpu.memory_space<vmem>>) semaphore(%arg43 : memref<!tpu.dma_semaphore, #tpu.memory_space<semaphore_mem>>) {add = true}
      %add3A_1235 = arith.constant 1 : i32
      %add3A_1236 = arith.addi %add3A_1037, %add3A_1235 : i32
      %add3A_1237 = arith.constant 4 : i32
      %add3A_1238 = arith.addi %add3A_1236, %add3A_1237 : i32
      %lt3A_1239 = arith.constant 125 : i32
      %lt3A_1240 = arith.cmpi slt, %add3A_1238, %lt3A_1239 : i32
      %convert_element_type3A_1241 = arith.extui %lt3A_1240 : i1 to i32
      %cond3A_1242 = arith.constant 0 : i32
      %cond3A_1243 = arith.cmpi ne, %convert_element_type3A_1241, %cond3A_1242 : i32
      scf.if %cond3A_1243 {
        %add3A_1862 = arith.constant 1 : i32
        %add3A_1863 = arith.addi %add3A_1037, %add3A_1862 : i32
        %add3A_1864 = arith.constant 4 : i32
        %add3A_1865 = arith.addi %add3A_1863, %add3A_1864 : i32
        %mul3A_1866 = arith.constant 10000 : i32
        %mul3A_1867 = arith.muli %arg1, %mul3A_1866 : i32
        %mul3A_1868 = arith.constant 80 : i32
        %mul3A_1869 = arith.muli %add3A_1865, %mul3A_1868 : i32
        %add3A_1870 = arith.addi %mul3A_1867, %mul3A_1869 : i32
        %multiple_of3A_1871 = tpu.assume_multiple %add3A_1870, 8 : i32
        %dma_start3A_1872 = tpu.memref_slice %arg3[%multiple_of3A_1871] : memref<320000xi32, #tpu.memory_space<hbm>> -> memref<80xi32, #tpu.memory_space<hbm>>
        %dma_start3A_1873 = tpu.memref_slice %arg3[%multiple_of3A_1871] : memref<320000xi32, #tpu.memory_space<hbm>> -> memref<80xi32, #tpu.memory_space<hbm>>
        tpu.enqueue_dma source(%dma_start3A_1873 : memref<80xi32, #tpu.memory_space<hbm>>) target(%arg12 : memref<80xi32, #tpu.memory_space<vmem>>) target_semaphore(%arg34 : memref<!tpu.dma_semaphore, #tpu.memory_space<semaphore_mem>>)
        %mul3A_1874 = arith.constant 10000 : i32
        %mul3A_1875 = arith.muli %arg1, %mul3A_1874 : i32
        %add3A_1876 = arith.constant 160000 : i32
        %add3A_1877 = arith.addi %add3A_1876, %mul3A_1875 : i32
        %mul3A_1878 = arith.constant 80 : i32
        %mul3A_1879 = arith.muli %add3A_1865, %mul3A_1878 : i32
        %add3A_1880 = arith.addi %add3A_1877, %mul3A_1879 : i32
        %multiple_of3A_1881 = tpu.assume_multiple %add3A_1880, 8 : i32
        %dma_start3A_1882 = tpu.memref_slice %arg3[%multiple_of3A_1881] : memref<320000xi32, #tpu.memory_space<hbm>> -> memref<80xi32, #tpu.memory_space<hbm>>
        %dma_start3A_1883 = tpu.memref_slice %arg3[%multiple_of3A_1881] : memref<320000xi32, #tpu.memory_space<hbm>> -> memref<80xi32, #tpu.memory_space<hbm>>
        tpu.enqueue_dma source(%dma_start3A_1883 : memref<80xi32, #tpu.memory_space<hbm>>) target(%arg20 : memref<80xi32, #tpu.memory_space<vmem>>) target_semaphore(%arg34 : memref<!tpu.dma_semaphore, #tpu.memory_space<semaphore_mem>>)
      } else {
      }
      %add3A_1244 = arith.constant 2 : i32
      %add3A_1245 = arith.addi %add3A_1037, %add3A_1244 : i32
      %add3A_1246 = arith.constant 2 : i32
      %add3A_1247 = arith.addi %add3A_1245, %add3A_1246 : i32
      %mul3A_1248 = arith.constant 10000 : i32
      %mul3A_1249 = arith.muli %arg1, %mul3A_1248 : i32
      %mul3A_1250 = arith.constant 80 : i32
      %mul3A_1251 = arith.muli %add3A_1247, %mul3A_1250 : i32
      %add3A_1252 = arith.addi %mul3A_1249, %mul3A_1251 : i32
      %multiple_of3A_1253 = tpu.assume_multiple %add3A_1252, 8 : i32
      %dma_wait3A_1254 = tpu.memref_slice %arg3[%multiple_of3A_1253] : memref<320000xi32, #tpu.memory_space<hbm>> -> memref<80xi32, #tpu.memory_space<hbm>>
      %dma_wait3A_1255 = tpu.memref_slice %arg3[%multiple_of3A_1253] : memref<320000xi32, #tpu.memory_space<hbm>> -> memref<80xi32, #tpu.memory_space<hbm>>
      tpu.wait_dma2 semaphore(%arg33 : memref<!tpu.dma_semaphore, #tpu.memory_space<semaphore_mem>>) src(%dma_wait3A_1255 : memref<80xi32, #tpu.memory_space<hbm>>) dst(%arg11 : memref<80xi32, #tpu.memory_space<vmem>>)
      %mul3A_1256 = arith.constant 10000 : i32
      %mul3A_1257 = arith.muli %arg1, %mul3A_1256 : i32
      %add3A_1258 = arith.constant 160000 : i32
      %add3A_1259 = arith.addi %add3A_1258, %mul3A_1257 : i32
      %mul3A_1260 = arith.constant 80 : i32
      %mul3A_1261 = arith.muli %add3A_1247, %mul3A_1260 : i32
      %add3A_1262 = arith.addi %add3A_1259, %mul3A_1261 : i32
      %multiple_of3A_1263 = tpu.assume_multiple %add3A_1262, 8 : i32
      %dma_wait3A_1264 = tpu.memref_slice %arg3[%multiple_of3A_1263] : memref<320000xi32, #tpu.memory_space<hbm>> -> memref<80xi32, #tpu.memory_space<hbm>>
      %dma_wait3A_1265 = tpu.memref_slice %arg3[%multiple_of3A_1263] : memref<320000xi32, #tpu.memory_space<hbm>> -> memref<80xi32, #tpu.memory_space<hbm>>
      tpu.wait_dma2 semaphore(%arg33 : memref<!tpu.dma_semaphore, #tpu.memory_space<semaphore_mem>>) src(%dma_wait3A_1265 : memref<80xi32, #tpu.memory_space<hbm>>) dst(%arg19 : memref<80xi32, #tpu.memory_space<vmem>>)
      %get3A_1266 = arith.constant 0 : index
      %get3A_1267 = tpu.vector_load %arg11[%get3A_1266] {strides = array<i32>} : memref<80xi32, #tpu.memory_space<vmem>>, vector<16xi32>,
      %get3A_1268 = vector.shape_cast %get3A_1267 : vector<16xi32> to vector<16xi32>
      %mul3A_1269 = arith.constant 2 : i32
      %mul3A_1270 = vector.broadcast %mul3A_1269 : i32 to vector<16xi32>
      %mul3A_1271 = arith.muli %get3A_1268, %mul3A_1270 : vector<16xi32>
      %add3A_1272 = vector.broadcast %arg0 : i32 to vector<16xi32>
      %add3A_1273 = arith.addi %mul3A_1271, %add3A_1272 : vector<16xi32>
      %swap3A_1274 = arith.constant 0 : index
      %swap3A_1275 = tpu.vector_load %arg11[%swap3A_1274] {strides = array<i32>} : memref<80xi32, #tpu.memory_space<vmem>>, vector<16xi32>,
      %swap3A_1276 = vector.shape_cast %swap3A_1275 : vector<16xi32> to vector<16xi32>
      %swap3A_1277 = vector.shape_cast %add3A_1273 : vector<16xi32> to vector<16xi32>
      tpu.vector_store %arg11[%swap3A_1274], %swap3A_1277 {strides = array<i32>} : memref<80xi32, #tpu.memory_space<vmem>>, vector<16xi32>,
      %get3A_1278 = arith.constant 16 : index
      %get3A_1279 = tpu.vector_load %arg11[%get3A_1278] {strides = array<i32>} : memref<80xi32, #tpu.memory_space<vmem>>, vector<16xi32>,
      %get3A_1280 = vector.shape_cast %get3A_1279 : vector<16xi32> to vector<16xi32>
      %mul3A_1281 = arith.constant 2 : i32
      %mul3A_1282 = vector.broadcast %mul3A_1281 : i32 to vector<16xi32>
      %mul3A_1283 = arith.muli %get3A_1280, %mul3A_1282 : vector<16xi32>
      %add3A_1284 = vector.broadcast %arg0 : i32 to vector<16xi32>
      %add3A_1285 = arith.addi %mul3A_1283, %add3A_1284 : vector<16xi32>
      %swap3A_1286 = arith.constant 16 : index
      %swap3A_1287 = tpu.vector_load %arg11[%swap3A_1286] {strides = array<i32>} : memref<80xi32, #tpu.memory_space<vmem>>, vector<16xi32>,
      %swap3A_1288 = vector.shape_cast %swap3A_1287 : vector<16xi32> to vector<16xi32>
      %swap3A_1289 = vector.shape_cast %add3A_1285 : vector<16xi32> to vector<16xi32>
      tpu.vector_store %arg11[%swap3A_1286], %swap3A_1289 {strides = array<i32>} : memref<80xi32, #tpu.memory_space<vmem>>, vector<16xi32>,
      %get3A_1290 = arith.constant 32 : index
      %get3A_1291 = tpu.vector_load %arg11[%get3A_1290] {strides = array<i32>} : memref<80xi32, #tpu.memory_space<vmem>>, vector<16xi32>,
      %get3A_1292 = vector.shape_cast %get3A_1291 : vector<16xi32> to vector<16xi32>
      %mul3A_1293 = arith.constant 2 : i32
      %mul3A_1294 = vector.broadcast %mul3A_1293 : i32 to vector<16xi32>
      %mul3A_1295 = arith.muli %get3A_1292, %mul3A_1294 : vector<16xi32>
      %add3A_1296 = vector.broadcast %arg0 : i32 to vector<16xi32>
      %add3A_1297 = arith.addi %mul3A_1295, %add3A_1296 : vector<16xi32>
      %swap3A_1298 = arith.constant 32 : index
      %swap3A_1299 = tpu.vector_load %arg11[%swap3A_1298] {strides = array<i32>} : memref<80xi32, #tpu.memory_space<vmem>>, vector<16xi32>,
      %swap3A_1300 = vector.shape_cast %swap3A_1299 : vector<16xi32> to vector<16xi32>
      %swap3A_1301 = vector.shape_cast %add3A_1297 : vector<16xi32> to vector<16xi32>
      tpu.vector_store %arg11[%swap3A_1298], %swap3A_1301 {strides = array<i32>} : memref<80xi32, #tpu.memory_space<vmem>>, vector<16xi32>,
      %get3A_1302 = arith.constant 48 : index
      %get3A_1303 = tpu.vector_load %arg11[%get3A_1302] {strides = array<i32>} : memref<80xi32, #tpu.memory_space<vmem>>, vector<16xi32>,
      %get3A_1304 = vector.shape_cast %get3A_1303 : vector<16xi32> to vector<16xi32>
      %mul3A_1305 = arith.constant 2 : i32
      %mul3A_1306 = vector.broadcast %mul3A_1305 : i32 to vector<16xi32>
      %mul3A_1307 = arith.muli %get3A_1304, %mul3A_1306 : vector<16xi32>
      %add3A_1308 = vector.broadcast %arg0 : i32 to vector<16xi32>
      %add3A_1309 = arith.addi %mul3A_1307, %add3A_1308 : vector<16xi32>
      %swap3A_1310 = arith.constant 48 : index
      %swap3A_1311 = tpu.vector_load %arg11[%swap3A_1310] {strides = array<i32>} : memref<80xi32, #tpu.memory_space<vmem>>, vector<16xi32>,
      %swap3A_1312 = vector.shape_cast %swap3A_1311 : vector<16xi32> to vector<16xi32>
      %swap3A_1313 = vector.shape_cast %add3A_1309 : vector<16xi32> to vector<16xi32>
      tpu.vector_store %arg11[%swap3A_1310], %swap3A_1313 {strides = array<i32>} : memref<80xi32, #tpu.memory_space<vmem>>, vector<16xi32>,
      %get3A_1314 = arith.constant 64 : index
      %get3A_1315 = tpu.vector_load %arg11[%get3A_1314] {strides = array<i32>} : memref<80xi32, #tpu.memory_space<vmem>>, vector<16xi32>,
      %get3A_1316 = vector.shape_cast %get3A_1315 : vector<16xi32> to vector<16xi32>
      %mul3A_1317 = arith.constant 2 : i32
      %mul3A_1318 = vector.broadcast %mul3A_1317 : i32 to vector<16xi32>
      %mul3A_1319 = arith.muli %get3A_1316, %mul3A_1318 : vector<16xi32>
      %add3A_1320 = vector.broadcast %arg0 : i32 to vector<16xi32>
      %add3A_1321 = arith.addi %mul3A_1319, %add3A_1320 : vector<16xi32>
      %swap3A_1322 = arith.constant 64 : index
      %swap3A_1323 = tpu.vector_load %arg11[%swap3A_1322] {strides = array<i32>} : memref<80xi32, #tpu.memory_space<vmem>>, vector<16xi32>,
      %swap3A_1324 = vector.shape_cast %swap3A_1323 : vector<16xi32> to vector<16xi32>
      %swap3A_1325 = vector.shape_cast %add3A_1321 : vector<16xi32> to vector<16xi32>
      tpu.vector_store %arg11[%swap3A_1322], %swap3A_1325 {strides = array<i32>} : memref<80xi32, #tpu.memory_space<vmem>>, vector<16xi32>,
      %dma_wait3A_1326 = arith.constant 0 : i32
      %dma_wait3A_1327 = arith.constant 0 : i32
      %dma_wait3A_1328 = tpu.memref_slice %arg26[%dma_wait3A_1326, %dma_wait3A_1327] : memref<10112x128xf32, #tpu.memory_space<vmem_shared>> -> memref<10112x128xf32, #tpu.memory_space<vmem_shared>>
      tpu.wait_indirect_dma semaphore(%arg42 : memref<!tpu.dma_semaphore, #tpu.memory_space<semaphore_mem>>) src(%arg21 : memref<80x128xf32, #tpu.memory_space<vmem>>) dst(%dma_wait3A_1328 : memref<10112x128xf32, #tpu.memory_space<vmem_shared>>)
      %dma_start3A_1329 = arith.constant 0 : i32
      %dma_start3A_1330 = arith.constant 0 : i32
      %dma_start3A_1331 = tpu.memref_slice %arg2[%dma_start3A_1329, %dma_start3A_1330] : memref<20000x128xf32, #tpu.memory_space<hbm>> -> memref<20000x128xf32, #tpu.memory_space<hbm>>
      tpu.enqueue_indirect_dma source(%dma_start3A_1331 : memref<20000x128xf32, #tpu.memory_space<hbm>>) target(%arg23 : memref<80x128xf32, #tpu.memory_space<vmem>>) offsets(%arg11 : memref<80xi32, #tpu.memory_space<vmem>>) semaphore(%arg38 : memref<!tpu.dma_semaphore, #tpu.memory_space<semaphore_mem>>)
      %dma_wait3A_1332 = arith.constant 0 : i32
      %dma_wait3A_1333 = arith.constant 0 : i32
      %dma_wait3A_1334 = tpu.memref_slice %arg2[%dma_wait3A_1332, %dma_wait3A_1333] : memref<20000x128xf32, #tpu.memory_space<hbm>> -> memref<20000x128xf32, #tpu.memory_space<hbm>>
      tpu.wait_indirect_dma semaphore(%arg36 : memref<!tpu.dma_semaphore, #tpu.memory_space<semaphore_mem>>) src(%dma_wait3A_1334 : memref<20000x128xf32, #tpu.memory_space<hbm>>) dst(%arg21 : memref<80x128xf32, #tpu.memory_space<vmem>>)
      %dma_start3A_1335 = arith.constant 0 : i32
      %dma_start3A_1336 = arith.constant 0 : i32
      %dma_start3A_1337 = tpu.memref_slice %arg26[%dma_start3A_1335, %dma_start3A_1336] : memref<10112x128xf32, #tpu.memory_space<vmem_shared>> -> memref<10112x128xf32, #tpu.memory_space<vmem_shared>>
      tpu.enqueue_indirect_dma source(%arg21 : memref<80x128xf32, #tpu.memory_space<vmem>>) target(%dma_start3A_1337 : memref<10112x128xf32, #tpu.memory_space<vmem_shared>>) offsets(%arg17 : memref<80xi32, #tpu.memory_space<vmem>>) semaphore(%arg40 : memref<!tpu.dma_semaphore, #tpu.memory_space<semaphore_mem>>) {add = true}
      %add3A_1338 = arith.constant 2 : i32
      %add3A_1339 = arith.addi %add3A_1037, %add3A_1338 : i32
      %add3A_1340 = arith.constant 4 : i32
      %add3A_1341 = arith.addi %add3A_1339, %add3A_1340 : i32
      %lt3A_1342 = arith.constant 125 : i32
      %lt3A_1343 = arith.cmpi slt, %add3A_1341, %lt3A_1342 : i32
      %convert_element_type3A_1344 = arith.extui %lt3A_1343 : i1 to i32
      %cond3A_1345 = arith.constant 0 : i32
      %cond3A_1346 = arith.cmpi ne, %convert_element_type3A_1344, %cond3A_1345 : i32
      scf.if %cond3A_1346 {
        %add3A_1862 = arith.constant 2 : i32
        %add3A_1863 = arith.addi %add3A_1037, %add3A_1862 : i32
        %add3A_1864 = arith.constant 4 : i32
        %add3A_1865 = arith.addi %add3A_1863, %add3A_1864 : i32
        %mul3A_1866 = arith.constant 10000 : i32
        %mul3A_1867 = arith.muli %arg1, %mul3A_1866 : i32
        %mul3A_1868 = arith.constant 80 : i32
        %mul3A_1869 = arith.muli %add3A_1865, %mul3A_1868 : i32
        %add3A_1870 = arith.addi %mul3A_1867, %mul3A_1869 : i32
        %multiple_of3A_1871 = tpu.assume_multiple %add3A_1870, 8 : i32
        %dma_start3A_1872 = tpu.memref_slice %arg3[%multiple_of3A_1871] : memref<320000xi32, #tpu.memory_space<hbm>> -> memref<80xi32, #tpu.memory_space<hbm>>
        %dma_start3A_1873 = tpu.memref_slice %arg3[%multiple_of3A_1871] : memref<320000xi32, #tpu.memory_space<hbm>> -> memref<80xi32, #tpu.memory_space<hbm>>
        tpu.enqueue_dma source(%dma_start3A_1873 : memref<80xi32, #tpu.memory_space<hbm>>) target(%arg5 : memref<80xi32, #tpu.memory_space<vmem>>) target_semaphore(%arg27 : memref<!tpu.dma_semaphore, #tpu.memory_space<semaphore_mem>>)
        %mul3A_1874 = arith.constant 10000 : i32
        %mul3A_1875 = arith.muli %arg1, %mul3A_1874 : i32
        %add3A_1876 = arith.constant 160000 : i32
        %add3A_1877 = arith.addi %add3A_1876, %mul3A_1875 : i32
        %mul3A_1878 = arith.constant 80 : i32
        %mul3A_1879 = arith.muli %add3A_1865, %mul3A_1878 : i32
        %add3A_1880 = arith.addi %add3A_1877, %mul3A_1879 : i32
        %multiple_of3A_1881 = tpu.assume_multiple %add3A_1880, 8 : i32
        %dma_start3A_1882 = tpu.memref_slice %arg3[%multiple_of3A_1881] : memref<320000xi32, #tpu.memory_space<hbm>> -> memref<80xi32, #tpu.memory_space<hbm>>
        %dma_start3A_1883 = tpu.memref_slice %arg3[%multiple_of3A_1881] : memref<320000xi32, #tpu.memory_space<hbm>> -> memref<80xi32, #tpu.memory_space<hbm>>
        tpu.enqueue_dma source(%dma_start3A_1883 : memref<80xi32, #tpu.memory_space<hbm>>) target(%arg13 : memref<80xi32, #tpu.memory_space<vmem>>) target_semaphore(%arg27 : memref<!tpu.dma_semaphore, #tpu.memory_space<semaphore_mem>>)
      } else {
      }
      %add3A_1347 = arith.constant 3 : i32
      %add3A_1348 = arith.addi %add3A_1037, %add3A_1347 : i32
      %add3A_1349 = arith.constant 2 : i32
      %add3A_1350 = arith.addi %add3A_1348, %add3A_1349 : i32
      %mul3A_1351 = arith.constant 10000 : i32
      %mul3A_1352 = arith.muli %arg1, %mul3A_1351 : i32
      %mul3A_1353 = arith.constant 80 : i32
      %mul3A_1354 = arith.muli %add3A_1350, %mul3A_1353 : i32
      %add3A_1355 = arith.addi %mul3A_1352, %mul3A_1354 : i32
      %multiple_of3A_1356 = tpu.assume_multiple %add3A_1355, 8 : i32
      %dma_wait3A_1357 = tpu.memref_slice %arg3[%multiple_of3A_1356] : memref<320000xi32, #tpu.memory_space<hbm>> -> memref<80xi32, #tpu.memory_space<hbm>>
      %dma_wait3A_1358 = tpu.memref_slice %arg3[%multiple_of3A_1356] : memref<320000xi32, #tpu.memory_space<hbm>> -> memref<80xi32, #tpu.memory_space<hbm>>
      tpu.wait_dma2 semaphore(%arg34 : memref<!tpu.dma_semaphore, #tpu.memory_space<semaphore_mem>>) src(%dma_wait3A_1358 : memref<80xi32, #tpu.memory_space<hbm>>) dst(%arg12 : memref<80xi32, #tpu.memory_space<vmem>>)
      %mul3A_1359 = arith.constant 10000 : i32
      %mul3A_1360 = arith.muli %arg1, %mul3A_1359 : i32
      %add3A_1361 = arith.constant 160000 : i32
      %add3A_1362 = arith.addi %add3A_1361, %mul3A_1360 : i32
      %mul3A_1363 = arith.constant 80 : i32
      %mul3A_1364 = arith.muli %add3A_1350, %mul3A_1363 : i32
      %add3A_1365 = arith.addi %add3A_1362, %mul3A_1364 : i32
      %multiple_of3A_1366 = tpu.assume_multiple %add3A_1365, 8 : i32
      %dma_wait3A_1367 = tpu.memref_slice %arg3[%multiple_of3A_1366] : memref<320000xi32, #tpu.memory_space<hbm>> -> memref<80xi32, #tpu.memory_space<hbm>>
      %dma_wait3A_1368 = tpu.memref_slice %arg3[%multiple_of3A_1366] : memref<320000xi32, #tpu.memory_space<hbm>> -> memref<80xi32, #tpu.memory_space<hbm>>
      tpu.wait_dma2 semaphore(%arg34 : memref<!tpu.dma_semaphore, #tpu.memory_space<semaphore_mem>>) src(%dma_wait3A_1368 : memref<80xi32, #tpu.memory_space<hbm>>) dst(%arg20 : memref<80xi32, #tpu.memory_space<vmem>>)
      %get3A_1369 = arith.constant 0 : index
      %get3A_1370 = tpu.vector_load %arg12[%get3A_1369] {strides = array<i32>} : memref<80xi32, #tpu.memory_space<vmem>>, vector<16xi32>,
      %get3A_1371 = vector.shape_cast %get3A_1370 : vector<16xi32> to vector<16xi32>
      %mul3A_1372 = arith.constant 2 : i32
      %mul3A_1373 = vector.broadcast %mul3A_1372 : i32 to vector<16xi32>
      %mul3A_1374 = arith.muli %get3A_1371, %mul3A_1373 : vector<16xi32>
      %add3A_1375 = vector.broadcast %arg0 : i32 to vector<16xi32>
      %add3A_1376 = arith.addi %mul3A_1374, %add3A_1375 : vector<16xi32>
      %swap3A_1377 = arith.constant 0 : index
      %swap3A_1378 = tpu.vector_load %arg12[%swap3A_1377] {strides = array<i32>} : memref<80xi32, #tpu.memory_space<vmem>>, vector<16xi32>,
      %swap3A_1379 = vector.shape_cast %swap3A_1378 : vector<16xi32> to vector<16xi32>
      %swap3A_1380 = vector.shape_cast %add3A_1376 : vector<16xi32> to vector<16xi32>
      tpu.vector_store %arg12[%swap3A_1377], %swap3A_1380 {strides = array<i32>} : memref<80xi32, #tpu.memory_space<vmem>>, vector<16xi32>,
      %get3A_1381 = arith.constant 16 : index
      %get3A_1382 = tpu.vector_load %arg12[%get3A_1381] {strides = array<i32>} : memref<80xi32, #tpu.memory_space<vmem>>, vector<16xi32>,
      %get3A_1383 = vector.shape_cast %get3A_1382 : vector<16xi32> to vector<16xi32>
      %mul3A_1384 = arith.constant 2 : i32
      %mul3A_1385 = vector.broadcast %mul3A_1384 : i32 to vector<16xi32>
      %mul3A_1386 = arith.muli %get3A_1383, %mul3A_1385 : vector<16xi32>
      %add3A_1387 = vector.broadcast %arg0 : i32 to vector<16xi32>
      %add3A_1388 = arith.addi %mul3A_1386, %add3A_1387 : vector<16xi32>
      %swap3A_1389 = arith.constant 16 : index
      %swap3A_1390 = tpu.vector_load %arg12[%swap3A_1389] {strides = array<i32>} : memref<80xi32, #tpu.memory_space<vmem>>, vector<16xi32>,
      %swap3A_1391 = vector.shape_cast %swap3A_1390 : vector<16xi32> to vector<16xi32>
      %swap3A_1392 = vector.shape_cast %add3A_1388 : vector<16xi32> to vector<16xi32>
      tpu.vector_store %arg12[%swap3A_1389], %swap3A_1392 {strides = array<i32>} : memref<80xi32, #tpu.memory_space<vmem>>, vector<16xi32>,
      %get3A_1393 = arith.constant 32 : index
      %get3A_1394 = tpu.vector_load %arg12[%get3A_1393] {strides = array<i32>} : memref<80xi32, #tpu.memory_space<vmem>>, vector<16xi32>,
      %get3A_1395 = vector.shape_cast %get3A_1394 : vector<16xi32> to vector<16xi32>
      %mul3A_1396 = arith.constant 2 : i32
      %mul3A_1397 = vector.broadcast %mul3A_1396 : i32 to vector<16xi32>
      %mul3A_1398 = arith.muli %get3A_1395, %mul3A_1397 : vector<16xi32>
      %add3A_1399 = vector.broadcast %arg0 : i32 to vector<16xi32>
      %add3A_1400 = arith.addi %mul3A_1398, %add3A_1399 : vector<16xi32>
      %swap3A_1401 = arith.constant 32 : index
      %swap3A_1402 = tpu.vector_load %arg12[%swap3A_1401] {strides = array<i32>} : memref<80xi32, #tpu.memory_space<vmem>>, vector<16xi32>,
      %swap3A_1403 = vector.shape_cast %swap3A_1402 : vector<16xi32> to vector<16xi32>
      %swap3A_1404 = vector.shape_cast %add3A_1400 : vector<16xi32> to vector<16xi32>
      tpu.vector_store %arg12[%swap3A_1401], %swap3A_1404 {strides = array<i32>} : memref<80xi32, #tpu.memory_space<vmem>>, vector<16xi32>,
      %get3A_1405 = arith.constant 48 : index
      %get3A_1406 = tpu.vector_load %arg12[%get3A_1405] {strides = array<i32>} : memref<80xi32, #tpu.memory_space<vmem>>, vector<16xi32>,
      %get3A_1407 = vector.shape_cast %get3A_1406 : vector<16xi32> to vector<16xi32>
      %mul3A_1408 = arith.constant 2 : i32
      %mul3A_1409 = vector.broadcast %mul3A_1408 : i32 to vector<16xi32>
      %mul3A_1410 = arith.muli %get3A_1407, %mul3A_1409 : vector<16xi32>
      %add3A_1411 = vector.broadcast %arg0 : i32 to vector<16xi32>
      %add3A_1412 = arith.addi %mul3A_1410, %add3A_1411 : vector<16xi32>
      %swap3A_1413 = arith.constant 48 : index
      %swap3A_1414 = tpu.vector_load %arg12[%swap3A_1413] {strides = array<i32>} : memref<80xi32, #tpu.memory_space<vmem>>, vector<16xi32>,
      %swap3A_1415 = vector.shape_cast %swap3A_1414 : vector<16xi32> to vector<16xi32>
      %swap3A_1416 = vector.shape_cast %add3A_1412 : vector<16xi32> to vector<16xi32>
      tpu.vector_store %arg12[%swap3A_1413], %swap3A_1416 {strides = array<i32>} : memref<80xi32, #tpu.memory_space<vmem>>, vector<16xi32>,
      %get3A_1417 = arith.constant 64 : index
      %get3A_1418 = tpu.vector_load %arg12[%get3A_1417] {strides = array<i32>} : memref<80xi32, #tpu.memory_space<vmem>>, vector<16xi32>,
      %get3A_1419 = vector.shape_cast %get3A_1418 : vector<16xi32> to vector<16xi32>
      %mul3A_1420 = arith.constant 2 : i32
      %mul3A_1421 = vector.broadcast %mul3A_1420 : i32 to vector<16xi32>
      %mul3A_1422 = arith.muli %get3A_1419, %mul3A_1421 : vector<16xi32>
      %add3A_1423 = vector.broadcast %arg0 : i32 to vector<16xi32>
      %add3A_1424 = arith.addi %mul3A_1422, %add3A_1423 : vector<16xi32>
      %swap3A_1425 = arith.constant 64 : index
      %swap3A_1426 = tpu.vector_load %arg12[%swap3A_1425] {strides = array<i32>} : memref<80xi32, #tpu.memory_space<vmem>>, vector<16xi32>,
      %swap3A_1427 = vector.shape_cast %swap3A_1426 : vector<16xi32> to vector<16xi32>
      %swap3A_1428 = vector.shape_cast %add3A_1424 : vector<16xi32> to vector<16xi32>
      tpu.vector_store %arg12[%swap3A_1425], %swap3A_1428 {strides = array<i32>} : memref<80xi32, #tpu.memory_space<vmem>>, vector<16xi32>,
      %dma_wait3A_1429 = arith.constant 0 : i32
      %dma_wait3A_1430 = arith.constant 0 : i32
      %dma_wait3A_1431 = tpu.memref_slice %arg26[%dma_wait3A_1429, %dma_wait3A_1430] : memref<10112x128xf32, #tpu.memory_space<vmem_shared>> -> memref<10112x128xf32, #tpu.memory_space<vmem_shared>>
      tpu.wait_indirect_dma semaphore(%arg43 : memref<!tpu.dma_semaphore, #tpu.memory_space<semaphore_mem>>) src(%arg21 : memref<80x128xf32, #tpu.memory_space<vmem>>) dst(%dma_wait3A_1431 : memref<10112x128xf32, #tpu.memory_space<vmem_shared>>)
      %dma_start3A_1432 = arith.constant 0 : i32
      %dma_start3A_1433 = arith.constant 0 : i32
      %dma_start3A_1434 = tpu.memref_slice %arg2[%dma_start3A_1432, %dma_start3A_1433] : memref<20000x128xf32, #tpu.memory_space<hbm>> -> memref<20000x128xf32, #tpu.memory_space<hbm>>
      tpu.enqueue_indirect_dma source(%dma_start3A_1434 : memref<20000x128xf32, #tpu.memory_space<hbm>>) target(%arg24 : memref<80x128xf32, #tpu.memory_space<vmem>>) offsets(%arg12 : memref<80xi32, #tpu.memory_space<vmem>>) semaphore(%arg39 : memref<!tpu.dma_semaphore, #tpu.memory_space<semaphore_mem>>)
      %dma_wait3A_1435 = arith.constant 0 : i32
      %dma_wait3A_1436 = arith.constant 0 : i32
      %dma_wait3A_1437 = tpu.memref_slice %arg2[%dma_wait3A_1435, %dma_wait3A_1436] : memref<20000x128xf32, #tpu.memory_space<hbm>> -> memref<20000x128xf32, #tpu.memory_space<hbm>>
      tpu.wait_indirect_dma semaphore(%arg37 : memref<!tpu.dma_semaphore, #tpu.memory_space<semaphore_mem>>) src(%dma_wait3A_1437 : memref<20000x128xf32, #tpu.memory_space<hbm>>) dst(%arg22 : memref<80x128xf32, #tpu.memory_space<vmem>>)
      %dma_start3A_1438 = arith.constant 0 : i32
      %dma_start3A_1439 = arith.constant 0 : i32
      %dma_start3A_1440 = tpu.memref_slice %arg26[%dma_start3A_1438, %dma_start3A_1439] : memref<10112x128xf32, #tpu.memory_space<vmem_shared>> -> memref<10112x128xf32, #tpu.memory_space<vmem_shared>>
      tpu.enqueue_indirect_dma source(%arg22 : memref<80x128xf32, #tpu.memory_space<vmem>>) target(%dma_start3A_1440 : memref<10112x128xf32, #tpu.memory_space<vmem_shared>>) offsets(%arg18 : memref<80xi32, #tpu.memory_space<vmem>>) semaphore(%arg41 : memref<!tpu.dma_semaphore, #tpu.memory_space<semaphore_mem>>) {add = true}
      %add3A_1441 = arith.constant 3 : i32
      %add3A_1442 = arith.addi %add3A_1037, %add3A_1441 : i32
      %add3A_1443 = arith.constant 4 : i32
      %add3A_1444 = arith.addi %add3A_1442, %add3A_1443 : i32
      %lt3A_1445 = arith.constant 125 : i32
      %lt3A_1446 = arith.cmpi slt, %add3A_1444, %lt3A_1445 : i32
      %convert_element_type3A_1447 = arith.extui %lt3A_1446 : i1 to i32
      %cond3A_1448 = arith.constant 0 : i32
      %cond3A_1449 = arith.cmpi ne, %convert_element_type3A_1447, %cond3A_1448 : i32
      scf.if %cond3A_1449 {
        %add3A_1862 = arith.constant 3 : i32
        %add3A_1863 = arith.addi %add3A_1037, %add3A_1862 : i32
        %add3A_1864 = arith.constant 4 : i32
        %add3A_1865 = arith.addi %add3A_1863, %add3A_1864 : i32
        %mul3A_1866 = arith.constant 10000 : i32
        %mul3A_1867 = arith.muli %arg1, %mul3A_1866 : i32
        %mul3A_1868 = arith.constant 80 : i32
        %mul3A_1869 = arith.muli %add3A_1865, %mul3A_1868 : i32
        %add3A_1870 = arith.addi %mul3A_1867, %mul3A_1869 : i32
        %multiple_of3A_1871 = tpu.assume_multiple %add3A_1870, 8 : i32
        %dma_start3A_1872 = tpu.memref_slice %arg3[%multiple_of3A_1871] : memref<320000xi32, #tpu.memory_space<hbm>> -> memref<80xi32, #tpu.memory_space<hbm>>
        %dma_start3A_1873 = tpu.memref_slice %arg3[%multiple_of3A_1871] : memref<320000xi32, #tpu.memory_space<hbm>> -> memref<80xi32, #tpu.memory_space<hbm>>
        tpu.enqueue_dma source(%dma_start3A_1873 : memref<80xi32, #tpu.memory_space<hbm>>) target(%arg6 : memref<80xi32, #tpu.memory_space<vmem>>) target_semaphore(%arg28 : memref<!tpu.dma_semaphore, #tpu.memory_space<semaphore_mem>>)
        %mul3A_1874 = arith.constant 10000 : i32
        %mul3A_1875 = arith.muli %arg1, %mul3A_1874 : i32
        %add3A_1876 = arith.constant 160000 : i32
        %add3A_1877 = arith.addi %add3A_1876, %mul3A_1875 : i32
        %mul3A_1878 = arith.constant 80 : i32
        %mul3A_1879 = arith.muli %add3A_1865, %mul3A_1878 : i32
        %add3A_1880 = arith.addi %add3A_1877, %mul3A_1879 : i32
        %multiple_of3A_1881 = tpu.assume_multiple %add3A_1880, 8 : i32
        %dma_start3A_1882 = tpu.memref_slice %arg3[%multiple_of3A_1881] : memref<320000xi32, #tpu.memory_space<hbm>> -> memref<80xi32, #tpu.memory_space<hbm>>
        %dma_start3A_1883 = tpu.memref_slice %arg3[%multiple_of3A_1881] : memref<320000xi32, #tpu.memory_space<hbm>> -> memref<80xi32, #tpu.memory_space<hbm>>
        tpu.enqueue_dma source(%dma_start3A_1883 : memref<80xi32, #tpu.memory_space<hbm>>) target(%arg14 : memref<80xi32, #tpu.memory_space<vmem>>) target_semaphore(%arg28 : memref<!tpu.dma_semaphore, #tpu.memory_space<semaphore_mem>>)
      } else {
      }
      %add3A_1450 = arith.constant 4 : i32
      %add3A_1451 = arith.addi %add3A_1037, %add3A_1450 : i32
      %add3A_1452 = arith.constant 2 : i32
      %add3A_1453 = arith.addi %add3A_1451, %add3A_1452 : i32
      %mul3A_1454 = arith.constant 10000 : i32
      %mul3A_1455 = arith.muli %arg1, %mul3A_1454 : i32
      %mul3A_1456 = arith.constant 80 : i32
      %mul3A_1457 = arith.muli %add3A_1453, %mul3A_1456 : i32
      %add3A_1458 = arith.addi %mul3A_1455, %mul3A_1457 : i32
      %multiple_of3A_1459 = tpu.assume_multiple %add3A_1458, 8 : i32
      %dma_wait3A_1460 = tpu.memref_slice %arg3[%multiple_of3A_1459] : memref<320000xi32, #tpu.memory_space<hbm>> -> memref<80xi32, #tpu.memory_space<hbm>>
      %dma_wait3A_1461 = tpu.memref_slice %arg3[%multiple_of3A_1459] : memref<320000xi32, #tpu.memory_space<hbm>> -> memref<80xi32, #tpu.memory_space<hbm>>
      tpu.wait_dma2 semaphore(%arg27 : memref<!tpu.dma_semaphore, #tpu.memory_space<semaphore_mem>>) src(%dma_wait3A_1461 : memref<80xi32, #tpu.memory_space<hbm>>) dst(%arg5 : memref<80xi32, #tpu.memory_space<vmem>>)
      %mul3A_1462 = arith.constant 10000 : i32
      %mul3A_1463 = arith.muli %arg1, %mul3A_1462 : i32
      %add3A_1464 = arith.constant 160000 : i32
      %add3A_1465 = arith.addi %add3A_1464, %mul3A_1463 : i32
      %mul3A_1466 = arith.constant 80 : i32
      %mul3A_1467 = arith.muli %add3A_1453, %mul3A_1466 : i32
      %add3A_1468 = arith.addi %add3A_1465, %mul3A_1467 : i32
      %multiple_of3A_1469 = tpu.assume_multiple %add3A_1468, 8 : i32
      %dma_wait3A_1470 = tpu.memref_slice %arg3[%multiple_of3A_1469] : memref<320000xi32, #tpu.memory_space<hbm>> -> memref<80xi32, #tpu.memory_space<hbm>>
      %dma_wait3A_1471 = tpu.memref_slice %arg3[%multiple_of3A_1469] : memref<320000xi32, #tpu.memory_space<hbm>> -> memref<80xi32, #tpu.memory_space<hbm>>
      tpu.wait_dma2 semaphore(%arg27 : memref<!tpu.dma_semaphore, #tpu.memory_space<semaphore_mem>>) src(%dma_wait3A_1471 : memref<80xi32, #tpu.memory_space<hbm>>) dst(%arg13 : memref<80xi32, #tpu.memory_space<vmem>>)
      %get3A_1472 = arith.constant 0 : index
      %get3A_1473 = tpu.vector_load %arg5[%get3A_1472] {strides = array<i32>} : memref<80xi32, #tpu.memory_space<vmem>>, vector<16xi32>,
      %get3A_1474 = vector.shape_cast %get3A_1473 : vector<16xi32> to vector<16xi32>
      %mul3A_1475 = arith.constant 2 : i32
      %mul3A_1476 = vector.broadcast %mul3A_1475 : i32 to vector<16xi32>
      %mul3A_1477 = arith.muli %get3A_1474, %mul3A_1476 : vector<16xi32>
      %add3A_1478 = vector.broadcast %arg0 : i32 to vector<16xi32>
      %add3A_1479 = arith.addi %mul3A_1477, %add3A_1478 : vector<16xi32>
      %swap3A_1480 = arith.constant 0 : index
      %swap3A_1481 = tpu.vector_load %arg5[%swap3A_1480] {strides = array<i32>} : memref<80xi32, #tpu.memory_space<vmem>>, vector<16xi32>,
      %swap3A_1482 = vector.shape_cast %swap3A_1481 : vector<16xi32> to vector<16xi32>
      %swap3A_1483 = vector.shape_cast %add3A_1479 : vector<16xi32> to vector<16xi32>
      tpu.vector_store %arg5[%swap3A_1480], %swap3A_1483 {strides = array<i32>} : memref<80xi32, #tpu.memory_space<vmem>>, vector<16xi32>,
      %get3A_1484 = arith.constant 16 : index
      %get3A_1485 = tpu.vector_load %arg5[%get3A_1484] {strides = array<i32>} : memref<80xi32, #tpu.memory_space<vmem>>, vector<16xi32>,
      %get3A_1486 = vector.shape_cast %get3A_1485 : vector<16xi32> to vector<16xi32>
      %mul3A_1487 = arith.constant 2 : i32
      %mul3A_1488 = vector.broadcast %mul3A_1487 : i32 to vector<16xi32>
      %mul3A_1489 = arith.muli %get3A_1486, %mul3A_1488 : vector<16xi32>
      %add3A_1490 = vector.broadcast %arg0 : i32 to vector<16xi32>
      %add3A_1491 = arith.addi %mul3A_1489, %add3A_1490 : vector<16xi32>
      %swap3A_1492 = arith.constant 16 : index
      %swap3A_1493 = tpu.vector_load %arg5[%swap3A_1492] {strides = array<i32>} : memref<80xi32, #tpu.memory_space<vmem>>, vector<16xi32>,
      %swap3A_1494 = vector.shape_cast %swap3A_1493 : vector<16xi32> to vector<16xi32>
      %swap3A_1495 = vector.shape_cast %add3A_1491 : vector<16xi32> to vector<16xi32>
      tpu.vector_store %arg5[%swap3A_1492], %swap3A_1495 {strides = array<i32>} : memref<80xi32, #tpu.memory_space<vmem>>, vector<16xi32>,
      %get3A_1496 = arith.constant 32 : index
      %get3A_1497 = tpu.vector_load %arg5[%get3A_1496] {strides = array<i32>} : memref<80xi32, #tpu.memory_space<vmem>>, vector<16xi32>,
      %get3A_1498 = vector.shape_cast %get3A_1497 : vector<16xi32> to vector<16xi32>
      %mul3A_1499 = arith.constant 2 : i32
      %mul3A_1500 = vector.broadcast %mul3A_1499 : i32 to vector<16xi32>
      %mul3A_1501 = arith.muli %get3A_1498, %mul3A_1500 : vector<16xi32>
      %add3A_1502 = vector.broadcast %arg0 : i32 to vector<16xi32>
      %add3A_1503 = arith.addi %mul3A_1501, %add3A_1502 : vector<16xi32>
      %swap3A_1504 = arith.constant 32 : index
      %swap3A_1505 = tpu.vector_load %arg5[%swap3A_1504] {strides = array<i32>} : memref<80xi32, #tpu.memory_space<vmem>>, vector<16xi32>,
      %swap3A_1506 = vector.shape_cast %swap3A_1505 : vector<16xi32> to vector<16xi32>
      %swap3A_1507 = vector.shape_cast %add3A_1503 : vector<16xi32> to vector<16xi32>
      tpu.vector_store %arg5[%swap3A_1504], %swap3A_1507 {strides = array<i32>} : memref<80xi32, #tpu.memory_space<vmem>>, vector<16xi32>,
      %get3A_1508 = arith.constant 48 : index
      %get3A_1509 = tpu.vector_load %arg5[%get3A_1508] {strides = array<i32>} : memref<80xi32, #tpu.memory_space<vmem>>, vector<16xi32>,
      %get3A_1510 = vector.shape_cast %get3A_1509 : vector<16xi32> to vector<16xi32>
      %mul3A_1511 = arith.constant 2 : i32
      %mul3A_1512 = vector.broadcast %mul3A_1511 : i32 to vector<16xi32>
      %mul3A_1513 = arith.muli %get3A_1510, %mul3A_1512 : vector<16xi32>
      %add3A_1514 = vector.broadcast %arg0 : i32 to vector<16xi32>
      %add3A_1515 = arith.addi %mul3A_1513, %add3A_1514 : vector<16xi32>
      %swap3A_1516 = arith.constant 48 : index
      %swap3A_1517 = tpu.vector_load %arg5[%swap3A_1516] {strides = array<i32>} : memref<80xi32, #tpu.memory_space<vmem>>, vector<16xi32>,
      %swap3A_1518 = vector.shape_cast %swap3A_1517 : vector<16xi32> to vector<16xi32>
      %swap3A_1519 = vector.shape_cast %add3A_1515 : vector<16xi32> to vector<16xi32>
      tpu.vector_store %arg5[%swap3A_1516], %swap3A_1519 {strides = array<i32>} : memref<80xi32, #tpu.memory_space<vmem>>, vector<16xi32>,
      %get3A_1520 = arith.constant 64 : index
      %get3A_1521 = tpu.vector_load %arg5[%get3A_1520] {strides = array<i32>} : memref<80xi32, #tpu.memory_space<vmem>>, vector<16xi32>,
      %get3A_1522 = vector.shape_cast %get3A_1521 : vector<16xi32> to vector<16xi32>
      %mul3A_1523 = arith.constant 2 : i32
      %mul3A_1524 = vector.broadcast %mul3A_1523 : i32 to vector<16xi32>
      %mul3A_1525 = arith.muli %get3A_1522, %mul3A_1524 : vector<16xi32>
      %add3A_1526 = vector.broadcast %arg0 : i32 to vector<16xi32>
      %add3A_1527 = arith.addi %mul3A_1525, %add3A_1526 : vector<16xi32>
      %swap3A_1528 = arith.constant 64 : index
      %swap3A_1529 = tpu.vector_load %arg5[%swap3A_1528] {strides = array<i32>} : memref<80xi32, #tpu.memory_space<vmem>>, vector<16xi32>,
      %swap3A_1530 = vector.shape_cast %swap3A_1529 : vector<16xi32> to vector<16xi32>
      %swap3A_1531 = vector.shape_cast %add3A_1527 : vector<16xi32> to vector<16xi32>
      tpu.vector_store %arg5[%swap3A_1528], %swap3A_1531 {strides = array<i32>} : memref<80xi32, #tpu.memory_space<vmem>>, vector<16xi32>,
      %dma_wait3A_1532 = arith.constant 0 : i32
      %dma_wait3A_1533 = arith.constant 0 : i32
      %dma_wait3A_1534 = tpu.memref_slice %arg26[%dma_wait3A_1532, %dma_wait3A_1533] : memref<10112x128xf32, #tpu.memory_space<vmem_shared>> -> memref<10112x128xf32, #tpu.memory_space<vmem_shared>>
      tpu.wait_indirect_dma semaphore(%arg40 : memref<!tpu.dma_semaphore, #tpu.memory_space<semaphore_mem>>) src(%arg21 : memref<80x128xf32, #tpu.memory_space<vmem>>) dst(%dma_wait3A_1534 : memref<10112x128xf32, #tpu.memory_space<vmem_shared>>)
      %dma_start3A_1535 = arith.constant 0 : i32
      %dma_start3A_1536 = arith.constant 0 : i32
      %dma_start3A_1537 = tpu.memref_slice %arg2[%dma_start3A_1535, %dma_start3A_1536] : memref<20000x128xf32, #tpu.memory_space<hbm>> -> memref<20000x128xf32, #tpu.memory_space<hbm>>
      tpu.enqueue_indirect_dma source(%dma_start3A_1537 : memref<20000x128xf32, #tpu.memory_space<hbm>>) target(%arg21 : memref<80x128xf32, #tpu.memory_space<vmem>>) offsets(%arg5 : memref<80xi32, #tpu.memory_space<vmem>>) semaphore(%arg36 : memref<!tpu.dma_semaphore, #tpu.memory_space<semaphore_mem>>)
      %dma_wait3A_1538 = arith.constant 0 : i32
      %dma_wait3A_1539 = arith.constant 0 : i32
      %dma_wait3A_1540 = tpu.memref_slice %arg2[%dma_wait3A_1538, %dma_wait3A_1539] : memref<20000x128xf32, #tpu.memory_space<hbm>> -> memref<20000x128xf32, #tpu.memory_space<hbm>>
      tpu.wait_indirect_dma semaphore(%arg38 : memref<!tpu.dma_semaphore, #tpu.memory_space<semaphore_mem>>) src(%dma_wait3A_1540 : memref<20000x128xf32, #tpu.memory_space<hbm>>) dst(%arg23 : memref<80x128xf32, #tpu.memory_space<vmem>>)
      %dma_start3A_1541 = arith.constant 0 : i32
      %dma_start3A_1542 = arith.constant 0 : i32
      %dma_start3A_1543 = tpu.memref_slice %arg26[%dma_start3A_1541, %dma_start3A_1542] : memref<10112x128xf32, #tpu.memory_space<vmem_shared>> -> memref<10112x128xf32, #tpu.memory_space<vmem_shared>>
      tpu.enqueue_indirect_dma source(%arg23 : memref<80x128xf32, #tpu.memory_space<vmem>>) target(%dma_start3A_1543 : memref<10112x128xf32, #tpu.memory_space<vmem_shared>>) offsets(%arg19 : memref<80xi32, #tpu.memory_space<vmem>>) semaphore(%arg42 : memref<!tpu.dma_semaphore, #tpu.memory_space<semaphore_mem>>) {add = true}
      %add3A_1544 = arith.constant 4 : i32
      %add3A_1545 = arith.addi %add3A_1037, %add3A_1544 : i32
      %add3A_1546 = arith.constant 4 : i32
      %add3A_1547 = arith.addi %add3A_1545, %add3A_1546 : i32
      %lt3A_1548 = arith.constant 125 : i32
      %lt3A_1549 = arith.cmpi slt, %add3A_1547, %lt3A_1548 : i32
      %convert_element_type3A_1550 = arith.extui %lt3A_1549 : i1 to i32
      %cond3A_1551 = arith.constant 0 : i32
      %cond3A_1552 = arith.cmpi ne, %convert_element_type3A_1550, %cond3A_1551 : i32
      scf.if %cond3A_1552 {
        %add3A_1862 = arith.constant 4 : i32
        %add3A_1863 = arith.addi %add3A_1037, %add3A_1862 : i32
        %add3A_1864 = arith.constant 4 : i32
        %add3A_1865 = arith.addi %add3A_1863, %add3A_1864 : i32
        %mul3A_1866 = arith.constant 10000 : i32
        %mul3A_1867 = arith.muli %arg1, %mul3A_1866 : i32
        %mul3A_1868 = arith.constant 80 : i32
        %mul3A_1869 = arith.muli %add3A_1865, %mul3A_1868 : i32
        %add3A_1870 = arith.addi %mul3A_1867, %mul3A_1869 : i32
        %multiple_of3A_1871 = tpu.assume_multiple %add3A_1870, 8 : i32
        %dma_start3A_1872 = tpu.memref_slice %arg3[%multiple_of3A_1871] : memref<320000xi32, #tpu.memory_space<hbm>> -> memref<80xi32, #tpu.memory_space<hbm>>
        %dma_start3A_1873 = tpu.memref_slice %arg3[%multiple_of3A_1871] : memref<320000xi32, #tpu.memory_space<hbm>> -> memref<80xi32, #tpu.memory_space<hbm>>
        tpu.enqueue_dma source(%dma_start3A_1873 : memref<80xi32, #tpu.memory_space<hbm>>) target(%arg7 : memref<80xi32, #tpu.memory_space<vmem>>) target_semaphore(%arg29 : memref<!tpu.dma_semaphore, #tpu.memory_space<semaphore_mem>>)
        %mul3A_1874 = arith.constant 10000 : i32
        %mul3A_1875 = arith.muli %arg1, %mul3A_1874 : i32
        %add3A_1876 = arith.constant 160000 : i32
        %add3A_1877 = arith.addi %add3A_1876, %mul3A_1875 : i32
        %mul3A_1878 = arith.constant 80 : i32
        %mul3A_1879 = arith.muli %add3A_1865, %mul3A_1878 : i32
        %add3A_1880 = arith.addi %add3A_1877, %mul3A_1879 : i32
        %multiple_of3A_1881 = tpu.assume_multiple %add3A_1880, 8 : i32
        %dma_start3A_1882 = tpu.memref_slice %arg3[%multiple_of3A_1881] : memref<320000xi32, #tpu.memory_space<hbm>> -> memref<80xi32, #tpu.memory_space<hbm>>
        %dma_start3A_1883 = tpu.memref_slice %arg3[%multiple_of3A_1881] : memref<320000xi32, #tpu.memory_space<hbm>> -> memref<80xi32, #tpu.memory_space<hbm>>
        tpu.enqueue_dma source(%dma_start3A_1883 : memref<80xi32, #tpu.memory_space<hbm>>) target(%arg15 : memref<80xi32, #tpu.memory_space<vmem>>) target_semaphore(%arg29 : memref<!tpu.dma_semaphore, #tpu.memory_space<semaphore_mem>>)
      } else {
      }
      %add3A_1553 = arith.constant 5 : i32
      %add3A_1554 = arith.addi %add3A_1037, %add3A_1553 : i32
      %add3A_1555 = arith.constant 2 : i32
      %add3A_1556 = arith.addi %add3A_1554, %add3A_1555 : i32
      %mul3A_1557 = arith.constant 10000 : i32
      %mul3A_1558 = arith.muli %arg1, %mul3A_1557 : i32
      %mul3A_1559 = arith.constant 80 : i32
      %mul3A_1560 = arith.muli %add3A_1556, %mul3A_1559 : i32
      %add3A_1561 = arith.addi %mul3A_1558, %mul3A_1560 : i32
      %multiple_of3A_1562 = tpu.assume_multiple %add3A_1561, 8 : i32
      %dma_wait3A_1563 = tpu.memref_slice %arg3[%multiple_of3A_1562] : memref<320000xi32, #tpu.memory_space<hbm>> -> memref<80xi32, #tpu.memory_space<hbm>>
      %dma_wait3A_1564 = tpu.memref_slice %arg3[%multiple_of3A_1562] : memref<320000xi32, #tpu.memory_space<hbm>> -> memref<80xi32, #tpu.memory_space<hbm>>
      tpu.wait_dma2 semaphore(%arg28 : memref<!tpu.dma_semaphore, #tpu.memory_space<semaphore_mem>>) src(%dma_wait3A_1564 : memref<80xi32, #tpu.memory_space<hbm>>) dst(%arg6 : memref<80xi32, #tpu.memory_space<vmem>>)
      %mul3A_1565 = arith.constant 10000 : i32
      %mul3A_1566 = arith.muli %arg1, %mul3A_1565 : i32
      %add3A_1567 = arith.constant 160000 : i32
      %add3A_1568 = arith.addi %add3A_1567, %mul3A_1566 : i32
      %mul3A_1569 = arith.constant 80 : i32
      %mul3A_1570 = arith.muli %add3A_1556, %mul3A_1569 : i32
      %add3A_1571 = arith.addi %add3A_1568, %mul3A_1570 : i32
      %multiple_of3A_1572 = tpu.assume_multiple %add3A_1571, 8 : i32
      %dma_wait3A_1573 = tpu.memref_slice %arg3[%multiple_of3A_1572] : memref<320000xi32, #tpu.memory_space<hbm>> -> memref<80xi32, #tpu.memory_space<hbm>>
      %dma_wait3A_1574 = tpu.memref_slice %arg3[%multiple_of3A_1572] : memref<320000xi32, #tpu.memory_space<hbm>> -> memref<80xi32, #tpu.memory_space<hbm>>
      tpu.wait_dma2 semaphore(%arg28 : memref<!tpu.dma_semaphore, #tpu.memory_space<semaphore_mem>>) src(%dma_wait3A_1574 : memref<80xi32, #tpu.memory_space<hbm>>) dst(%arg14 : memref<80xi32, #tpu.memory_space<vmem>>)
      %get3A_1575 = arith.constant 0 : index
      %get3A_1576 = tpu.vector_load %arg6[%get3A_1575] {strides = array<i32>} : memref<80xi32, #tpu.memory_space<vmem>>, vector<16xi32>,
      %get3A_1577 = vector.shape_cast %get3A_1576 : vector<16xi32> to vector<16xi32>
      %mul3A_1578 = arith.constant 2 : i32
      %mul3A_1579 = vector.broadcast %mul3A_1578 : i32 to vector<16xi32>
      %mul3A_1580 = arith.muli %get3A_1577, %mul3A_1579 : vector<16xi32>
      %add3A_1581 = vector.broadcast %arg0 : i32 to vector<16xi32>
      %add3A_1582 = arith.addi %mul3A_1580, %add3A_1581 : vector<16xi32>
      %swap3A_1583 = arith.constant 0 : index
      %swap3A_1584 = tpu.vector_load %arg6[%swap3A_1583] {strides = array<i32>} : memref<80xi32, #tpu.memory_space<vmem>>, vector<16xi32>,
      %swap3A_1585 = vector.shape_cast %swap3A_1584 : vector<16xi32> to vector<16xi32>
      %swap3A_1586 = vector.shape_cast %add3A_1582 : vector<16xi32> to vector<16xi32>
      tpu.vector_store %arg6[%swap3A_1583], %swap3A_1586 {strides = array<i32>} : memref<80xi32, #tpu.memory_space<vmem>>, vector<16xi32>,
      %get3A_1587 = arith.constant 16 : index
      %get3A_1588 = tpu.vector_load %arg6[%get3A_1587] {strides = array<i32>} : memref<80xi32, #tpu.memory_space<vmem>>, vector<16xi32>,
      %get3A_1589 = vector.shape_cast %get3A_1588 : vector<16xi32> to vector<16xi32>
      %mul3A_1590 = arith.constant 2 : i32
      %mul3A_1591 = vector.broadcast %mul3A_1590 : i32 to vector<16xi32>
      %mul3A_1592 = arith.muli %get3A_1589, %mul3A_1591 : vector<16xi32>
      %add3A_1593 = vector.broadcast %arg0 : i32 to vector<16xi32>
      %add3A_1594 = arith.addi %mul3A_1592, %add3A_1593 : vector<16xi32>
      %swap3A_1595 = arith.constant 16 : index
      %swap3A_1596 = tpu.vector_load %arg6[%swap3A_1595] {strides = array<i32>} : memref<80xi32, #tpu.memory_space<vmem>>, vector<16xi32>,
      %swap3A_1597 = vector.shape_cast %swap3A_1596 : vector<16xi32> to vector<16xi32>
      %swap3A_1598 = vector.shape_cast %add3A_1594 : vector<16xi32> to vector<16xi32>
      tpu.vector_store %arg6[%swap3A_1595], %swap3A_1598 {strides = array<i32>} : memref<80xi32, #tpu.memory_space<vmem>>, vector<16xi32>,
      %get3A_1599 = arith.constant 32 : index
      %get3A_1600 = tpu.vector_load %arg6[%get3A_1599] {strides = array<i32>} : memref<80xi32, #tpu.memory_space<vmem>>, vector<16xi32>,
      %get3A_1601 = vector.shape_cast %get3A_1600 : vector<16xi32> to vector<16xi32>
      %mul3A_1602 = arith.constant 2 : i32
      %mul3A_1603 = vector.broadcast %mul3A_1602 : i32 to vector<16xi32>
      %mul3A_1604 = arith.muli %get3A_1601, %mul3A_1603 : vector<16xi32>
      %add3A_1605 = vector.broadcast %arg0 : i32 to vector<16xi32>
      %add3A_1606 = arith.addi %mul3A_1604, %add3A_1605 : vector<16xi32>
      %swap3A_1607 = arith.constant 32 : index
      %swap3A_1608 = tpu.vector_load %arg6[%swap3A_1607] {strides = array<i32>} : memref<80xi32, #tpu.memory_space<vmem>>, vector<16xi32>,
      %swap3A_1609 = vector.shape_cast %swap3A_1608 : vector<16xi32> to vector<16xi32>
      %swap3A_1610 = vector.shape_cast %add3A_1606 : vector<16xi32> to vector<16xi32>
      tpu.vector_store %arg6[%swap3A_1607], %swap3A_1610 {strides = array<i32>} : memref<80xi32, #tpu.memory_space<vmem>>, vector<16xi32>,
      %get3A_1611 = arith.constant 48 : index
      %get3A_1612 = tpu.vector_load %arg6[%get3A_1611] {strides = array<i32>} : memref<80xi32, #tpu.memory_space<vmem>>, vector<16xi32>,
      %get3A_1613 = vector.shape_cast %get3A_1612 : vector<16xi32> to vector<16xi32>
      %mul3A_1614 = arith.constant 2 : i32
      %mul3A_1615 = vector.broadcast %mul3A_1614 : i32 to vector<16xi32>
      %mul3A_1616 = arith.muli %get3A_1613, %mul3A_1615 : vector<16xi32>
      %add3A_1617 = vector.broadcast %arg0 : i32 to vector<16xi32>
      %add3A_1618 = arith.addi %mul3A_1616, %add3A_1617 : vector<16xi32>
      %swap3A_1619 = arith.constant 48 : index
      %swap3A_1620 = tpu.vector_load %arg6[%swap3A_1619] {strides = array<i32>} : memref<80xi32, #tpu.memory_space<vmem>>, vector<16xi32>,
      %swap3A_1621 = vector.shape_cast %swap3A_1620 : vector<16xi32> to vector<16xi32>
      %swap3A_1622 = vector.shape_cast %add3A_1618 : vector<16xi32> to vector<16xi32>
      tpu.vector_store %arg6[%swap3A_1619], %swap3A_1622 {strides = array<i32>} : memref<80xi32, #tpu.memory_space<vmem>>, vector<16xi32>,
      %get3A_1623 = arith.constant 64 : index
      %get3A_1624 = tpu.vector_load %arg6[%get3A_1623] {strides = array<i32>} : memref<80xi32, #tpu.memory_space<vmem>>, vector<16xi32>,
      %get3A_1625 = vector.shape_cast %get3A_1624 : vector<16xi32> to vector<16xi32>
      %mul3A_1626 = arith.constant 2 : i32
      %mul3A_1627 = vector.broadcast %mul3A_1626 : i32 to vector<16xi32>
      %mul3A_1628 = arith.muli %get3A_1625, %mul3A_1627 : vector<16xi32>
      %add3A_1629 = vector.broadcast %arg0 : i32 to vector<16xi32>
      %add3A_1630 = arith.addi %mul3A_1628, %add3A_1629 : vector<16xi32>
      %swap3A_1631 = arith.constant 64 : index
      %swap3A_1632 = tpu.vector_load %arg6[%swap3A_1631] {strides = array<i32>} : memref<80xi32, #tpu.memory_space<vmem>>, vector<16xi32>,
      %swap3A_1633 = vector.shape_cast %swap3A_1632 : vector<16xi32> to vector<16xi32>
      %swap3A_1634 = vector.shape_cast %add3A_1630 : vector<16xi32> to vector<16xi32>
      tpu.vector_store %arg6[%swap3A_1631], %swap3A_1634 {strides = array<i32>} : memref<80xi32, #tpu.memory_space<vmem>>, vector<16xi32>,
      %dma_wait3A_1635 = arith.constant 0 : i32
      %dma_wait3A_1636 = arith.constant 0 : i32
      %dma_wait3A_1637 = tpu.memref_slice %arg26[%dma_wait3A_1635, %dma_wait3A_1636] : memref<10112x128xf32, #tpu.memory_space<vmem_shared>> -> memref<10112x128xf32, #tpu.memory_space<vmem_shared>>
      tpu.wait_indirect_dma semaphore(%arg41 : memref<!tpu.dma_semaphore, #tpu.memory_space<semaphore_mem>>) src(%arg21 : memref<80x128xf32, #tpu.memory_space<vmem>>) dst(%dma_wait3A_1637 : memref<10112x128xf32, #tpu.memory_space<vmem_shared>>)
      %dma_start3A_1638 = arith.constant 0 : i32
      %dma_start3A_1639 = arith.constant 0 : i32
      %dma_start3A_1640 = tpu.memref_slice %arg2[%dma_start3A_1638, %dma_start3A_1639] : memref<20000x128xf32, #tpu.memory_space<hbm>> -> memref<20000x128xf32, #tpu.memory_space<hbm>>
      tpu.enqueue_indirect_dma source(%dma_start3A_1640 : memref<20000x128xf32, #tpu.memory_space<hbm>>) target(%arg22 : memref<80x128xf32, #tpu.memory_space<vmem>>) offsets(%arg6 : memref<80xi32, #tpu.memory_space<vmem>>) semaphore(%arg37 : memref<!tpu.dma_semaphore, #tpu.memory_space<semaphore_mem>>)
      %dma_wait3A_1641 = arith.constant 0 : i32
      %dma_wait3A_1642 = arith.constant 0 : i32
      %dma_wait3A_1643 = tpu.memref_slice %arg2[%dma_wait3A_1641, %dma_wait3A_1642] : memref<20000x128xf32, #tpu.memory_space<hbm>> -> memref<20000x128xf32, #tpu.memory_space<hbm>>
      tpu.wait_indirect_dma semaphore(%arg39 : memref<!tpu.dma_semaphore, #tpu.memory_space<semaphore_mem>>) src(%dma_wait3A_1643 : memref<20000x128xf32, #tpu.memory_space<hbm>>) dst(%arg24 : memref<80x128xf32, #tpu.memory_space<vmem>>)
      %dma_start3A_1644 = arith.constant 0 : i32
      %dma_start3A_1645 = arith.constant 0 : i32
      %dma_start3A_1646 = tpu.memref_slice %arg26[%dma_start3A_1644, %dma_start3A_1645] : memref<10112x128xf32, #tpu.memory_space<vmem_shared>> -> memref<10112x128xf32, #tpu.memory_space<vmem_shared>>
      tpu.enqueue_indirect_dma source(%arg24 : memref<80x128xf32, #tpu.memory_space<vmem>>) target(%dma_start3A_1646 : memref<10112x128xf32, #tpu.memory_space<vmem_shared>>) offsets(%arg20 : memref<80xi32, #tpu.memory_space<vmem>>) semaphore(%arg43 : memref<!tpu.dma_semaphore, #tpu.memory_space<semaphore_mem>>) {add = true}
      %add3A_1647 = arith.constant 5 : i32
      %add3A_1648 = arith.addi %add3A_1037, %add3A_1647 : i32
      %add3A_1649 = arith.constant 4 : i32
      %add3A_1650 = arith.addi %add3A_1648, %add3A_1649 : i32
      %lt3A_1651 = arith.constant 125 : i32
      %lt3A_1652 = arith.cmpi slt, %add3A_1650, %lt3A_1651 : i32
      %convert_element_type3A_1653 = arith.extui %lt3A_1652 : i1 to i32
      %cond3A_1654 = arith.constant 0 : i32
      %cond3A_1655 = arith.cmpi ne, %convert_element_type3A_1653, %cond3A_1654 : i32
      scf.if %cond3A_1655 {
        %add3A_1862 = arith.constant 5 : i32
        %add3A_1863 = arith.addi %add3A_1037, %add3A_1862 : i32
        %add3A_1864 = arith.constant 4 : i32
        %add3A_1865 = arith.addi %add3A_1863, %add3A_1864 : i32
        %mul3A_1866 = arith.constant 10000 : i32
        %mul3A_1867 = arith.muli %arg1, %mul3A_1866 : i32
        %mul3A_1868 = arith.constant 80 : i32
        %mul3A_1869 = arith.muli %add3A_1865, %mul3A_1868 : i32
        %add3A_1870 = arith.addi %mul3A_1867, %mul3A_1869 : i32
        %multiple_of3A_1871 = tpu.assume_multiple %add3A_1870, 8 : i32
        %dma_start3A_1872 = tpu.memref_slice %arg3[%multiple_of3A_1871] : memref<320000xi32, #tpu.memory_space<hbm>> -> memref<80xi32, #tpu.memory_space<hbm>>
        %dma_start3A_1873 = tpu.memref_slice %arg3[%multiple_of3A_1871] : memref<320000xi32, #tpu.memory_space<hbm>> -> memref<80xi32, #tpu.memory_space<hbm>>
        tpu.enqueue_dma source(%dma_start3A_1873 : memref<80xi32, #tpu.memory_space<hbm>>) target(%arg8 : memref<80xi32, #tpu.memory_space<vmem>>) target_semaphore(%arg30 : memref<!tpu.dma_semaphore, #tpu.memory_space<semaphore_mem>>)
        %mul3A_1874 = arith.constant 10000 : i32
        %mul3A_1875 = arith.muli %arg1, %mul3A_1874 : i32
        %add3A_1876 = arith.constant 160000 : i32
        %add3A_1877 = arith.addi %add3A_1876, %mul3A_1875 : i32
        %mul3A_1878 = arith.constant 80 : i32
        %mul3A_1879 = arith.muli %add3A_1865, %mul3A_1878 : i32
        %add3A_1880 = arith.addi %add3A_1877, %mul3A_1879 : i32
        %multiple_of3A_1881 = tpu.assume_multiple %add3A_1880, 8 : i32
        %dma_start3A_1882 = tpu.memref_slice %arg3[%multiple_of3A_1881] : memref<320000xi32, #tpu.memory_space<hbm>> -> memref<80xi32, #tpu.memory_space<hbm>>
        %dma_start3A_1883 = tpu.memref_slice %arg3[%multiple_of3A_1881] : memref<320000xi32, #tpu.memory_space<hbm>> -> memref<80xi32, #tpu.memory_space<hbm>>
        tpu.enqueue_dma source(%dma_start3A_1883 : memref<80xi32, #tpu.memory_space<hbm>>) target(%arg16 : memref<80xi32, #tpu.memory_space<vmem>>) target_semaphore(%arg30 : memref<!tpu.dma_semaphore, #tpu.memory_space<semaphore_mem>>)
      } else {
      }
      %add3A_1656 = arith.constant 6 : i32
      %add3A_1657 = arith.addi %add3A_1037, %add3A_1656 : i32
      %add3A_1658 = arith.constant 2 : i32
      %add3A_1659 = arith.addi %add3A_1657, %add3A_1658 : i32
      %mul3A_1660 = arith.constant 10000 : i32
      %mul3A_1661 = arith.muli %arg1, %mul3A_1660 : i32
      %mul3A_1662 = arith.constant 80 : i32
      %mul3A_1663 = arith.muli %add3A_1659, %mul3A_1662 : i32
      %add3A_1664 = arith.addi %mul3A_1661, %mul3A_1663 : i32
      %multiple_of3A_1665 = tpu.assume_multiple %add3A_1664, 8 : i32
      %dma_wait3A_1666 = tpu.memref_slice %arg3[%multiple_of3A_1665] : memref<320000xi32, #tpu.memory_space<hbm>> -> memref<80xi32, #tpu.memory_space<hbm>>
      %dma_wait3A_1667 = tpu.memref_slice %arg3[%multiple_of3A_1665] : memref<320000xi32, #tpu.memory_space<hbm>> -> memref<80xi32, #tpu.memory_space<hbm>>
      tpu.wait_dma2 semaphore(%arg29 : memref<!tpu.dma_semaphore, #tpu.memory_space<semaphore_mem>>) src(%dma_wait3A_1667 : memref<80xi32, #tpu.memory_space<hbm>>) dst(%arg7 : memref<80xi32, #tpu.memory_space<vmem>>)
      %mul3A_1668 = arith.constant 10000 : i32
      %mul3A_1669 = arith.muli %arg1, %mul3A_1668 : i32
      %add3A_1670 = arith.constant 160000 : i32
      %add3A_1671 = arith.addi %add3A_1670, %mul3A_1669 : i32
      %mul3A_1672 = arith.constant 80 : i32
      %mul3A_1673 = arith.muli %add3A_1659, %mul3A_1672 : i32
      %add3A_1674 = arith.addi %add3A_1671, %mul3A_1673 : i32
      %multiple_of3A_1675 = tpu.assume_multiple %add3A_1674, 8 : i32
      %dma_wait3A_1676 = tpu.memref_slice %arg3[%multiple_of3A_1675] : memref<320000xi32, #tpu.memory_space<hbm>> -> memref<80xi32, #tpu.memory_space<hbm>>
      %dma_wait3A_1677 = tpu.memref_slice %arg3[%multiple_of3A_1675] : memref<320000xi32, #tpu.memory_space<hbm>> -> memref<80xi32, #tpu.memory_space<hbm>>
      tpu.wait_dma2 semaphore(%arg29 : memref<!tpu.dma_semaphore, #tpu.memory_space<semaphore_mem>>) src(%dma_wait3A_1677 : memref<80xi32, #tpu.memory_space<hbm>>) dst(%arg15 : memref<80xi32, #tpu.memory_space<vmem>>)
      %get3A_1678 = arith.constant 0 : index
      %get3A_1679 = tpu.vector_load %arg7[%get3A_1678] {strides = array<i32>} : memref<80xi32, #tpu.memory_space<vmem>>, vector<16xi32>,
      %get3A_1680 = vector.shape_cast %get3A_1679 : vector<16xi32> to vector<16xi32>
      %mul3A_1681 = arith.constant 2 : i32
      %mul3A_1682 = vector.broadcast %mul3A_1681 : i32 to vector<16xi32>
      %mul3A_1683 = arith.muli %get3A_1680, %mul3A_1682 : vector<16xi32>
      %add3A_1684 = vector.broadcast %arg0 : i32 to vector<16xi32>
      %add3A_1685 = arith.addi %mul3A_1683, %add3A_1684 : vector<16xi32>
      %swap3A_1686 = arith.constant 0 : index
      %swap3A_1687 = tpu.vector_load %arg7[%swap3A_1686] {strides = array<i32>} : memref<80xi32, #tpu.memory_space<vmem>>, vector<16xi32>,
      %swap3A_1688 = vector.shape_cast %swap3A_1687 : vector<16xi32> to vector<16xi32>
      %swap3A_1689 = vector.shape_cast %add3A_1685 : vector<16xi32> to vector<16xi32>
      tpu.vector_store %arg7[%swap3A_1686], %swap3A_1689 {strides = array<i32>} : memref<80xi32, #tpu.memory_space<vmem>>, vector<16xi32>,
      %get3A_1690 = arith.constant 16 : index
      %get3A_1691 = tpu.vector_load %arg7[%get3A_1690] {strides = array<i32>} : memref<80xi32, #tpu.memory_space<vmem>>, vector<16xi32>,
      %get3A_1692 = vector.shape_cast %get3A_1691 : vector<16xi32> to vector<16xi32>
      %mul3A_1693 = arith.constant 2 : i32
      %mul3A_1694 = vector.broadcast %mul3A_1693 : i32 to vector<16xi32>
      %mul3A_1695 = arith.muli %get3A_1692, %mul3A_1694 : vector<16xi32>
      %add3A_1696 = vector.broadcast %arg0 : i32 to vector<16xi32>
      %add3A_1697 = arith.addi %mul3A_1695, %add3A_1696 : vector<16xi32>
      %swap3A_1698 = arith.constant 16 : index
      %swap3A_1699 = tpu.vector_load %arg7[%swap3A_1698] {strides = array<i32>} : memref<80xi32, #tpu.memory_space<vmem>>, vector<16xi32>,
      %swap3A_1700 = vector.shape_cast %swap3A_1699 : vector<16xi32> to vector<16xi32>
      %swap3A_1701 = vector.shape_cast %add3A_1697 : vector<16xi32> to vector<16xi32>
      tpu.vector_store %arg7[%swap3A_1698], %swap3A_1701 {strides = array<i32>} : memref<80xi32, #tpu.memory_space<vmem>>, vector<16xi32>,
      %get3A_1702 = arith.constant 32 : index
      %get3A_1703 = tpu.vector_load %arg7[%get3A_1702] {strides = array<i32>} : memref<80xi32, #tpu.memory_space<vmem>>, vector<16xi32>,
      %get3A_1704 = vector.shape_cast %get3A_1703 : vector<16xi32> to vector<16xi32>
      %mul3A_1705 = arith.constant 2 : i32
      %mul3A_1706 = vector.broadcast %mul3A_1705 : i32 to vector<16xi32>
      %mul3A_1707 = arith.muli %get3A_1704, %mul3A_1706 : vector<16xi32>
      %add3A_1708 = vector.broadcast %arg0 : i32 to vector<16xi32>
      %add3A_1709 = arith.addi %mul3A_1707, %add3A_1708 : vector<16xi32>
      %swap3A_1710 = arith.constant 32 : index
      %swap3A_1711 = tpu.vector_load %arg7[%swap3A_1710] {strides = array<i32>} : memref<80xi32, #tpu.memory_space<vmem>>, vector<16xi32>,
      %swap3A_1712 = vector.shape_cast %swap3A_1711 : vector<16xi32> to vector<16xi32>
      %swap3A_1713 = vector.shape_cast %add3A_1709 : vector<16xi32> to vector<16xi32>
      tpu.vector_store %arg7[%swap3A_1710], %swap3A_1713 {strides = array<i32>} : memref<80xi32, #tpu.memory_space<vmem>>, vector<16xi32>,
      %get3A_1714 = arith.constant 48 : index
      %get3A_1715 = tpu.vector_load %arg7[%get3A_1714] {strides = array<i32>} : memref<80xi32, #tpu.memory_space<vmem>>, vector<16xi32>,
      %get3A_1716 = vector.shape_cast %get3A_1715 : vector<16xi32> to vector<16xi32>
      %mul3A_1717 = arith.constant 2 : i32
      %mul3A_1718 = vector.broadcast %mul3A_1717 : i32 to vector<16xi32>
      %mul3A_1719 = arith.muli %get3A_1716, %mul3A_1718 : vector<16xi32>
      %add3A_1720 = vector.broadcast %arg0 : i32 to vector<16xi32>
      %add3A_1721 = arith.addi %mul3A_1719, %add3A_1720 : vector<16xi32>
      %swap3A_1722 = arith.constant 48 : index
      %swap3A_1723 = tpu.vector_load %arg7[%swap3A_1722] {strides = array<i32>} : memref<80xi32, #tpu.memory_space<vmem>>, vector<16xi32>,
      %swap3A_1724 = vector.shape_cast %swap3A_1723 : vector<16xi32> to vector<16xi32>
      %swap3A_1725 = vector.shape_cast %add3A_1721 : vector<16xi32> to vector<16xi32>
      tpu.vector_store %arg7[%swap3A_1722], %swap3A_1725 {strides = array<i32>} : memref<80xi32, #tpu.memory_space<vmem>>, vector<16xi32>,
      %get3A_1726 = arith.constant 64 : index
      %get3A_1727 = tpu.vector_load %arg7[%get3A_1726] {strides = array<i32>} : memref<80xi32, #tpu.memory_space<vmem>>, vector<16xi32>,
      %get3A_1728 = vector.shape_cast %get3A_1727 : vector<16xi32> to vector<16xi32>
      %mul3A_1729 = arith.constant 2 : i32
      %mul3A_1730 = vector.broadcast %mul3A_1729 : i32 to vector<16xi32>
      %mul3A_1731 = arith.muli %get3A_1728, %mul3A_1730 : vector<16xi32>
      %add3A_1732 = vector.broadcast %arg0 : i32 to vector<16xi32>
      %add3A_1733 = arith.addi %mul3A_1731, %add3A_1732 : vector<16xi32>
      %swap3A_1734 = arith.constant 64 : index
      %swap3A_1735 = tpu.vector_load %arg7[%swap3A_1734] {strides = array<i32>} : memref<80xi32, #tpu.memory_space<vmem>>, vector<16xi32>,
      %swap3A_1736 = vector.shape_cast %swap3A_1735 : vector<16xi32> to vector<16xi32>
      %swap3A_1737 = vector.shape_cast %add3A_1733 : vector<16xi32> to vector<16xi32>
      tpu.vector_store %arg7[%swap3A_1734], %swap3A_1737 {strides = array<i32>} : memref<80xi32, #tpu.memory_space<vmem>>, vector<16xi32>,
      %dma_wait3A_1738 = arith.constant 0 : i32
      %dma_wait3A_1739 = arith.constant 0 : i32
      %dma_wait3A_1740 = tpu.memref_slice %arg26[%dma_wait3A_1738, %dma_wait3A_1739] : memref<10112x128xf32, #tpu.memory_space<vmem_shared>> -> memref<10112x128xf32, #tpu.memory_space<vmem_shared>>
      tpu.wait_indirect_dma semaphore(%arg42 : memref<!tpu.dma_semaphore, #tpu.memory_space<semaphore_mem>>) src(%arg21 : memref<80x128xf32, #tpu.memory_space<vmem>>) dst(%dma_wait3A_1740 : memref<10112x128xf32, #tpu.memory_space<vmem_shared>>)
      %dma_start3A_1741 = arith.constant 0 : i32
      %dma_start3A_1742 = arith.constant 0 : i32
      %dma_start3A_1743 = tpu.memref_slice %arg2[%dma_start3A_1741, %dma_start3A_1742] : memref<20000x128xf32, #tpu.memory_space<hbm>> -> memref<20000x128xf32, #tpu.memory_space<hbm>>
      tpu.enqueue_indirect_dma source(%dma_start3A_1743 : memref<20000x128xf32, #tpu.memory_space<hbm>>) target(%arg23 : memref<80x128xf32, #tpu.memory_space<vmem>>) offsets(%arg7 : memref<80xi32, #tpu.memory_space<vmem>>) semaphore(%arg38 : memref<!tpu.dma_semaphore, #tpu.memory_space<semaphore_mem>>)
      %dma_wait3A_1744 = arith.constant 0 : i32
      %dma_wait3A_1745 = arith.constant 0 : i32
      %dma_wait3A_1746 = tpu.memref_slice %arg2[%dma_wait3A_1744, %dma_wait3A_1745] : memref<20000x128xf32, #tpu.memory_space<hbm>> -> memref<20000x128xf32, #tpu.memory_space<hbm>>
      tpu.wait_indirect_dma semaphore(%arg36 : memref<!tpu.dma_semaphore, #tpu.memory_space<semaphore_mem>>) src(%dma_wait3A_1746 : memref<20000x128xf32, #tpu.memory_space<hbm>>) dst(%arg21 : memref<80x128xf32, #tpu.memory_space<vmem>>)
      %dma_start3A_1747 = arith.constant 0 : i32
      %dma_start3A_1748 = arith.constant 0 : i32
      %dma_start3A_1749 = tpu.memref_slice %arg26[%dma_start3A_1747, %dma_start3A_1748] : memref<10112x128xf32, #tpu.memory_space<vmem_shared>> -> memref<10112x128xf32, #tpu.memory_space<vmem_shared>>
      tpu.enqueue_indirect_dma source(%arg21 : memref<80x128xf32, #tpu.memory_space<vmem>>) target(%dma_start3A_1749 : memref<10112x128xf32, #tpu.memory_space<vmem_shared>>) offsets(%arg13 : memref<80xi32, #tpu.memory_space<vmem>>) semaphore(%arg40 : memref<!tpu.dma_semaphore, #tpu.memory_space<semaphore_mem>>) {add = true}
      %add3A_1750 = arith.constant 6 : i32
      %add3A_1751 = arith.addi %add3A_1037, %add3A_1750 : i32
      %add3A_1752 = arith.constant 4 : i32
      %add3A_1753 = arith.addi %add3A_1751, %add3A_1752 : i32
      %lt3A_1754 = arith.constant 125 : i32
      %lt3A_1755 = arith.cmpi slt, %add3A_1753, %lt3A_1754 : i32
      %convert_element_type3A_1756 = arith.extui %lt3A_1755 : i1 to i32
      %cond3A_1757 = arith.constant 0 : i32
      %cond3A_1758 = arith.cmpi ne, %convert_element_type3A_1756, %cond3A_1757 : i32
      scf.if %cond3A_1758 {
        %add3A_1862 = arith.constant 6 : i32
        %add3A_1863 = arith.addi %add3A_1037, %add3A_1862 : i32
        %add3A_1864 = arith.constant 4 : i32
        %add3A_1865 = arith.addi %add3A_1863, %add3A_1864 : i32
        %mul3A_1866 = arith.constant 10000 : i32
        %mul3A_1867 = arith.muli %arg1, %mul3A_1866 : i32
        %mul3A_1868 = arith.constant 80 : i32
        %mul3A_1869 = arith.muli %add3A_1865, %mul3A_1868 : i32
        %add3A_1870 = arith.addi %mul3A_1867, %mul3A_1869 : i32
        %multiple_of3A_1871 = tpu.assume_multiple %add3A_1870, 8 : i32
        %dma_start3A_1872 = tpu.memref_slice %arg3[%multiple_of3A_1871] : memref<320000xi32, #tpu.memory_space<hbm>> -> memref<80xi32, #tpu.memory_space<hbm>>
        %dma_start3A_1873 = tpu.memref_slice %arg3[%multiple_of3A_1871] : memref<320000xi32, #tpu.memory_space<hbm>> -> memref<80xi32, #tpu.memory_space<hbm>>
        tpu.enqueue_dma source(%dma_start3A_1873 : memref<80xi32, #tpu.memory_space<hbm>>) target(%arg9 : memref<80xi32, #tpu.memory_space<vmem>>) target_semaphore(%arg31 : memref<!tpu.dma_semaphore, #tpu.memory_space<semaphore_mem>>)
        %mul3A_1874 = arith.constant 10000 : i32
        %mul3A_1875 = arith.muli %arg1, %mul3A_1874 : i32
        %add3A_1876 = arith.constant 160000 : i32
        %add3A_1877 = arith.addi %add3A_1876, %mul3A_1875 : i32
        %mul3A_1878 = arith.constant 80 : i32
        %mul3A_1879 = arith.muli %add3A_1865, %mul3A_1878 : i32
        %add3A_1880 = arith.addi %add3A_1877, %mul3A_1879 : i32
        %multiple_of3A_1881 = tpu.assume_multiple %add3A_1880, 8 : i32
        %dma_start3A_1882 = tpu.memref_slice %arg3[%multiple_of3A_1881] : memref<320000xi32, #tpu.memory_space<hbm>> -> memref<80xi32, #tpu.memory_space<hbm>>
        %dma_start3A_1883 = tpu.memref_slice %arg3[%multiple_of3A_1881] : memref<320000xi32, #tpu.memory_space<hbm>> -> memref<80xi32, #tpu.memory_space<hbm>>
        tpu.enqueue_dma source(%dma_start3A_1883 : memref<80xi32, #tpu.memory_space<hbm>>) target(%arg17 : memref<80xi32, #tpu.memory_space<vmem>>) target_semaphore(%arg31 : memref<!tpu.dma_semaphore, #tpu.memory_space<semaphore_mem>>)
      } else {
      }
      %add3A_1759 = arith.constant 7 : i32
      %add3A_1760 = arith.addi %add3A_1037, %add3A_1759 : i32
      %add3A_1761 = arith.constant 2 : i32
      %add3A_1762 = arith.addi %add3A_1760, %add3A_1761 : i32
      %mul3A_1763 = arith.constant 10000 : i32
      %mul3A_1764 = arith.muli %arg1, %mul3A_1763 : i32
      %mul3A_1765 = arith.constant 80 : i32
      %mul3A_1766 = arith.muli %add3A_1762, %mul3A_1765 : i32
      %add3A_1767 = arith.addi %mul3A_1764, %mul3A_1766 : i32
      %multiple_of3A_1768 = tpu.assume_multiple %add3A_1767, 8 : i32
      %dma_wait3A_1769 = tpu.memref_slice %arg3[%multiple_of3A_1768] : memref<320000xi32, #tpu.memory_space<hbm>> -> memref<80xi32, #tpu.memory_space<hbm>>
      %dma_wait3A_1770 = tpu.memref_slice %arg3[%multiple_of3A_1768] : memref<320000xi32, #tpu.memory_space<hbm>> -> memref<80xi32, #tpu.memory_space<hbm>>
      tpu.wait_dma2 semaphore(%arg30 : memref<!tpu.dma_semaphore, #tpu.memory_space<semaphore_mem>>) src(%dma_wait3A_1770 : memref<80xi32, #tpu.memory_space<hbm>>) dst(%arg8 : memref<80xi32, #tpu.memory_space<vmem>>)
      %mul3A_1771 = arith.constant 10000 : i32
      %mul3A_1772 = arith.muli %arg1, %mul3A_1771 : i32
      %add3A_1773 = arith.constant 160000 : i32
      %add3A_1774 = arith.addi %add3A_1773, %mul3A_1772 : i32
      %mul3A_1775 = arith.constant 80 : i32
      %mul3A_1776 = arith.muli %add3A_1762, %mul3A_1775 : i32
      %add3A_1777 = arith.addi %add3A_1774, %mul3A_1776 : i32
      %multiple_of3A_1778 = tpu.assume_multiple %add3A_1777, 8 : i32
      %dma_wait3A_1779 = tpu.memref_slice %arg3[%multiple_of3A_1778] : memref<320000xi32, #tpu.memory_space<hbm>> -> memref<80xi32, #tpu.memory_space<hbm>>
      %dma_wait3A_1780 = tpu.memref_slice %arg3[%multiple_of3A_1778] : memref<320000xi32, #tpu.memory_space<hbm>> -> memref<80xi32, #tpu.memory_space<hbm>>
      tpu.wait_dma2 semaphore(%arg30 : memref<!tpu.dma_semaphore, #tpu.memory_space<semaphore_mem>>) src(%dma_wait3A_1780 : memref<80xi32, #tpu.memory_space<hbm>>) dst(%arg16 : memref<80xi32, #tpu.memory_space<vmem>>)
      %get3A_1781 = arith.constant 0 : index
      %get3A_1782 = tpu.vector_load %arg8[%get3A_1781] {strides = array<i32>} : memref<80xi32, #tpu.memory_space<vmem>>, vector<16xi32>,
      %get3A_1783 = vector.shape_cast %get3A_1782 : vector<16xi32> to vector<16xi32>
      %mul3A_1784 = arith.constant 2 : i32
      %mul3A_1785 = vector.broadcast %mul3A_1784 : i32 to vector<16xi32>
      %mul3A_1786 = arith.muli %get3A_1783, %mul3A_1785 : vector<16xi32>
      %add3A_1787 = vector.broadcast %arg0 : i32 to vector<16xi32>
      %add3A_1788 = arith.addi %mul3A_1786, %add3A_1787 : vector<16xi32>
      %swap3A_1789 = arith.constant 0 : index
      %swap3A_1790 = tpu.vector_load %arg8[%swap3A_1789] {strides = array<i32>} : memref<80xi32, #tpu.memory_space<vmem>>, vector<16xi32>,
      %swap3A_1791 = vector.shape_cast %swap3A_1790 : vector<16xi32> to vector<16xi32>
      %swap3A_1792 = vector.shape_cast %add3A_1788 : vector<16xi32> to vector<16xi32>
      tpu.vector_store %arg8[%swap3A_1789], %swap3A_1792 {strides = array<i32>} : memref<80xi32, #tpu.memory_space<vmem>>, vector<16xi32>,
      %get3A_1793 = arith.constant 16 : index
      %get3A_1794 = tpu.vector_load %arg8[%get3A_1793] {strides = array<i32>} : memref<80xi32, #tpu.memory_space<vmem>>, vector<16xi32>,
      %get3A_1795 = vector.shape_cast %get3A_1794 : vector<16xi32> to vector<16xi32>
      %mul3A_1796 = arith.constant 2 : i32
      %mul3A_1797 = vector.broadcast %mul3A_1796 : i32 to vector<16xi32>
      %mul3A_1798 = arith.muli %get3A_1795, %mul3A_1797 : vector<16xi32>
      %add3A_1799 = vector.broadcast %arg0 : i32 to vector<16xi32>
      %add3A_1800 = arith.addi %mul3A_1798, %add3A_1799 : vector<16xi32>
      %swap3A_1801 = arith.constant 16 : index
      %swap3A_1802 = tpu.vector_load %arg8[%swap3A_1801] {strides = array<i32>} : memref<80xi32, #tpu.memory_space<vmem>>, vector<16xi32>,
      %swap3A_1803 = vector.shape_cast %swap3A_1802 : vector<16xi32> to vector<16xi32>
      %swap3A_1804 = vector.shape_cast %add3A_1800 : vector<16xi32> to vector<16xi32>
      tpu.vector_store %arg8[%swap3A_1801], %swap3A_1804 {strides = array<i32>} : memref<80xi32, #tpu.memory_space<vmem>>, vector<16xi32>,
      %get3A_1805 = arith.constant 32 : index
      %get3A_1806 = tpu.vector_load %arg8[%get3A_1805] {strides = array<i32>} : memref<80xi32, #tpu.memory_space<vmem>>, vector<16xi32>,
      %get3A_1807 = vector.shape_cast %get3A_1806 : vector<16xi32> to vector<16xi32>
      %mul3A_1808 = arith.constant 2 : i32
      %mul3A_1809 = vector.broadcast %mul3A_1808 : i32 to vector<16xi32>
      %mul3A_1810 = arith.muli %get3A_1807, %mul3A_1809 : vector<16xi32>
      %add3A_1811 = vector.broadcast %arg0 : i32 to vector<16xi32>
      %add3A_1812 = arith.addi %mul3A_1810, %add3A_1811 : vector<16xi32>
      %swap3A_1813 = arith.constant 32 : index
      %swap3A_1814 = tpu.vector_load %arg8[%swap3A_1813] {strides = array<i32>} : memref<80xi32, #tpu.memory_space<vmem>>, vector<16xi32>,
      %swap3A_1815 = vector.shape_cast %swap3A_1814 : vector<16xi32> to vector<16xi32>
      %swap3A_1816 = vector.shape_cast %add3A_1812 : vector<16xi32> to vector<16xi32>
      tpu.vector_store %arg8[%swap3A_1813], %swap3A_1816 {strides = array<i32>} : memref<80xi32, #tpu.memory_space<vmem>>, vector<16xi32>,
      %get3A_1817 = arith.constant 48 : index
      %get3A_1818 = tpu.vector_load %arg8[%get3A_1817] {strides = array<i32>} : memref<80xi32, #tpu.memory_space<vmem>>, vector<16xi32>,
      %get3A_1819 = vector.shape_cast %get3A_1818 : vector<16xi32> to vector<16xi32>
      %mul3A_1820 = arith.constant 2 : i32
      %mul3A_1821 = vector.broadcast %mul3A_1820 : i32 to vector<16xi32>
      %mul3A_1822 = arith.muli %get3A_1819, %mul3A_1821 : vector<16xi32>
      %add3A_1823 = vector.broadcast %arg0 : i32 to vector<16xi32>
      %add3A_1824 = arith.addi %mul3A_1822, %add3A_1823 : vector<16xi32>
      %swap3A_1825 = arith.constant 48 : index
      %swap3A_1826 = tpu.vector_load %arg8[%swap3A_1825] {strides = array<i32>} : memref<80xi32, #tpu.memory_space<vmem>>, vector<16xi32>,
      %swap3A_1827 = vector.shape_cast %swap3A_1826 : vector<16xi32> to vector<16xi32>
      %swap3A_1828 = vector.shape_cast %add3A_1824 : vector<16xi32> to vector<16xi32>
      tpu.vector_store %arg8[%swap3A_1825], %swap3A_1828 {strides = array<i32>} : memref<80xi32, #tpu.memory_space<vmem>>, vector<16xi32>,
      %get3A_1829 = arith.constant 64 : index
      %get3A_1830 = tpu.vector_load %arg8[%get3A_1829] {strides = array<i32>} : memref<80xi32, #tpu.memory_space<vmem>>, vector<16xi32>,
      %get3A_1831 = vector.shape_cast %get3A_1830 : vector<16xi32> to vector<16xi32>
      %mul3A_1832 = arith.constant 2 : i32
      %mul3A_1833 = vector.broadcast %mul3A_1832 : i32 to vector<16xi32>
      %mul3A_1834 = arith.muli %get3A_1831, %mul3A_1833 : vector<16xi32>
      %add3A_1835 = vector.broadcast %arg0 : i32 to vector<16xi32>
      %add3A_1836 = arith.addi %mul3A_1834, %add3A_1835 : vector<16xi32>
      %swap3A_1837 = arith.constant 64 : index
      %swap3A_1838 = tpu.vector_load %arg8[%swap3A_1837] {strides = array<i32>} : memref<80xi32, #tpu.memory_space<vmem>>, vector<16xi32>,
      %swap3A_1839 = vector.shape_cast %swap3A_1838 : vector<16xi32> to vector<16xi32>
      %swap3A_1840 = vector.shape_cast %add3A_1836 : vector<16xi32> to vector<16xi32>
      tpu.vector_store %arg8[%swap3A_1837], %swap3A_1840 {strides = array<i32>} : memref<80xi32, #tpu.memory_space<vmem>>, vector<16xi32>,
      %dma_wait3A_1841 = arith.constant 0 : i32
      %dma_wait3A_1842 = arith.constant 0 : i32
      %dma_wait3A_1843 = tpu.memref_slice %arg26[%dma_wait3A_1841, %dma_wait3A_1842] : memref<10112x128xf32, #tpu.memory_space<vmem_shared>> -> memref<10112x128xf32, #tpu.memory_space<vmem_shared>>
      tpu.wait_indirect_dma semaphore(%arg43 : memref<!tpu.dma_semaphore, #tpu.memory_space<semaphore_mem>>) src(%arg21 : memref<80x128xf32, #tpu.memory_space<vmem>>) dst(%dma_wait3A_1843 : memref<10112x128xf32, #tpu.memory_space<vmem_shared>>)
      %dma_start3A_1844 = arith.constant 0 : i32
      %dma_start3A_1845 = arith.constant 0 : i32
      %dma_start3A_1846 = tpu.memref_slice %arg2[%dma_start3A_1844, %dma_start3A_1845] : memref<20000x128xf32, #tpu.memory_space<hbm>> -> memref<20000x128xf32, #tpu.memory_space<hbm>>
      tpu.enqueue_indirect_dma source(%dma_start3A_1846 : memref<20000x128xf32, #tpu.memory_space<hbm>>) target(%arg24 : memref<80x128xf32, #tpu.memory_space<vmem>>) offsets(%arg8 : memref<80xi32, #tpu.memory_space<vmem>>) semaphore(%arg39 : memref<!tpu.dma_semaphore, #tpu.memory_space<semaphore_mem>>)
      %dma_wait3A_1847 = arith.constant 0 : i32
      %dma_wait3A_1848 = arith.constant 0 : i32
      %dma_wait3A_1849 = tpu.memref_slice %arg2[%dma_wait3A_1847, %dma_wait3A_1848] : memref<20000x128xf32, #tpu.memory_space<hbm>> -> memref<20000x128xf32, #tpu.memory_space<hbm>>
      tpu.wait_indirect_dma semaphore(%arg37 : memref<!tpu.dma_semaphore, #tpu.memory_space<semaphore_mem>>) src(%dma_wait3A_1849 : memref<20000x128xf32, #tpu.memory_space<hbm>>) dst(%arg22 : memref<80x128xf32, #tpu.memory_space<vmem>>)
      %dma_start3A_1850 = arith.constant 0 : i32
      %dma_start3A_1851 = arith.constant 0 : i32
      %dma_start3A_1852 = tpu.memref_slice %arg26[%dma_start3A_1850, %dma_start3A_1851] : memref<10112x128xf32, #tpu.memory_space<vmem_shared>> -> memref<10112x128xf32, #tpu.memory_space<vmem_shared>>
      tpu.enqueue_indirect_dma source(%arg22 : memref<80x128xf32, #tpu.memory_space<vmem>>) target(%dma_start3A_1852 : memref<10112x128xf32, #tpu.memory_space<vmem_shared>>) offsets(%arg14 : memref<80xi32, #tpu.memory_space<vmem>>) semaphore(%arg41 : memref<!tpu.dma_semaphore, #tpu.memory_space<semaphore_mem>>) {add = true}
      %add3A_1853 = arith.constant 7 : i32
      %add3A_1854 = arith.addi %add3A_1037, %add3A_1853 : i32
      %add3A_1855 = arith.constant 4 : i32
      %add3A_1856 = arith.addi %add3A_1854, %add3A_1855 : i32
      %lt3A_1857 = arith.constant 125 : i32
      %lt3A_1858 = arith.cmpi slt, %add3A_1856, %lt3A_1857 : i32
      %convert_element_type3A_1859 = arith.extui %lt3A_1858 : i1 to i32
      %cond3A_1860 = arith.constant 0 : i32
      %cond3A_1861 = arith.cmpi ne, %convert_element_type3A_1859, %cond3A_1860 : i32
      scf.if %cond3A_1861 {
        %add3A_1862 = arith.constant 7 : i32
        %add3A_1863 = arith.addi %add3A_1037, %add3A_1862 : i32
        %add3A_1864 = arith.constant 4 : i32
        %add3A_1865 = arith.addi %add3A_1863, %add3A_1864 : i32
        %mul3A_1866 = arith.constant 10000 : i32
        %mul3A_1867 = arith.muli %arg1, %mul3A_1866 : i32
        %mul3A_1868 = arith.constant 80 : i32
        %mul3A_1869 = arith.muli %add3A_1865, %mul3A_1868 : i32
        %add3A_1870 = arith.addi %mul3A_1867, %mul3A_1869 : i32
        %multiple_of3A_1871 = tpu.assume_multiple %add3A_1870, 8 : i32
        %dma_start3A_1872 = tpu.memref_slice %arg3[%multiple_of3A_1871] : memref<320000xi32, #tpu.memory_space<hbm>> -> memref<80xi32, #tpu.memory_space<hbm>>
        %dma_start3A_1873 = tpu.memref_slice %arg3[%multiple_of3A_1871] : memref<320000xi32, #tpu.memory_space<hbm>> -> memref<80xi32, #tpu.memory_space<hbm>>
        tpu.enqueue_dma source(%dma_start3A_1873 : memref<80xi32, #tpu.memory_space<hbm>>) target(%arg10 : memref<80xi32, #tpu.memory_space<vmem>>) target_semaphore(%arg32 : memref<!tpu.dma_semaphore, #tpu.memory_space<semaphore_mem>>)
        %mul3A_1874 = arith.constant 10000 : i32
        %mul3A_1875 = arith.muli %arg1, %mul3A_1874 : i32
        %add3A_1876 = arith.constant 160000 : i32
        %add3A_1877 = arith.addi %add3A_1876, %mul3A_1875 : i32
        %mul3A_1878 = arith.constant 80 : i32
        %mul3A_1879 = arith.muli %add3A_1865, %mul3A_1878 : i32
        %add3A_1880 = arith.addi %add3A_1877, %mul3A_1879 : i32
        %multiple_of3A_1881 = tpu.assume_multiple %add3A_1880, 8 : i32
        %dma_start3A_1882 = tpu.memref_slice %arg3[%multiple_of3A_1881] : memref<320000xi32, #tpu.memory_space<hbm>> -> memref<80xi32, #tpu.memory_space<hbm>>
        %dma_start3A_1883 = tpu.memref_slice %arg3[%multiple_of3A_1881] : memref<320000xi32, #tpu.memory_space<hbm>> -> memref<80xi32, #tpu.memory_space<hbm>>
        tpu.enqueue_dma source(%dma_start3A_1883 : memref<80xi32, #tpu.memory_space<hbm>>) target(%arg18 : memref<80xi32, #tpu.memory_space<vmem>>) target_semaphore(%arg32 : memref<!tpu.dma_semaphore, #tpu.memory_space<semaphore_mem>>)
      } else {
      }
    }
    %scan3A_907 = arith.constant 15 : i32
    %mul3A_908 = arith.constant 10000 : i32
    %mul3A_909 = arith.muli %arg1, %mul3A_908 : i32
    %add3A_910 = arith.constant 9920 : i32
    %add3A_911 = arith.addi %mul3A_909, %add3A_910 : i32
    %multiple_of3A_912 = tpu.assume_multiple %add3A_911, 8 : i32
    %dma_wait3A_913 = tpu.memref_slice %arg3[%multiple_of3A_912] : memref<320000xi32, #tpu.memory_space<hbm>> -> memref<80xi32, #tpu.memory_space<hbm>>
    %dma_wait3A_914 = tpu.memref_slice %arg3[%multiple_of3A_912] : memref<320000xi32, #tpu.memory_space<hbm>> -> memref<80xi32, #tpu.memory_space<hbm>>
    tpu.wait_dma2 semaphore(%arg31 : memref<!tpu.dma_semaphore, #tpu.memory_space<semaphore_mem>>) src(%dma_wait3A_914 : memref<80xi32, #tpu.memory_space<hbm>>) dst(%arg9 : memref<80xi32, #tpu.memory_space<vmem>>)
    %mul3A_915 = arith.constant 10000 : i32
    %mul3A_916 = arith.muli %arg1, %mul3A_915 : i32
    %add3A_917 = arith.constant 160000 : i32
    %add3A_918 = arith.addi %add3A_917, %mul3A_916 : i32
    %add3A_919 = arith.constant 9920 : i32
    %add3A_920 = arith.addi %add3A_918, %add3A_919 : i32
    %multiple_of3A_921 = tpu.assume_multiple %add3A_920, 8 : i32
    %dma_wait3A_922 = tpu.memref_slice %arg3[%multiple_of3A_921] : memref<320000xi32, #tpu.memory_space<hbm>> -> memref<80xi32, #tpu.memory_space<hbm>>
    %dma_wait3A_923 = tpu.memref_slice %arg3[%multiple_of3A_921] : memref<320000xi32, #tpu.memory_space<hbm>> -> memref<80xi32, #tpu.memory_space<hbm>>
    tpu.wait_dma2 semaphore(%arg31 : memref<!tpu.dma_semaphore, #tpu.memory_space<semaphore_mem>>) src(%dma_wait3A_923 : memref<80xi32, #tpu.memory_space<hbm>>) dst(%arg17 : memref<80xi32, #tpu.memory_space<vmem>>)
    %get3A_924 = arith.constant 0 : index
    %get3A_925 = tpu.vector_load %arg9[%get3A_924] {strides = array<i32>} : memref<80xi32, #tpu.memory_space<vmem>>, vector<16xi32>,
    %get3A_926 = vector.shape_cast %get3A_925 : vector<16xi32> to vector<16xi32>
    %mul3A_927 = arith.constant 2 : i32
    %mul3A_928 = vector.broadcast %mul3A_927 : i32 to vector<16xi32>
    %mul3A_929 = arith.muli %get3A_926, %mul3A_928 : vector<16xi32>
    %add3A_930 = vector.broadcast %arg0 : i32 to vector<16xi32>
    %add3A_931 = arith.addi %mul3A_929, %add3A_930 : vector<16xi32>
    %swap3A_932 = arith.constant 0 : index
    %swap3A_933 = tpu.vector_load %arg9[%swap3A_932] {strides = array<i32>} : memref<80xi32, #tpu.memory_space<vmem>>, vector<16xi32>,
    %swap3A_934 = vector.shape_cast %swap3A_933 : vector<16xi32> to vector<16xi32>
    %swap3A_935 = vector.shape_cast %add3A_931 : vector<16xi32> to vector<16xi32>
    tpu.vector_store %arg9[%swap3A_932], %swap3A_935 {strides = array<i32>} : memref<80xi32, #tpu.memory_space<vmem>>, vector<16xi32>,
    %get3A_936 = arith.constant 16 : index
    %get3A_937 = tpu.vector_load %arg9[%get3A_936] {strides = array<i32>} : memref<80xi32, #tpu.memory_space<vmem>>, vector<16xi32>,
    %get3A_938 = vector.shape_cast %get3A_937 : vector<16xi32> to vector<16xi32>
    %mul3A_939 = arith.constant 2 : i32
    %mul3A_940 = vector.broadcast %mul3A_939 : i32 to vector<16xi32>
    %mul3A_941 = arith.muli %get3A_938, %mul3A_940 : vector<16xi32>
    %add3A_942 = vector.broadcast %arg0 : i32 to vector<16xi32>
    %add3A_943 = arith.addi %mul3A_941, %add3A_942 : vector<16xi32>
    %swap3A_944 = arith.constant 16 : index
    %swap3A_945 = tpu.vector_load %arg9[%swap3A_944] {strides = array<i32>} : memref<80xi32, #tpu.memory_space<vmem>>, vector<16xi32>,
    %swap3A_946 = vector.shape_cast %swap3A_945 : vector<16xi32> to vector<16xi32>
    %swap3A_947 = vector.shape_cast %add3A_943 : vector<16xi32> to vector<16xi32>
    tpu.vector_store %arg9[%swap3A_944], %swap3A_947 {strides = array<i32>} : memref<80xi32, #tpu.memory_space<vmem>>, vector<16xi32>,
    %get3A_948 = arith.constant 32 : index
    %get3A_949 = tpu.vector_load %arg9[%get3A_948] {strides = array<i32>} : memref<80xi32, #tpu.memory_space<vmem>>, vector<16xi32>,
    %get3A_950 = vector.shape_cast %get3A_949 : vector<16xi32> to vector<16xi32>
    %mul3A_951 = arith.constant 2 : i32
    %mul3A_952 = vector.broadcast %mul3A_951 : i32 to vector<16xi32>
    %mul3A_953 = arith.muli %get3A_950, %mul3A_952 : vector<16xi32>
    %add3A_954 = vector.broadcast %arg0 : i32 to vector<16xi32>
    %add3A_955 = arith.addi %mul3A_953, %add3A_954 : vector<16xi32>
    %swap3A_956 = arith.constant 32 : index
    %swap3A_957 = tpu.vector_load %arg9[%swap3A_956] {strides = array<i32>} : memref<80xi32, #tpu.memory_space<vmem>>, vector<16xi32>,
    %swap3A_958 = vector.shape_cast %swap3A_957 : vector<16xi32> to vector<16xi32>
    %swap3A_959 = vector.shape_cast %add3A_955 : vector<16xi32> to vector<16xi32>
    tpu.vector_store %arg9[%swap3A_956], %swap3A_959 {strides = array<i32>} : memref<80xi32, #tpu.memory_space<vmem>>, vector<16xi32>,
    %get3A_960 = arith.constant 48 : index
    %get3A_961 = tpu.vector_load %arg9[%get3A_960] {strides = array<i32>} : memref<80xi32, #tpu.memory_space<vmem>>, vector<16xi32>,
    %get3A_962 = vector.shape_cast %get3A_961 : vector<16xi32> to vector<16xi32>
    %mul3A_963 = arith.constant 2 : i32
    %mul3A_964 = vector.broadcast %mul3A_963 : i32 to vector<16xi32>
    %mul3A_965 = arith.muli %get3A_962, %mul3A_964 : vector<16xi32>
    %add3A_966 = vector.broadcast %arg0 : i32 to vector<16xi32>
    %add3A_967 = arith.addi %mul3A_965, %add3A_966 : vector<16xi32>
    %swap3A_968 = arith.constant 48 : index
    %swap3A_969 = tpu.vector_load %arg9[%swap3A_968] {strides = array<i32>} : memref<80xi32, #tpu.memory_space<vmem>>, vector<16xi32>,
    %swap3A_970 = vector.shape_cast %swap3A_969 : vector<16xi32> to vector<16xi32>
    %swap3A_971 = vector.shape_cast %add3A_967 : vector<16xi32> to vector<16xi32>
    tpu.vector_store %arg9[%swap3A_968], %swap3A_971 {strides = array<i32>} : memref<80xi32, #tpu.memory_space<vmem>>, vector<16xi32>,
    %get3A_972 = arith.constant 64 : index
    %get3A_973 = tpu.vector_load %arg9[%get3A_972] {strides = array<i32>} : memref<80xi32, #tpu.memory_space<vmem>>, vector<16xi32>,
    %get3A_974 = vector.shape_cast %get3A_973 : vector<16xi32> to vector<16xi32>
    %mul3A_975 = arith.constant 2 : i32
    %mul3A_976 = vector.broadcast %mul3A_975 : i32 to vector<16xi32>
    %mul3A_977 = arith.muli %get3A_974, %mul3A_976 : vector<16xi32>
    %add3A_978 = vector.broadcast %arg0 : i32 to vector<16xi32>
    %add3A_979 = arith.addi %mul3A_977, %add3A_978 : vector<16xi32>
    %swap3A_980 = arith.constant 64 : index
    %swap3A_981 = tpu.vector_load %arg9[%swap3A_980] {strides = array<i32>} : memref<80xi32, #tpu.memory_space<vmem>>, vector<16xi32>,
    %swap3A_982 = vector.shape_cast %swap3A_981 : vector<16xi32> to vector<16xi32>
    %swap3A_983 = vector.shape_cast %add3A_979 : vector<16xi32> to vector<16xi32>
    tpu.vector_store %arg9[%swap3A_980], %swap3A_983 {strides = array<i32>} : memref<80xi32, #tpu.memory_space<vmem>>, vector<16xi32>,
    %dma_wait3A_984 = arith.constant 0 : i32
    %dma_wait3A_985 = arith.constant 0 : i32
    %dma_wait3A_986 = tpu.memref_slice %arg26[%dma_wait3A_984, %dma_wait3A_985] : memref<10112x128xf32, #tpu.memory_space<vmem_shared>> -> memref<10112x128xf32, #tpu.memory_space<vmem_shared>>
    tpu.wait_indirect_dma semaphore(%arg40 : memref<!tpu.dma_semaphore, #tpu.memory_space<semaphore_mem>>) src(%arg21 : memref<80x128xf32, #tpu.memory_space<vmem>>) dst(%dma_wait3A_986 : memref<10112x128xf32, #tpu.memory_space<vmem_shared>>)
    %dma_start3A_987 = arith.constant 0 : i32
    %dma_start3A_988 = arith.constant 0 : i32
    %dma_start3A_989 = tpu.memref_slice %arg2[%dma_start3A_987, %dma_start3A_988] : memref<20000x128xf32, #tpu.memory_space<hbm>> -> memref<20000x128xf32, #tpu.memory_space<hbm>>
    tpu.enqueue_indirect_dma source(%dma_start3A_989 : memref<20000x128xf32, #tpu.memory_space<hbm>>) target(%arg21 : memref<80x128xf32, #tpu.memory_space<vmem>>) offsets(%arg9 : memref<80xi32, #tpu.memory_space<vmem>>) semaphore(%arg36 : memref<!tpu.dma_semaphore, #tpu.memory_space<semaphore_mem>>)
    %dma_wait3A_990 = arith.constant 0 : i32
    %dma_wait3A_991 = arith.constant 0 : i32
    %dma_wait3A_992 = tpu.memref_slice %arg2[%dma_wait3A_990, %dma_wait3A_991] : memref<20000x128xf32, #tpu.memory_space<hbm>> -> memref<20000x128xf32, #tpu.memory_space<hbm>>
    tpu.wait_indirect_dma semaphore(%arg38 : memref<!tpu.dma_semaphore, #tpu.memory_space<semaphore_mem>>) src(%dma_wait3A_992 : memref<20000x128xf32, #tpu.memory_space<hbm>>) dst(%arg23 : memref<80x128xf32, #tpu.memory_space<vmem>>)
    %dma_start3A_993 = arith.constant 0 : i32
    %dma_start3A_994 = arith.constant 0 : i32
    %dma_start3A_995 = tpu.memref_slice %arg26[%dma_start3A_993, %dma_start3A_994] : memref<10112x128xf32, #tpu.memory_space<vmem_shared>> -> memref<10112x128xf32, #tpu.memory_space<vmem_shared>>
    tpu.enqueue_indirect_dma source(%arg23 : memref<80x128xf32, #tpu.memory_space<vmem>>) target(%dma_start3A_995 : memref<10112x128xf32, #tpu.memory_space<vmem_shared>>) offsets(%arg15 : memref<80xi32, #tpu.memory_space<vmem>>) semaphore(%arg42 : memref<!tpu.dma_semaphore, #tpu.memory_space<semaphore_mem>>) {add = true}
    %dma_wait3A_996 = arith.constant 0 : i32
    %dma_wait3A_997 = arith.constant 0 : i32
    %dma_wait3A_998 = tpu.memref_slice %arg26[%dma_wait3A_996, %dma_wait3A_997] : memref<10112x128xf32, #tpu.memory_space<vmem_shared>> -> memref<10112x128xf32, #tpu.memory_space<vmem_shared>>
    tpu.wait_indirect_dma semaphore(%arg41 : memref<!tpu.dma_semaphore, #tpu.memory_space<semaphore_mem>>) src(%arg21 : memref<80x128xf32, #tpu.memory_space<vmem>>) dst(%dma_wait3A_998 : memref<10112x128xf32, #tpu.memory_space<vmem_shared>>)
    %dma_wait3A_999 = arith.constant 0 : i32
    %dma_wait3A_1000 = arith.constant 0 : i32
    %dma_wait3A_1001 = tpu.memref_slice %arg2[%dma_wait3A_999, %dma_wait3A_1000] : memref<20000x128xf32, #tpu.memory_space<hbm>> -> memref<20000x128xf32, #tpu.memory_space<hbm>>
    tpu.wait_indirect_dma semaphore(%arg39 : memref<!tpu.dma_semaphore, #tpu.memory_space<semaphore_mem>>) src(%dma_wait3A_1001 : memref<20000x128xf32, #tpu.memory_space<hbm>>) dst(%arg24 : memref<80x128xf32, #tpu.memory_space<vmem>>)
    %dma_start3A_1002 = arith.constant 0 : i32
    %dma_start3A_1003 = arith.constant 0 : i32
    %dma_start3A_1004 = tpu.memref_slice %arg26[%dma_start3A_1002, %dma_start3A_1003] : memref<10112x128xf32, #tpu.memory_space<vmem_shared>> -> memref<10112x128xf32, #tpu.memory_space<vmem_shared>>
    tpu.enqueue_indirect_dma source(%arg24 : memref<80x128xf32, #tpu.memory_space<vmem>>) target(%dma_start3A_1004 : memref<10112x128xf32, #tpu.memory_space<vmem_shared>>) offsets(%arg16 : memref<80xi32, #tpu.memory_space<vmem>>) semaphore(%arg43 : memref<!tpu.dma_semaphore, #tpu.memory_space<semaphore_mem>>) {add = true}
    %dma_wait3A_1005 = arith.constant 0 : i32
    %dma_wait3A_1006 = arith.constant 0 : i32
    %dma_wait3A_1007 = tpu.memref_slice %arg26[%dma_wait3A_1005, %dma_wait3A_1006] : memref<10112x128xf32, #tpu.memory_space<vmem_shared>> -> memref<10112x128xf32, #tpu.memory_space<vmem_shared>>
    tpu.wait_indirect_dma semaphore(%arg42 : memref<!tpu.dma_semaphore, #tpu.memory_space<semaphore_mem>>) src(%arg21 : memref<80x128xf32, #tpu.memory_space<vmem>>) dst(%dma_wait3A_1007 : memref<10112x128xf32, #tpu.memory_space<vmem_shared>>)
    %dma_wait3A_1008 = arith.constant 0 : i32
    %dma_wait3A_1009 = arith.constant 0 : i32
    %dma_wait3A_1010 = tpu.memref_slice %arg2[%dma_wait3A_1008, %dma_wait3A_1009] : memref<20000x128xf32, #tpu.memory_space<hbm>> -> memref<20000x128xf32, #tpu.memory_space<hbm>>
    tpu.wait_indirect_dma semaphore(%arg36 : memref<!tpu.dma_semaphore, #tpu.memory_space<semaphore_mem>>) src(%dma_wait3A_1010 : memref<20000x128xf32, #tpu.memory_space<hbm>>) dst(%arg21 : memref<80x128xf32, #tpu.memory_space<vmem>>)
    %dma_start3A_1011 = arith.constant 0 : i32
    %dma_start3A_1012 = arith.constant 0 : i32
    %dma_start3A_1013 = tpu.memref_slice %arg26[%dma_start3A_1011, %dma_start3A_1012] : memref<10112x128xf32, #tpu.memory_space<vmem_shared>> -> memref<10112x128xf32, #tpu.memory_space<vmem_shared>>
    tpu.enqueue_indirect_dma source(%arg21 : memref<80x128xf32, #tpu.memory_space<vmem>>) target(%dma_start3A_1013 : memref<10112x128xf32, #tpu.memory_space<vmem_shared>>) offsets(%arg17 : memref<80xi32, #tpu.memory_space<vmem>>) semaphore(%arg40 : memref<!tpu.dma_semaphore, #tpu.memory_space<semaphore_mem>>) {add = true}
    %dma_wait3A_1014 = arith.constant 0 : i32
    %dma_wait3A_1015 = arith.constant 0 : i32
    %dma_wait3A_1016 = tpu.memref_slice %arg26[%dma_wait3A_1014, %dma_wait3A_1015] : memref<10112x128xf32, #tpu.memory_space<vmem_shared>> -> memref<10112x128xf32, #tpu.memory_space<vmem_shared>>
    tpu.wait_indirect_dma semaphore(%arg43 : memref<!tpu.dma_semaphore, #tpu.memory_space<semaphore_mem>>) src(%arg21 : memref<80x128xf32, #tpu.memory_space<vmem>>) dst(%dma_wait3A_1016 : memref<10112x128xf32, #tpu.memory_space<vmem_shared>>)
    %dma_wait3A_1017 = arith.constant 0 : i32
    %dma_wait3A_1018 = arith.constant 0 : i32
    %dma_wait3A_1019 = tpu.memref_slice %arg26[%dma_wait3A_1017, %dma_wait3A_1018] : memref<10112x128xf32, #tpu.memory_space<vmem_shared>> -> memref<10112x128xf32, #tpu.memory_space<vmem_shared>>
    tpu.wait_indirect_dma semaphore(%arg40 : memref<!tpu.dma_semaphore, #tpu.memory_space<semaphore_mem>>) src(%arg21 : memref<80x128xf32, #tpu.memory_space<vmem>>) dst(%dma_wait3A_1019 : memref<10112x128xf32, #tpu.memory_space<vmem_shared>>)
    %barrier3A_1020 = arith.constant 0 : index
    tpu.barrier barrier_id(%barrier3A_1020)
    %mul3A_1021 = arith.constant 128 : i32
    %mul3A_1022 = arith.muli %arg0, %mul3A_1021 : i32
    %multiple_of3A_1023 = tpu.assume_multiple %mul3A_1022, 128 : i32
    %mul3A_1024 = arith.constant 632 : i32
    %mul3A_1025 = arith.muli %arg1, %mul3A_1024 : i32
    %multiple_of3A_1026 = tpu.assume_multiple %mul3A_1025, 8 : i32
    %lt3A = arith.constant 15 : i32
    %lt3A_1027 = arith.cmpi slt, %arg1, %lt3A : i32
    %convert_element_type3A = arith.extui %lt3A_1027 : i1 to i32
    %cond3A = arith.constant 0 : i32
    %cond3A_1028 = arith.cmpi ne, %convert_element_type3A, %cond3A : i32
    scf.if %cond3A_1028 {
      "tpu.region"() ({
        %run_scoped3A = tpu.sem_alloc : memref<!tpu.dma_semaphore, #tpu.memory_space<semaphore_mem>>
        %dma_start3A_1033 = tpu.memref_slice %arg4[%multiple_of3A_1026, %multiple_of3A_1023] : memref<10000x256xf32, #tpu.memory_space<hbm>> -> memref<632x128xf32, #tpu.memory_space<hbm>>
        %dma_start3A_1034 = arith.constant 0 : i32
        %dma_start3A_1035 = tpu.memref_slice %arg26[%multiple_of3A_1026, %dma_start3A_1034] : memref<10112x128xf32, #tpu.memory_space<vmem_shared>> -> memref<632x128xf32, #tpu.memory_space<vmem_shared>>
        tpu.enqueue_dma source(%dma_start3A_1035 : memref<632x128xf32, #tpu.memory_space<vmem_shared>>) target(%dma_start3A_1033 : memref<632x128xf32, #tpu.memory_space<hbm>>) target_semaphore(%run_scoped3A : memref<!tpu.dma_semaphore, #tpu.memory_space<semaphore_mem>>)
        %dma_wait3A_1036 = tpu.memref_slice %arg4[%multiple_of3A_1026, %multiple_of3A_1023] : memref<10000x256xf32, #tpu.memory_space<hbm>> -> memref<632x128xf32, #tpu.memory_space<hbm>>
        %dma_wait3A_1037 = arith.constant 0 : i32
        %dma_wait3A_1038 = tpu.memref_slice %arg26[%multiple_of3A_1026, %dma_wait3A_1037] : memref<10112x128xf32, #tpu.memory_space<vmem_shared>> -> memref<632x128xf32, #tpu.memory_space<vmem_shared>>
        tpu.wait_dma2 semaphore(%run_scoped3A : memref<!tpu.dma_semaphore, #tpu.memory_space<semaphore_mem>>) src(%dma_wait3A_1038 : memref<632x128xf32, #tpu.memory_space<vmem_shared>>) dst(%dma_wait3A_1036 : memref<632x128xf32, #tpu.memory_space<hbm>>)
        tpu.yield
      }) : () -> ()
    } else {
    }
    %eq3A = arith.constant 15 : i32
    %eq3A_1029 = arith.cmpi eq, %arg1, %eq3A : i32
    %convert_element_type3A_1030 = arith.extui %eq3A_1029 : i1 to i32
    %cond3A_1031 = arith.constant 0 : i32
    %cond3A_1032 = arith.cmpi ne, %convert_element_type3A_1030, %cond3A_1031 : i32
    scf.if %cond3A_1032 {
      "tpu.region"() ({
        %run_scoped3A = tpu.sem_alloc : memref<!tpu.dma_semaphore, #tpu.memory_space<semaphore_mem>>
        %dma_start3A_1033 = tpu.memref_slice %arg4[%multiple_of3A_1026, %multiple_of3A_1023] : memref<10000x256xf32, #tpu.memory_space<hbm>> -> memref<520x128xf32, #tpu.memory_space<hbm>>
        %dma_start3A_1034 = arith.constant 0 : i32
        %dma_start3A_1035 = tpu.memref_slice %arg26[%multiple_of3A_1026, %dma_start3A_1034] : memref<10112x128xf32, #tpu.memory_space<vmem_shared>> -> memref<520x128xf32, #tpu.memory_space<vmem_shared>>
        tpu.enqueue_dma source(%dma_start3A_1035 : memref<520x128xf32, #tpu.memory_space<vmem_shared>>) target(%dma_start3A_1033 : memref<520x128xf32, #tpu.memory_space<hbm>>) target_semaphore(%run_scoped3A : memref<!tpu.dma_semaphore, #tpu.memory_space<semaphore_mem>>)
        %dma_wait3A_1036 = tpu.memref_slice %arg4[%multiple_of3A_1026, %multiple_of3A_1023] : memref<10000x256xf32, #tpu.memory_space<hbm>> -> memref<520x128xf32, #tpu.memory_space<hbm>>
        %dma_wait3A_1037 = arith.constant 0 : i32
        %dma_wait3A_1038 = tpu.memref_slice %arg26[%multiple_of3A_1026, %dma_wait3A_1037] : memref<10112x128xf32, #tpu.memory_space<vmem_shared>> -> memref<520x128xf32, #tpu.memory_space<vmem_shared>>
        tpu.wait_dma2 semaphore(%run_scoped3A : memref<!tpu.dma_semaphore, #tpu.memory_space<semaphore_mem>>) src(%dma_wait3A_1038 : memref<520x128xf32, #tpu.memory_space<vmem_shared>>) dst(%dma_wait3A_1036 : memref<520x128xf32, #tpu.memory_space<hbm>>)
        tpu.yield
      }) : () -> ()
    } else {
    }
    return
  }
}

</mosaic_0001>

<sc_bundles>
// kernel: kernel.3.cloned.1.call-start
scs
__scs_entry_jumppad:
0x0: {  	(pc) =	sbr.rel $0x88, $3  }
0x1: {  	(tag) =	ssettag $0x0;
	lr =	simm.s32 $0x1  }
0x2: {  	[smem:$0x3F9F] =	sst lr;
	_ =	strace $0xD0000000  }
0x3: {  	_ = 	snop  }
0x4: {  	_ = 	snop  }
0x5: {  	_ = 	snop  }
0x6: {  	_ = 	snop  }
0x7: {  	_ = 	snop  }
__scs_overlays_trampoline_lowered:
0x8: {  	[smem:$0x3FAE] =	sst s0  }
0x9: {  	[smem:$0x3FAF] =	sst s1  }
0xa: {  	[smem:$0x3FB0] =	sst s2  }
0xb: {  	[smem:$0x3FB1] =	sst s3  }
0xc: {  	[smem:$0x3FB2] =	sst s4  }
0xd: {  	[smem:$0x3FB3] =	sst s5  }
0xe: {  	[smem:$0x3FB4] =	sst s6  }
0xf: {  	[smem:$0x3FB5] =	sst s7  }
0x10: {  	[smem:$0x3FB6] =	sst s8  }
0x11: {  	[smem:$0x3FB7] =	sst s9;
	s0 =	simm.s32 @!p0 $0x0  }
0x12: {  	s1 =	sld [smem:$0x3F9D];
	s0 =	simm.s32 @p0 $0x1  }
0x13: {  	[smem:$0x3FB8] =	sst s0;
	s0 =	simm.s32 @!p1 $0x0  }
0x14: {  	s2 =	sld [smem:$0x3F9C];
	s0 =	simm.s32 @p1 $0x1  }
0x15: {  	[smem:$0x3FB9] =	sst s0;
	s0 =	simm.s32 @!p2 $0x0  }
0x16: {  	s3 =	sld [smem:$0x3FDB];
	s0 =	simm.s32 @p2 $0x1  }
0x17: {  	s4 =	simm.s32 $0x1BF5;
	[smem:$0x3FBB] =	sst s0  }
0x18: {  	s0 =	sld [smem:$0x3F9E];
	_ =	swait.ge [sflag:s4], $0x0  }
0x19: {  	s7 =	sld [smem:$0x3F9F]  }
0x1a: {  	s8 =	sadd.s32 $0xFFFFE003, lr  }
0x1b: {  	s9 =	sadd.s32 $0xFFFFFEF7, lr;
	s5 =	simm.s32 $0xFFFFFFFF;
	p2 =	slt.u32 s8, $0xFFFFF086  }
0x1c: {  	p1 =	slt.u32 s9, $0xF7A;
	s5 =	simm.s32 @!p2 $0x0  }
0x1d: {  	s5 =	simm.s32 @p1 $0x1;
	p0 =	seq.s32 s7, s2  }
0x1e: {  	s7 =	smul.u32 @!p0 $0xF7A, s2;
	p2 =	seq.s32 @!p0 s5, $0x0  }
0x1f: {  	s9 =	smul.u32 $0xF7A, s1;
	s8 =	simm.s32 @!p0 $0x1BF5;
	p2 =	por !p2, p0  }
0x20: {  	[sflag:s8] =	ssyncset.s32 @!p0 $0xFFFFF086;
	s6 =	sadd.s32 @!p0 s3, s7;
	s7 =	simm.s32 @!p0 $0x108  }
0x21: {  	s3 =	sadd.s32 s3, s9;
	s6 =	sadd.s32 @!p0 $0x88, s6;
	s7 =	simm.s32 @p2 $0x1082  }
0x22: {  	[simem:s7], [sflag:s8] =	dma.local @!p0 [hbm:s6], $0xF7A  }
0x23: {  	s9 =	sor.u32 $0xD0000000, s2;
	s6 =	simm.s32 $0x108;
	_ =	swait.ge @!p0 [sflag:s8], $0x0  }
0x24: {  	s3 =	sadd.s32 $0x88, s3;
	s6 =	simm.s32 @!p1 $0x1082;
	[sflag:s4] =	ssyncset.s32 $0xFFFFF086  }
0x25: {  	[simem:s6], [sflag:s4] =	dma.local [hbm:s3], $0xF7A  }
0x26: {  	[smem:$0x3F9F] =	sst s1;
	(tag) =	ssettag s2;
	_ =	strace s9  }
0x27: {  	s1 =	sld [smem:$0x3FAF]  }
0x28: {  	s2 =	sld [smem:$0x3FB0]  }
0x29: {  	s4 =	sld [smem:$0x3FB2]  }
0x2a: {  	p0 =	seq.s32 s5, $0x0;
	s5 =	sld [smem:$0x3FB3]  }
0x2b: {  	s6 =	sld [smem:$0x3FB4]  }
0x2c: {  	s7 =	sld [smem:$0x3FB5]  }
0x2d: {  	s3 =	simm.s32 $0x108;
	s8 =	sld [smem:$0x3FB6]  }
0x2e: {  	s3 =	simm.s32 @!p0 $0x1082;
	s9 =	sld [smem:$0x3FB7]  }
0x2f: {  	lr =	sadd.s32 s0, s3;
	s0 =	sld [smem:$0x3FAE]  }
0x30: {  	s3 =	sld [smem:$0x3FB1]  }
0x31: {  	[smem:$0x3FBA] =	sst s10  }
0x32: {  	s10 =	sld [smem:$0x3FB8];
	_ =	sdelay $0x3  }
0x33: {  	p0 =	seq.s32 s10, $0x1;
	s10 =	sld [smem:$0x3FBA];
	_ =	sdelay $0x3  }
0x34: {  	[smem:$0x3FBA] =	sst s10  }
0x35: {  	s10 =	sld [smem:$0x3FB9];
	_ =	sdelay $0x3  }
0x36: {  	p1 =	seq.s32 s10, $0x1;
	s10 =	sld [smem:$0x3FBA];
	_ =	sdelay $0x3  }
0x37: {  	[smem:$0x3FBA] =	sst s10  }
0x38: {  	s10 =	sld [smem:$0x3FBB]  }
0x39: {  	_ = 	snop;
	(pc) =	sbr.ind lr, $3  }
0x3a: {  	_ = 	snop  }
0x3b: {  	_ = 	snop  }
0x3c: {  	p2 =	seq.s32 s10, $0x1;
	s10 =	sld [smem:$0x3FBA]  }
0x3d: {  	_ =	shalt  }
0x3e: {  	_ =	shalt  }
0x3f: {  	_ =	shalt  }
0x40: {  	_ =	shalt  }
0x41: {  	_ =	shalt  }
0x42: {  	_ =	shalt  }
0x43: {  	_ =	shalt  }
0x44: {  	_ =	shalt  }
0x45: {  	_ =	shalt  }
0x46: {  	_ =	shalt  }
0x47: {  	_ =	shalt  }
0x48: {  	_ =	shalt  }
0x49: {  	_ =	shalt  }
0x4a: {  	_ =	shalt  }
0x4b: {  	_ =	shalt  }
0x4c: {  	_ =	shalt  }
0x4d: {  	_ =	shalt  }
0x4e: {  	_ =	shalt  }
0x4f: {  	_ =	shalt  }
0x50: {  	_ =	shalt  }
0x51: {  	_ =	shalt  }
0x52: {  	_ =	shalt  }
0x53: {  	_ =	shalt  }
0x54: {  	_ =	shalt  }
0x55: {  	_ =	shalt  }
0x56: {  	_ =	shalt  }
0x57: {  	_ =	shalt  }
0x58: {  	_ =	shalt  }
0x59: {  	_ =	shalt  }
0x5a: {  	_ =	shalt  }
0x5b: {  	_ =	shalt  }
0x5c: {  	_ =	shalt  }
0x5d: {  	_ =	shalt  }
0x5e: {  	_ =	shalt  }
0x5f: {  	_ =	shalt  }
0x60: {  	_ =	shalt  }
0x61: {  	_ =	shalt  }
0x62: {  	_ =	shalt  }
0x63: {  	_ =	shalt  }
0x64: {  	_ =	shalt  }
0x65: {  	_ =	shalt  }
0x66: {  	_ =	shalt  }
0x67: {  	_ =	shalt  }
0x68: {  	_ =	shalt  }
0x69: {  	_ =	shalt  }
0x6a: {  	_ =	shalt  }
0x6b: {  	_ =	shalt  }
0x6c: {  	_ =	shalt  }
0x6d: {  	_ =	shalt  }
0x6e: {  	_ =	shalt  }
0x6f: {  	_ =	shalt  }
0x70: {  	_ =	shalt  }
0x71: {  	_ =	shalt  }
0x72: {  	_ =	shalt  }
0x73: {  	_ =	shalt  }
0x74: {  	_ =	shalt  }
0x75: {  	_ =	shalt  }
0x76: {  	_ =	shalt  }
0x77: {  	_ =	shalt  }
0x78: {  	_ =	shalt  }
0x79: {  	_ =	shalt  }
0x7a: {  	_ =	shalt  }
0x7b: {  	_ =	shalt  }
0x7c: {  	_ =	shalt  }
0x7d: {  	_ =	shalt  }
0x7e: {  	_ =	shalt  }
0x7f: {  	_ =	shalt  }
0x80: {  	_ =	shalt  }
0x81: {  	_ =	shalt  }
0x82: {  	_ =	shalt  }
0x83: {  	_ =	shalt  }
0x84: {  	_ =	shalt  }
0x85: {  	_ =	shalt  }
0x86: {  	_ =	shalt  }
0x87: {  	_ =	shalt  }
.Lfunc_end0:
.L_simem_size_0:
called_computation_lowered:
.L_overlay_start_0:
0x88: {  	s2 =	sld [smem:$0x3FD9]  }
0x89: {  	s3 =	sld [smem:$0x3FFE];
	_ =	sdelay $0x1  }
0x8a: {  	s1 =	srdreg.scid  }
0x8b: {  	s0 =	sand.u32 $0x1, s1  }
0x8c: {  	s17 =	sshll.u32 s0, $0xA;
	s2 =	sadd.s32 s3, s2  }
0x8d: {  	s2 =	sadd.s32 s2, s17  }
0x8e: {  	[smem:$0x3FC6] =	sst s2  }
0x8f: {  	_ = 	snop  }
0x90: {  	s2 =	sld [smem:$0x3FD0];
	(tm) =	ssettm $0x1  }
0x91: {  	s18 =	sld [smem:$0x3FFB];
	_ =	sdelay $0x3  }
0x92: {  	_ =	strace s18  }
0x93: {  	s3 =	sld [smem:$0x3FFC];
	_ =	sdelay $0x3  }
0x94: {  	_ =	strace s3  }
0x95: {  	s3 =	sld [smem:$0x3FFD];
	_ =	sdelay $0x3  }
0x96: {  	_ =	strace s3  }
0x97: {  	_ =	strace $0x8FFFFFFF  }
0x98: {  	s19 =	sld [smem:$0x3FDB];
	_ =	sdelay $0x1  }
0x99: {  	s4 =	simm.s32 $_scs_section_size  }
0x9a: {  	s5 =	simm.s32 $_size__tile_overlayer_lowered;
	s6 =	simm.s32 $_tile_overlayer_lowered  }
0x9b: {  	s22 =	simm.s32 $0x1BFF;
	s21 =	sshll.u32 s6, $0x1;
	s3 =	sadd.s32 s4, s19  }
0x9c: {  	s7 =	simm.s32 $0x0;
	s20 =	sshll.u32 s5, $0x1;
	s5 =	sadd.s32 s21, s3  }
0x9d: {  	[timem:s7], [sflag:s22] =	dma.local [hbm:s5], s20  }
0x9e: {  	_ =	swait.ge [sflag:s22], s20  }
0x9f: {  	s4 =	ssub.s32 $0x0, s20;
	[sflag:s22] =	ssyncset.done $0x0  }
0xa0: {  	[sflag:s22] =	ssyncadd.s32 s4;
	_ =	sdelay $0x1  }
0xa1: {  	s23 =	simm.s32 $0x1B8B  }
0xa2: {  	_ =	swait.ge [sflag:s23], $0x1  }
0xa3: {  	[sflag:s23] =	ssyncset.done $0x0  }
0xa4: {  	s25 =	simm.s32 $0x1B8E;
	s24 =	sld [smem:$0x3FFE];
	[sflag:s23] =	ssyncadd.s32 $0xFFFFFFFF  }
0xa5: {  	s26 =	simm.s32 $execute0_lowered;
	[smem:$0x3FD2] =	sst s25  }
0xa6: {  	s5 =	sshll.u32 s26, $0x1;
	_ =	strace $0x80000046;
	[dreg:$0x1] =	wrdreg $0xFFFFFFFF  }
0xa7: {  	s28 =	simm.s32 $_size_execute0_lowered;
	s3 =	sadd.s32 s3, s5;
	[dreg:$0x0] =	wrdreg $0x0  }
0xa8: {  	s5 =	sshll.u32 s28, $0x1;
	[dreg:$0x2] =	wrdreg s3  }
0xa9: {  	[dreg:$0x3] =	wrdreg s5  }
0xaa: {  	[dreg:$0x4] =	wrdreg $0xC0  }
0xab: {  	_ =	task [dreg:s7], $0x5FFFF  }
0xac: {  	[dreg:$0x1] =	wrdreg $0xFFFFFFFF  }
0xad: {  	[dreg:$0x0] =	wrdreg $0x60  }
0xae: {  	[dreg:$0x2] =	wrdreg s24  }
0xaf: {  	[dreg:$0x3] =	wrdreg s2  }
0xb0: {  	[dreg:$0x4] =	wrdreg $0xBC000  }
0xb1: {  	[dreg:$0x5] =	wrdreg $0x9  }
0xb2: {  	_ =	task.clear_ibuf [dreg:s7], $0x6FFFF;
	_ =	strace $0x90000046  }
0xb3: {  	s29 =	simm.s32 $0x9;
	_ =	strace $0x80000048  }
0xb4: {  	_ =	swait.ge [sflag:s29], $0x1  }
0xb5: {  	[sflag:s29] =	ssyncadd.s32 $0xFFFFFFFF  }
0xb6: {  	_ =	strace $0x90000048  }
0xb7: {  	_ =	sfence  }
0xb8: {  	s30 =	sld [smem:$0x0];
	_ =	sdelay $0x2  }
0xb9: {  	s31 =	sshll.u32 s1, $0xD;
	s1 =	sshrl.u32 s1, $0x2  }
0xba: {  	s3 =	sand.u32 $0x4000, s31;
	s1 =	sadd.s32 s1, s30  }
0xbb: {  	s0 =	sor.u32 s3, s0;
	s1 =	sshll.u32 s1, $0x11  }
0xbc: {  	s0 =	sor.u32 s1, s0  }
0xbd: {  	s0 =	sadd.s32 $0x8F2B, s0  }
0xbe: {  	[sflag:s0] =	ssyncadd.remote.s32 $0x1  }
0xbf: {  	_ =	sfence.sel $0xFFFF  }
0xc0: {  	[dreg:$0x0] =	wrdreg $0xFFFFFFFF;
	(pc) =	sbr.abs _section_cstart, $3  }
0xc1: {  	[dreg:$0x1] =	wrdreg $0xFFFFFFFF  }
0xc2: {  	_ =	task.clear_ibuf [dreg:s7], $0x2FFFF;
	_ =	strace $0x9FFFFFFF  }
0xc3: {  	(tm) =	ssettm $0x7FFFFFFF  }
tec
execute0_lowered:
.L_overlay_start_1:
0x0: {  	(tag) =	ssettag $0x1  }
0x1: {  	s0 =	rddreg [dreg:$0x0];
	s9 =	stileid.u32  }
0x2: {  	s1 =	rddreg [dreg:$0x1];
	s5 =	smul.u32 $0x2710, s9  }
0x3: {  	s2 =	rddreg [dreg:$0x2];
	s3 =	simm.s32 $0x0;
	s4 =	srdreg.scid  }
0x4: {  	s30 =	simm.s32 $0x80;
	s6 =	sadd.s32 $0x400, s0;
	s5 =	sshrl.u32 s5, $0x3  }
0x5: {  	[smem:$0x7FF] =	sst s3;
	s15 =	sand.u32 $0x1, s4;
	s10 =	sadd.s32 s6, s5  }
0x6: {  	_ =	strace $0x80000047;
	s5 =	sadd.s32 $0x4E20, s10;
	[dreg:$0x4] =	wrdreg s10  }
0x7: {  	s4 =	sadd.s32 $0xA200, s0;
	s13 =	sadd.s32 $0xA, s10;
	[dreg:$0x5] =	wrdreg s5  }
0x8: {  	s12 =	smul.u32 $0x4F000, s9;
	s14 =	sadd.s32 $0x4E2A, s10;
	[dreg:$0x6] =	wrdreg s13  }
0x9: {  	s20 =	smul.u32 $0x27800, s9;
	s16 =	sadd.s32 $0x14, s10;
	[dreg:$0x7] =	wrdreg s14  }
0xa: {  	s7 =	ssub.s32 $0x2, s15;
	s17 =	sadd.s32 $0x4E34, s10;
	[dreg:$0x8] =	wrdreg s16  }
0xb: {  	s11 =	sshrl.u32 s7, $0x1;
	s18 =	sadd.s32 $0x1E, s10;
	[dreg:$0x9] =	wrdreg s17  }
0xc: {  	s0 =	ssub.s32 s7, s11;
	s19 =	sadd.s32 $0x4E3E, s10;
	[dreg:$0xa] =	wrdreg s18  }
0xd: {  	s0 =	smax.u32 s0, $0x1;
	s5 =	sshrl.u32 s12, $0x2;
	[dreg:$0xb] =	wrdreg s19  }
0xe: {  	s23 =	sshll.u32 s15, $0xA;
	[dreg:$0x16] =	wrdreg s0;
	s11 =	sadd.s32 s5, s2  }
0xf: {  	s5 =	sor.u32 s23, s20;
	s23 =	sadd.s32 $0x28, s10;
	[dreg:$0xc] =	wrdreg s11  }
0x10: {  	s31 =	simm.s32 $0x480;
	s21 =	sadd.s32 $0x1400, s11;
	[dreg:$0x1f] =	wrdreg s23  }
0x11: {  	s28 =	simm.s32 $0x180;
	s22 =	sadd.s32 $0x2800, s11;
	[dreg:$0xd] =	wrdreg s21  }
0x12: {  	s29 =	simm.s32 $0x680;
	s8 =	sadd.s32 $0x3C00, s11;
	[dreg:$0xe] =	wrdreg s22  }
0x13: {  	s26 =	smul.u32 $0x4E2, s9;
	s24 =	sadd.s32 $0x5000, s11;
	[dreg:$0xf] =	wrdreg s8  }
0x14: {  	p0 =	seq.s32 s9, $0xF;
	s12 =	sadd.s32 $0x6400, s11;
	[dreg:$0x10] =	wrdreg s24  }
0x15: {  	s9 =	simm.s32 $0x5;
	s7 =	sadd.s32 $0x7800, s11;
	[dreg:$0x11] =	wrdreg s12  }
0x16: {  	s25 =	sshll.u32 s15, $0x7;
	s13 =	sadd.s32 $0x8C00, s11;
	[dreg:$0x13] =	wrdreg s7  }
0x17: {  	v0 =	vmov s15;
	s15 =	simm.s32 $0xA;
	s14 =	sadd.s32 $0xA000, s11;
	[dreg:$0x14] =	wrdreg s13  }
0x18: {  	s0 =	simm.s32 $0x0;
	s16 =	sadd.s32 $0xB400, s11;
	[dreg:$0x17] =	wrdreg s14  }
0x19: {  	s5 =	sshrl.u32 s5, $0x3;
	s17 =	sadd.s32 $0xC800, s11;
	[dreg:$0x18] =	wrdreg s16  }
0x1a: {  	s18 =	sadd.s32 $0xDC00, s11;
	s19 =	sadd.s32 $0xF000, s11;
	[dreg:$0x19] =	wrdreg s17  }
0x1b: {  	s20 =	sadd.s32 $0x10400, s11;
	s23 =	simm.s32 $0x5800;
	[dreg:$0x1a] =	wrdreg s18  }
0x1c: {  	s5 =	sadd.s32 s1, s5;
	s1 =	sadd.s32 s25, s1;
	[dreg:$0x1b] =	wrdreg s19  }
0x1d: {  	s12 =	sadd.s32 s26, s6;
	[dreg:$0x1c] =	wrdreg s20;
	s21 =	sadd.s32 $0x11800, s11  }
0x1e: {  	s22 =	sadd.s32 $0x12C00, s11;
	s24 =	sadd.s32 $0x4E48, s10;
	s25 =	sadd.s32 $0x32, s10  }
0x1f: {  	s26 =	sadd.s32 $0x4E52, s10;
	s18 =	simm.s32 $0x400;
	[dreg:$0x12] =	wrdreg s5  }
0x20: {  	s17 =	simm.s32 $0x580;
	s19 =	simm.s32 $0x200;
	[smem:$0x7FA] =	sst s12  }
0x21: {  	s20 =	simm.s32 $0x600;
	s6 =	simm.s32 $0x8000;
	[dreg:$0x1d] =	wrdreg s21  }
0x22: {  	s8 =	simm.s32 $0x280;
	s11 =	simm.s32 $0xD;
	[dreg:$0x1e] =	wrdreg s22  }
.Ltmp0:
0x23: {  	s14 =	simm.s32 $0x10;
	[smem:$0x7FB] =	sst s24;
	(pc) =	sbr.rel .LBB2_1-.Ltmp0, $4  }
0x24: {  	s16 =	simm.s32 $0x11;
	s13 =	simm.s32 $0x280;
	[smem:$0x7FC] =	sst s25  }
0x25: {  	s10 =	simm.s32 $0x400;
	s1 =	sadd.s32 $0x4A100, s1;
	[smem:$0x7FD] =	sst s26  }
0x26: {  	s24 =	simm.s32 $0x100;
	s12 =	simm.s32 $0x500;
	s22 =	simm.s32 $0x50  }
0x27: {  	v1 =	vimm.f32 $0.0e+00;
	s5 =	simm.s32 $0xE;
	s21 =	simm.s32 $0x800;
	[dreg:$0x15] =	wrdreg s1  }
.LBB2_6:
0x28: {  	_ =	swait.ge [sflag:s9], $0x50  }
0x29: {  	[sflag:s9] =	ssyncset.done $0x0  }
0x2a: {  	[sflag:s9] =	ssyncadd.s32 $0xFFFFFFB0  }
0x2b: {  	_ =	swait.ge [sflag:s9], $0x50  }
0x2c: {  	[sflag:s9] =	ssyncset.done $0x0  }
0x2d: {  	[sflag:s9] =	ssyncadd.s32 $0xFFFFFFB0  }
0x2e: {  	v2 =	vld [tilespmem:$0x200]  }
0x2f: {  	v3 =	vld [tilespmem:$0x210]  }
0x30: {  	v4 =	vld [tilespmem:$0x220]  }
0x31: {  	v5 =	vld [tilespmem:$0x230]  }
0x32: {  	v6 =	vld [tilespmem:$0x240]  }
0x33: {  	v2 =	vshll.u32 v2, $0x1  }
0x34: {  	v3 =	vshll.u32 v3, $0x1;
	v2 =	vor.u32 v0, v2  }
0x35: {  	[tilespmem:$0x200] =	vst v2;
	v2 =	vor.u32 v0, v3;
	v3 =	vshll.u32 v4, $0x1  }
0x36: {  	[tilespmem:$0x210] =	vst v2;
	v2 =	vor.u32 v0, v3;
	v3 =	vshll.u32 v5, $0x1  }
0x37: {  	[tilespmem:$0x220] =	vst v2;
	v2 =	vor.u32 v0, v3;
	v3 =	vshll.u32 v6, $0x1  }
0x38: {  	[tilespmem:$0x230] =	vst v2;
	v2 =	vor.u32 v0, v3  }
0x39: {  	[tilespmem:$0x240] =	vst v2  }
0x3a: {  	_ =	swait.ge [sflag:s5], $0x2800  }
0x3b: {  	[sflag:s5] =	ssyncset.done $0x0  }
0x3c: {  	s1 =	simm.s32 $0x800;
	s7 =	simm.s32 $0xC;
	[sflag:s5] =	ssyncadd.s32 $0xFFFFD800  }
0x3d: {  	[tilespmem:s1], [sflag:$0xA] =	stream.indirect.gather [hbm4b:s4+s22], $0x80, s19, s22, $0xb8;
	[tilespmem:$0x1F800] =	vst v63  }
0x3e: {  	_ =	swait.ge [sflag:s7], $0x2800  }
0x3f: {  	[sflag:s7] =	ssyncset.done $0x0  }
0x40: {  	s12 =	simm.s32 $0x500;
	s0 =	simm.s32 $0xF;
	[sflag:s7] =	ssyncadd.s32 $0xFFFFD800  }
0x41: {  	[spmem:s2] =	stream.indirect.scatter.add.f32 [tilespmem:s23], [sflag:$0x10], $0x80, s12, s22, $0xb8;
	[tilespmem:$0x1F800] =	vst v63  }
0x42: {  	_ =	swait.ge [sflag:s0], $0x2800  }
0x43: {  	[sflag:s0] =	ssyncset.done $0x0  }
0x44: {  	[sflag:s0] =	ssyncadd.s32 $0xFFFFD800  }
0x45: {  	_ =	swait.ge [sflag:s11], $0x2800  }
0x46: {  	[sflag:s11] =	ssyncset.done $0x0  }
0x47: {  	s17 =	simm.s32 $0x580;
	[sflag:s11] =	ssyncadd.s32 $0xFFFFD800  }
0x48: {  	[spmem:s2] =	stream.indirect.scatter.add.f32 [tilespmem:s6], [sflag:$0x11], $0x80, s17, s22, $0xb8;
	[tilespmem:$0x1F800] =	vst v63  }
0x49: {  	_ =	swait.ge [sflag:s14], $0x2800  }
0x4a: {  	[sflag:s14] =	ssyncset.done $0x0  }
0x4b: {  	s18 =	simm.s32 $0xA;
	[sflag:s14] =	ssyncadd.s32 $0xFFFFD800  }
0x4c: {  	_ =	swait.ge [sflag:s18], $0x2800  }
0x4d: {  	[sflag:s18] =	ssyncset.done $0x0  }
0x4e: {  	[sflag:s18] =	ssyncadd.s32 $0xFFFFD800  }
0x4f: {  	[spmem:s2] =	stream.indirect.scatter.add.f32 [tilespmem:s1], [sflag:$0xE], $0x80, s20, s22, $0xb8;
	[tilespmem:$0x1F800] =	vst v63  }
0x50: {  	_ =	swait.ge [sflag:s16], $0x2800  }
0x51: {  	[sflag:s16] =	ssyncset.done $0x0  }
0x52: {  	[sflag:s16] =	ssyncadd.s32 $0xFFFFD800  }
0x53: {  	_ =	swait.ge [sflag:s5], $0x2800  }
0x54: {  	[sflag:s5] =	ssyncset.done $0x0  }
0x55: {  	[sflag:s5] =	ssyncadd.s32 $0xFFFFD800  }
0x56: {  	s8 =	simm.s32 @p0 $0x80;
	[bflag:$0x0] =	sbarrier.arrive $0xFFFF  }
0x57: {  	s0 =	simm.s32 @p0 $0x8;
	s17 =	simm.s32 @p0 $0x1FD2;
	s12 =	rddreg [dreg:$0xc]  }
0x58: {  	s1 =	simm.s32 @p0 $0x100;
	s18 =	rddreg [dreg:$0x15];
	s7 =	sshrl.u32 @p0 s12, $0x3  }
0x59: {  	[hbm:s18@s1], [sflag:s17] =	dma.strided @p0 [spmem:s7@s8], $0x2080, s0, $0x10   }
0x5a: {  	s7 =	simm.s32 @p0 $0x12  }
0x5b: {  	s17 =	stileid.u32;
	_ =	swait.ge @p0 [sflag:s7], $0x2080  }
0x5c: {  	s0 =	simm.s32 @!p0 $0x8;
	s1 =	simm.s32 @!p0 $0x100;
	[sflag:s7] =	ssyncset.done @p0 $0x0  }
0x5d: {  	s18 =	simm.s32 @!p0 $0x80;
	s17 =	sshll.u32 @!p0 s17, $0x6;
	[sflag:s7] =	ssyncadd.s32 @p0 $0xFFFFDF80  }
0x5e: {  	s7 =	sor.u32 @!p0 $0x1C12, s17;
	s17 =	sshrl.u32 @!p0 s12, $0x3;
	s12 =	rddreg [dreg:$0x12]  }
0x5f: {  	[hbm:s12@s1], [sflag:s7] =	dma.strided @!p0 [spmem:s17@s18], $0x2780, s0, $0x10   }
0x60: {  	s7 =	simm.s32 @!p0 $0x12  }
0x61: {  	_ =	swait.ge @!p0 [sflag:s7], $0x2780  }
0x62: {  	s25 =	sld [smem:$0x7F9];
	_ =	sdelay $0x2  }
0x63: {  	s26 =	rddreg [dreg:$0x16];
	s0 =	sadd.s32 $0x1, s25  }
0x64: {  	p1 =	sne.s32 s0, s26  }
.Ltmp1:
0x65: {  	_ = 	snop;
	(pc) =	sbr.rel @!p1 .LBB2_7-.Ltmp1, $3  }
0x66: {  	_ =	sdelay $0x1  }
0x67: {  	s8 =	simm.s32 $0x280;
	s18 =	simm.s32 $0x400;
	[sflag:s7] =	ssyncset.done @!p0 $0x0  }
0x68: {  	s17 =	simm.s32 $0x580;
	s12 =	simm.s32 $0x500;
	[sflag:s7] =	ssyncadd.s32 @!p0 $0xFFFFD880  }
.LBB2_1:
0x69: {  	[smem:$0x7F9] =	sst s0  }
0x6a: {  	s7 =	rddreg [dreg:$0x4]  }
0x6b: {  	[tilespmem:s3], [sflag:$0x1] =	stream.linear.gather [hbm4b:s7+s3], $0x50, $0x38;
	[tilespmem:$0x1F800] =	vst v63  }
0x6c: {  	s1 =	rddreg [dreg:$0x5]  }
0x6d: {  	[tilespmem:s18], [sflag:$0x1] =	stream.linear.gather [hbm4b:s1+s3], $0x50, $0x38;
	[tilespmem:$0x1F800] =	vst v63  }
0x6e: {  	s25 =	rddreg [dreg:$0x6]  }
0x6f: {  	[tilespmem:s30], [sflag:$0x2] =	stream.linear.gather [hbm4b:s25+s3], $0x50, $0x38;
	[tilespmem:$0x1F800] =	vst v63  }
0x70: {  	s26 =	rddreg [dreg:$0x7]  }
0x71: {  	[tilespmem:s31], [sflag:$0x2] =	stream.linear.gather [hbm4b:s26+s3], $0x50, $0x38;
	[tilespmem:$0x1F800] =	vst v63  }
0x72: {  	s0 =	rddreg [dreg:$0x8]  }
0x73: {  	[tilespmem:s24], [sflag:$0x3] =	stream.linear.gather [hbm4b:s0+s3], $0x50, $0x38;
	[tilespmem:$0x1F800] =	vst v63  }
0x74: {  	s1 =	rddreg [dreg:$0x9]  }
0x75: {  	[tilespmem:s12], [sflag:$0x3] =	stream.linear.gather [hbm4b:s1+s3], $0x50, $0x38;
	[tilespmem:$0x1F800] =	vst v63  }
0x76: {  	s25 =	sand.u32 $0x7E00, s3;
	s12 =	rddreg [dreg:$0xa]  }
0x77: {  	[tilespmem:s28], [sflag:$0x4] =	stream.linear.gather [hbm4b:s12+s3], $0x50, $0x38;
	[tilespmem:$0x1F800] =	vst v63  }
0x78: {  	s18 =	rddreg [dreg:$0xb];
	s25 =	sshrl.u32 s25, $0x2;
	s26 =	sand.u32 $0x70, s3  }
0x79: {  	[tilespmem:s17], [sflag:$0x4] =	stream.linear.gather [hbm4b:s18+s3], $0x50, $0x38;
	[tilespmem:$0x1F800] =	vst v63  }
0x7a: {  	s25 =	sor.u32 s26, s25;
	s17 =	simm.s32 $0x40;
	s18 =	simm.s32 $0x0  }
.LBB2_2:
0x7b: {  	p1 =	sne.s32 s17, $0x4FC0  }
0x7c: {  	[tilespmem:s25+$0xA800] =	vst v1;
	s18 =	sadd.s32 $0x10, s18;
	s25 =	smov.u32 s17;
	s17 =	sadd.s32 $0x40, s17  }
.Ltmp2:
0x7d: {  	(pc) =	sbr.rel @p1 .LBB2_2-.Ltmp2, $4  }
0x7e: {  	_ = 	snop  }
0x7f: {  	s25 =	sand.u32 $0x7E00, s25  }
0x80: {  	s7 =	sand.u32 $0x70, s18;
	s25 =	sshrl.u32 s25, $0x2  }
0x81: {  	s25 =	sor.u32 s7, s25  }
0x82: {  	[tilespmem:s25+$0xA800] =	vst v1;
	s7 =	rddreg [dreg:$0xc];
	s12 =	simm.s32 $0xA800  }
0x83: {  	[spmem:s7] =	stream.linear.scatter [tilespmem:s12], [sflag:$0x9], $0x1400, $0x38;
	[tilespmem:$0x1F800] =	vst v63  }
0x84: {  	s1 =	rddreg [dreg:$0xd]  }
0x85: {  	[spmem:s1] =	stream.linear.scatter [tilespmem:s12], [sflag:$0x9], $0x1400, $0x38;
	[tilespmem:$0x1F800] =	vst v63  }
0x86: {  	s17 =	rddreg [dreg:$0xe]  }
0x87: {  	[spmem:s17] =	stream.linear.scatter [tilespmem:s12], [sflag:$0x9], $0x1400, $0x38;
	[tilespmem:$0x1F800] =	vst v63  }
0x88: {  	s18 =	rddreg [dreg:$0xf]  }
0x89: {  	[spmem:s18] =	stream.linear.scatter [tilespmem:s12], [sflag:$0x9], $0x1400, $0x38;
	[tilespmem:$0x1F800] =	vst v63  }
0x8a: {  	s25 =	rddreg [dreg:$0x10]  }
0x8b: {  	[spmem:s25] =	stream.linear.scatter [tilespmem:s12], [sflag:$0x9], $0x1400, $0x38;
	[tilespmem:$0x1F800] =	vst v63  }
0x8c: {  	s26 =	rddreg [dreg:$0x11]  }
0x8d: {  	[spmem:s26] =	stream.linear.scatter [tilespmem:s12], [sflag:$0x9], $0x1400, $0x38;
	[tilespmem:$0x1F800] =	vst v63  }
0x8e: {  	s0 =	rddreg [dreg:$0x13]  }
0x8f: {  	[spmem:s0] =	stream.linear.scatter [tilespmem:s12], [sflag:$0x9], $0x1400, $0x38;
	[tilespmem:$0x1F800] =	vst v63  }
0x90: {  	s1 =	rddreg [dreg:$0x14]  }
0x91: {  	[spmem:s1] =	stream.linear.scatter [tilespmem:s12], [sflag:$0x9], $0x1400, $0x38;
	[tilespmem:$0x1F800] =	vst v63  }
0x92: {  	s17 =	rddreg [dreg:$0x17]  }
0x93: {  	[spmem:s17] =	stream.linear.scatter [tilespmem:s12], [sflag:$0x9], $0x1400, $0x38;
	[tilespmem:$0x1F800] =	vst v63  }
0x94: {  	s18 =	rddreg [dreg:$0x18]  }
0x95: {  	[spmem:s18] =	stream.linear.scatter [tilespmem:s12], [sflag:$0x9], $0x1400, $0x38;
	[tilespmem:$0x1F800] =	vst v63  }
0x96: {  	s25 =	rddreg [dreg:$0x19]  }
0x97: {  	[spmem:s25] =	stream.linear.scatter [tilespmem:s12], [sflag:$0x9], $0x1400, $0x38;
	[tilespmem:$0x1F800] =	vst v63  }
0x98: {  	s26 =	rddreg [dreg:$0x1a]  }
0x99: {  	[spmem:s26] =	stream.linear.scatter [tilespmem:s12], [sflag:$0x9], $0x1400, $0x38;
	[tilespmem:$0x1F800] =	vst v63  }
0x9a: {  	s0 =	rddreg [dreg:$0x1b]  }
0x9b: {  	[spmem:s0] =	stream.linear.scatter [tilespmem:s12], [sflag:$0x9], $0x1400, $0x38;
	[tilespmem:$0x1F800] =	vst v63  }
0x9c: {  	s1 =	rddreg [dreg:$0x1c]  }
0x9d: {  	[spmem:s1] =	stream.linear.scatter [tilespmem:s12], [sflag:$0x9], $0x1400, $0x38;
	[tilespmem:$0x1F800] =	vst v63  }
0x9e: {  	s17 =	rddreg [dreg:$0x1d]  }
0x9f: {  	[spmem:s17] =	stream.linear.scatter [tilespmem:s12], [sflag:$0x9], $0x1400, $0x38;
	[tilespmem:$0x1F800] =	vst v63  }
0xa0: {  	s18 =	rddreg [dreg:$0x1e];
	s1 =	simm.s32 $0x1  }
0xa1: {  	[spmem:s18] =	stream.linear.scatter [tilespmem:s12], [sflag:$0x9], $0x1000, $0x38;
	[tilespmem:$0x1F800] =	vst v63  }
0xa2: {  	_ =	swait.ge [sflag:s1], $0x50  }
0xa3: {  	[sflag:s1] =	ssyncset.done $0x0  }
0xa4: {  	[sflag:s1] =	ssyncadd.s32 $0xFFFFFFB0  }
0xa5: {  	_ =	swait.ge [sflag:s1], $0x50  }
0xa6: {  	[sflag:s1] =	ssyncset.done $0x0  }
0xa7: {  	[sflag:s1] =	ssyncadd.s32 $0xFFFFFFB0  }
0xa8: {  	v2 =	vld [tilespmem:$0x0]  }
0xa9: {  	v3 =	vld [tilespmem:$0x10]  }
0xaa: {  	v4 =	vld [tilespmem:$0x20]  }
0xab: {  	v5 =	vld [tilespmem:$0x30]  }
0xac: {  	v6 =	vld [tilespmem:$0x40]  }
0xad: {  	v2 =	vshll.u32 v2, $0x1  }
0xae: {  	v3 =	vshll.u32 v3, $0x1;
	v2 =	vor.u32 v0, v2  }
0xaf: {  	[tilespmem:$0x0] =	vst v2;
	v2 =	vor.u32 v0, v3;
	v3 =	vshll.u32 v4, $0x1  }
0xb0: {  	[tilespmem:$0x10] =	vst v2;
	v2 =	vor.u32 v0, v3;
	v3 =	vshll.u32 v5, $0x1  }
0xb1: {  	[tilespmem:$0x20] =	vst v2;
	v2 =	vor.u32 v0, v3;
	v3 =	vshll.u32 v6, $0x1  }
0xb2: {  	[tilespmem:$0x30] =	vst v2;
	v2 =	vor.u32 v0, v3  }
0xb3: {  	s25 =	simm.s32 $0x2;
	[tilespmem:$0x40] =	vst v2  }
0xb4: {  	_ =	swait.ge [sflag:s25], $0x50  }
0xb5: {  	[sflag:s25] =	ssyncset.done $0x0  }
0xb6: {  	[sflag:s25] =	ssyncadd.s32 $0xFFFFFFB0  }
0xb7: {  	_ =	swait.ge [sflag:s25], $0x50  }
0xb8: {  	[sflag:s25] =	ssyncset.done $0x0  }
0xb9: {  	[sflag:s25] =	ssyncadd.s32 $0xFFFFFFB0  }
0xba: {  	v2 =	vld [tilespmem:$0x80]  }
0xbb: {  	v3 =	vld [tilespmem:$0x90]  }
0xbc: {  	v55 =	vld [tilespmem:$0xA0]  }
0xbd: {  	v56 =	vld [tilespmem:$0xB0]  }
0xbe: {  	v57 =	vld [tilespmem:$0xC0]  }
0xbf: {  	v2 =	vshll.u32 v2, $0x1  }
0xc0: {  	v3 =	vshll.u32 v3, $0x1;
	v2 =	vor.u32 v0, v2  }
0xc1: {  	[tilespmem:$0x80] =	vst v2;
	v2 =	vor.u32 v0, v3;
	v3 =	vshll.u32 v55, $0x1  }
0xc2: {  	[tilespmem:$0x90] =	vst v2;
	v2 =	vor.u32 v0, v3;
	v3 =	vshll.u32 v56, $0x1  }
0xc3: {  	[tilespmem:$0xA0] =	vst v2;
	v2 =	vor.u32 v0, v3;
	v3 =	vshll.u32 v57, $0x1  }
0xc4: {  	[tilespmem:$0xB0] =	vst v2;
	v2 =	vor.u32 v0, v3  }
0xc5: {  	s26 =	simm.s32 $0x800;
	s17 =	simm.s32 $0x0;
	[tilespmem:$0xC0] =	vst v2  }
0xc6: {  	[tilespmem:s26], [sflag:$0xA] =	stream.indirect.gather [hbm4b:s4+s22], $0x80, s17, s22, $0xb8;
	[tilespmem:$0x1F800] =	vst v63  }
0xc7: {  	s0 =	simm.s32 $0x9;
	s1 =	simm.s32 $0x3000  }
0xc8: {  	[tilespmem:s1], [sflag:$0xB] =	stream.indirect.gather [hbm4b:s4+s22], $0x80, s30, s22, $0xb8;
	[tilespmem:$0x1F800] =	vst v63  }
0xc9: {  	_ =	swait.ge [sflag:s0], $0x1400  }
0xca: {  	[sflag:s0] =	ssyncset.done $0x0  }
0xcb: {  	[sflag:s0] =	ssyncadd.s32 $0xFFFFEC00  }
0xcc: {  	_ =	swait.ge [sflag:s0], $0x1400  }
0xcd: {  	[sflag:s0] =	ssyncset.done $0x0  }
0xce: {  	[sflag:s0] =	ssyncadd.s32 $0xFFFFEC00  }
0xcf: {  	_ =	swait.ge [sflag:s0], $0x1400  }
0xd0: {  	[sflag:s0] =	ssyncset.done $0x0  }
0xd1: {  	[sflag:s0] =	ssyncadd.s32 $0xFFFFEC00  }
0xd2: {  	_ =	swait.ge [sflag:s0], $0x1400  }
0xd3: {  	[sflag:s0] =	ssyncset.done $0x0  }
0xd4: {  	[sflag:s0] =	ssyncadd.s32 $0xFFFFEC00  }
0xd5: {  	_ =	swait.ge [sflag:s0], $0x1400  }
0xd6: {  	[sflag:s0] =	ssyncset.done $0x0  }
0xd7: {  	[sflag:s0] =	ssyncadd.s32 $0xFFFFEC00  }
0xd8: {  	_ =	swait.ge [sflag:s0], $0x1400  }
0xd9: {  	[sflag:s0] =	ssyncset.done $0x0  }
0xda: {  	[sflag:s0] =	ssyncadd.s32 $0xFFFFEC00  }
0xdb: {  	_ =	swait.ge [sflag:s0], $0x1400  }
0xdc: {  	[sflag:s0] =	ssyncset.done $0x0  }
0xdd: {  	[sflag:s0] =	ssyncadd.s32 $0xFFFFEC00  }
0xde: {  	_ =	swait.ge [sflag:s0], $0x1400  }
0xdf: {  	[sflag:s0] =	ssyncset.done $0x0  }
0xe0: {  	[sflag:s0] =	ssyncadd.s32 $0xFFFFEC00  }
0xe1: {  	_ =	swait.ge [sflag:s0], $0x1400  }
0xe2: {  	[sflag:s0] =	ssyncset.done $0x0  }
0xe3: {  	[sflag:s0] =	ssyncadd.s32 $0xFFFFEC00  }
0xe4: {  	_ =	swait.ge [sflag:s0], $0x1400  }
0xe5: {  	[sflag:s0] =	ssyncset.done $0x0  }
0xe6: {  	[sflag:s0] =	ssyncadd.s32 $0xFFFFEC00  }
0xe7: {  	_ =	swait.ge [sflag:s0], $0x1400  }
0xe8: {  	[sflag:s0] =	ssyncset.done $0x0  }
0xe9: {  	[sflag:s0] =	ssyncadd.s32 $0xFFFFEC00  }
0xea: {  	_ =	swait.ge [sflag:s0], $0x1400  }
0xeb: {  	[sflag:s0] =	ssyncset.done $0x0  }
0xec: {  	[sflag:s0] =	ssyncadd.s32 $0xFFFFEC00  }
0xed: {  	_ =	swait.ge [sflag:s0], $0x1400  }
0xee: {  	[sflag:s0] =	ssyncset.done $0x0  }
0xef: {  	[sflag:s0] =	ssyncadd.s32 $0xFFFFEC00  }
0xf0: {  	_ =	swait.ge [sflag:s0], $0x1400  }
0xf1: {  	[sflag:s0] =	ssyncset.done $0x0  }
0xf2: {  	[sflag:s0] =	ssyncadd.s32 $0xFFFFEC00  }
0xf3: {  	_ =	swait.ge [sflag:s0], $0x1400  }
0xf4: {  	[sflag:s0] =	ssyncset.done $0x0  }
0xf5: {  	[sflag:s0] =	ssyncadd.s32 $0xFFFFEC00  }
0xf6: {  	_ =	swait.ge [sflag:s0], $0x1000  }
0xf7: {  	[sflag:s0] =	ssyncset.done $0x0  }
0xf8: {  	[sflag:s0] =	ssyncadd.s32 $0xFFFFF000  }
0xf9: {  	s18 =	simm.s32 $0x3;
	[bflag:$0x0] =	sbarrier.arrive $0xFFFF  }
0xfa: {  	_ =	swait.ge [sflag:s18], $0x50  }
0xfb: {  	[sflag:s18] =	ssyncset.done $0x0  }
0xfc: {  	[sflag:s18] =	ssyncadd.s32 $0xFFFFFFB0  }
0xfd: {  	_ =	swait.ge [sflag:s18], $0x50  }
0xfe: {  	[sflag:s18] =	ssyncset.done $0x0  }
0xff: {  	[sflag:s18] =	ssyncadd.s32 $0xFFFFFFB0  }
0x100: {  	v2 =	vld [tilespmem:$0x100]  }
0x101: {  	v3 =	vld [tilespmem:$0x110]  }
0x102: {  	v58 =	vld [tilespmem:$0x120]  }
0x103: {  	v59 =	vld [tilespmem:$0x130]  }
0x104: {  	v60 =	vld [tilespmem:$0x140]  }
0x105: {  	v2 =	vshll.u32 v2, $0x1  }
0x106: {  	v3 =	vshll.u32 v3, $0x1;
	v2 =	vor.u32 v0, v2  }
0x107: {  	[tilespmem:$0x100] =	vst v2;
	v2 =	vor.u32 v0, v3;
	v3 =	vshll.u32 v58, $0x1  }
0x108: {  	[tilespmem:$0x110] =	vst v2;
	v2 =	vor.u32 v0, v3;
	v3 =	vshll.u32 v59, $0x1  }
0x109: {  	[tilespmem:$0x120] =	vst v2;
	v2 =	vor.u32 v0, v3;
	v3 =	vshll.u32 v60, $0x1  }
0x10a: {  	[tilespmem:$0x130] =	vst v2;
	v2 =	vor.u32 v0, v3  }
0x10b: {  	[tilespmem:$0x140] =	vst v2  }
0x10c: {  	[tilespmem:s23], [sflag:$0xC] =	stream.indirect.gather [hbm4b:s4+s22], $0x80, s24, s22, $0xb8;
	[tilespmem:$0x1F800] =	vst v63  }
0x10d: {  	s23 =	simm.s32 $0xA  }
0x10e: {  	_ =	swait.ge [sflag:s23], $0x2800  }
0x10f: {  	[sflag:s23] =	ssyncset.done $0x0  }
0x110: {  	s0 =	simm.s32 $0x400;
	s24 =	rddreg [dreg:$0x1f];
	[sflag:s23] =	ssyncadd.s32 $0xFFFFD800  }
0x111: {  	[spmem:s2] =	stream.indirect.scatter.add.f32 [tilespmem:s26], [sflag:$0xE], $0x80, s0, s22, $0xb8;
	[tilespmem:$0x1F800] =	vst v63  }
0x112: {  	s25 =	sld [smem:$0x7FB]  }
0x113: {  	[tilespmem:s19], [sflag:$0x5] =	stream.linear.gather [hbm4b:s24+s17], $0x50, $0x38;
	[tilespmem:$0x1F800] =	vst v63  }
0x114: {  	s26 =	simm.s32 $0x4  }
0x115: {  	[tilespmem:s20], [sflag:$0x5] =	stream.linear.gather [hbm4b:s25+s17], $0x50, $0x38;
	[tilespmem:$0x1F800] =	vst v63  }
0x116: {  	_ =	swait.ge [sflag:s26], $0x50  }
0x117: {  	[sflag:s26] =	ssyncset.done $0x0  }
0x118: {  	[sflag:s26] =	ssyncadd.s32 $0xFFFFFFB0  }
0x119: {  	_ =	swait.ge [sflag:s26], $0x50  }
0x11a: {  	[sflag:s26] =	ssyncset.done $0x0  }
0x11b: {  	[sflag:s26] =	ssyncadd.s32 $0xFFFFFFB0  }
0x11c: {  	v2 =	vld [tilespmem:$0x180]  }
0x11d: {  	v3 =	vld [tilespmem:$0x190]  }
0x11e: {  	v61 =	vld [tilespmem:$0x1A0]  }
0x11f: {  	v62 =	vld [tilespmem:$0x1B0]  }
0x120: {  	v63 =	vld [tilespmem:$0x1C0]  }
0x121: {  	v2 =	vshll.u32 v2, $0x1  }
0x122: {  	v3 =	vshll.u32 v3, $0x1;
	v2 =	vor.u32 v0, v2  }
0x123: {  	[tilespmem:$0x180] =	vst v2;
	v2 =	vor.u32 v0, v3;
	v3 =	vshll.u32 v61, $0x1  }
0x124: {  	[tilespmem:$0x190] =	vst v2;
	v2 =	vor.u32 v0, v3;
	v3 =	vshll.u32 v62, $0x1  }
0x125: {  	[tilespmem:$0x1A0] =	vst v2;
	v2 =	vor.u32 v0, v3;
	v3 =	vshll.u32 v63, $0x1  }
0x126: {  	[tilespmem:$0x1B0] =	vst v2;
	v2 =	vor.u32 v0, v3  }
0x127: {  	[tilespmem:$0x1C0] =	vst v2  }
0x128: {  	[tilespmem:s6], [sflag:$0xD] =	stream.indirect.gather [hbm4b:s4+s22], $0x80, s28, s22, $0xb8;
	[tilespmem:$0x1F800] =	vst v63  }
0x129: {  	s28 =	simm.s32 $0xB  }
0x12a: {  	_ =	swait.ge [sflag:s28], $0x2800  }
0x12b: {  	[sflag:s28] =	ssyncset.done $0x0  }
0x12c: {  	s30 =	sld [smem:$0x7FC];
	[sflag:s28] =	ssyncadd.s32 $0xFFFFD800  }
0x12d: {  	[spmem:s2] =	stream.indirect.scatter.add.f32 [tilespmem:s1], [sflag:$0xF], $0x80, s31, s22, $0xb8;
	[tilespmem:$0x1F800] =	vst v63  }
0x12e: {  	s31 =	sld [smem:$0x7FD]  }
0x12f: {  	[tilespmem:s8], [sflag:$0x6] =	stream.linear.gather [hbm4b:s30+s17], $0x50, $0x38;
	[tilespmem:$0x1F800] =	vst v63  }
0x130: {  	s12 =	simm.s32 $0x680  }
0x131: {  	[tilespmem:s12], [sflag:$0x6] =	stream.linear.gather [hbm4b:s31+s17], $0x50, $0x38;
	[tilespmem:$0x1F800] =	vst v63  }
.LBB2_4:
0x132: {  	_ =	swait.ge [sflag:s9], $0x50  }
0x133: {  	[sflag:s9] =	ssyncset.done $0x0  }
0x134: {  	[sflag:s9] =	ssyncadd.s32 $0xFFFFFFB0  }
0x135: {  	_ =	swait.ge [sflag:s9], $0x50  }
0x136: {  	[sflag:s9] =	ssyncset.done $0x0  }
0x137: {  	[sflag:s9] =	ssyncadd.s32 $0xFFFFFFB0  }
0x138: {  	v2 =	vld [tilespmem:$0x200]  }
0x139: {  	v3 =	vld [tilespmem:$0x210]  }
0x13a: {  	v4 =	vld [tilespmem:$0x220]  }
0x13b: {  	v5 =	vld [tilespmem:$0x230]  }
0x13c: {  	v6 =	vld [tilespmem:$0x240]  }
0x13d: {  	v2 =	vshll.u32 v2, $0x1  }
0x13e: {  	v3 =	vshll.u32 v3, $0x1;
	v2 =	vor.u32 v0, v2  }
0x13f: {  	[tilespmem:$0x200] =	vst v2;
	v2 =	vor.u32 v0, v3;
	v3 =	vshll.u32 v4, $0x1  }
0x140: {  	[tilespmem:$0x210] =	vst v2;
	v2 =	vor.u32 v0, v3;
	v3 =	vshll.u32 v5, $0x1  }
0x141: {  	[tilespmem:$0x220] =	vst v2;
	v2 =	vor.u32 v0, v3;
	v3 =	vshll.u32 v6, $0x1  }
0x142: {  	[tilespmem:$0x230] =	vst v2;
	v2 =	vor.u32 v0, v3  }
0x143: {  	[tilespmem:$0x240] =	vst v2  }
0x144: {  	_ =	swait.ge [sflag:s5], $0x2800  }
0x145: {  	[sflag:s5] =	ssyncset.done $0x0  }
0x146: {  	s20 =	simm.s32 $0x200;
	s23 =	simm.s32 $0xC;
	[sflag:s5] =	ssyncadd.s32 $0xFFFFD800  }
0x147: {  	[tilespmem:s21], [sflag:$0xA] =	stream.indirect.gather [hbm4b:s4+s22], $0x80, s20, s22, $0xb8;
	[tilespmem:$0x1F800] =	vst v63  }
0x148: {  	_ =	swait.ge [sflag:s23], $0x2800  }
0x149: {  	[sflag:s23] =	ssyncset.done $0x0;
	s7 =	sld [smem:$0x7FA]  }
0x14a: {  	s24 =	simm.s32 $0x500;
	s19 =	simm.s32 $0x5800;
	[sflag:s23] =	ssyncadd.s32 $0xFFFFD800  }
0x14b: {  	[spmem:s2] =	stream.indirect.scatter.add.f32 [tilespmem:s19], [sflag:$0x10], $0x80, s24, s22, $0xb8;
	[tilespmem:$0x1F800] =	vst v63  }
0x14c: {  	s18 =	sadd.s32 s17, s7  }
0x14d: {  	s6 =	simm.s32 $0x300;
	s7 =	sadd.s32 $0x3C, s18  }
0x14e: {  	[tilespmem:s6], [sflag:$0x7] =	stream.linear.gather [hbm4b:s7+s3], $0x50, $0x38;
	[tilespmem:$0x1F800] =	vst v63  }
0x14f: {  	s25 =	simm.s32 $0x700;
	s1 =	simm.s32 $0x6;
	s26 =	sadd.s32 $0x4E5C, s18  }
0x150: {  	[tilespmem:s25], [sflag:$0x7] =	stream.linear.gather [hbm4b:s26+s3], $0x50, $0x38;
	[tilespmem:$0x1F800] =	vst v63  }
0x151: {  	_ =	swait.ge [sflag:s1], $0x50  }
0x152: {  	[sflag:s1] =	ssyncset.done $0x0  }
0x153: {  	[sflag:s1] =	ssyncadd.s32 $0xFFFFFFB0  }
0x154: {  	_ =	swait.ge [sflag:s1], $0x50  }
0x155: {  	[sflag:s1] =	ssyncset.done $0x0  }
0x156: {  	[sflag:s1] =	ssyncadd.s32 $0xFFFFFFB0  }
0x157: {  	v2 =	vld [tilespmem:$0x280]  }
0x158: {  	v3 =	vld [tilespmem:$0x290]  }
0x159: {  	v43 =	vld [tilespmem:$0x2A0]  }
0x15a: {  	v44 =	vld [tilespmem:$0x2B0]  }
0x15b: {  	v45 =	vld [tilespmem:$0x2C0]  }
0x15c: {  	v2 =	vshll.u32 v2, $0x1  }
0x15d: {  	v3 =	vshll.u32 v3, $0x1;
	v2 =	vor.u32 v0, v2  }
0x15e: {  	[tilespmem:$0x280] =	vst v2;
	v2 =	vor.u32 v0, v3;
	v3 =	vshll.u32 v43, $0x1  }
0x15f: {  	[tilespmem:$0x290] =	vst v2;
	v2 =	vor.u32 v0, v3;
	v3 =	vshll.u32 v44, $0x1  }
0x160: {  	[tilespmem:$0x2A0] =	vst v2;
	v2 =	vor.u32 v0, v3;
	v3 =	vshll.u32 v45, $0x1  }
0x161: {  	[tilespmem:$0x2B0] =	vst v2;
	v2 =	vor.u32 v0, v3  }
0x162: {  	s30 =	simm.s32 $0xF;
	[tilespmem:$0x2C0] =	vst v2  }
0x163: {  	_ =	swait.ge [sflag:s30], $0x2800  }
0x164: {  	[sflag:s30] =	ssyncset.done $0x0  }
0x165: {  	s1 =	simm.s32 $0x3000;
	[sflag:s30] =	ssyncadd.s32 $0xFFFFD800  }
0x166: {  	[tilespmem:s1], [sflag:$0xB] =	stream.indirect.gather [hbm4b:s4+s22], $0x80, s8, s22, $0xb8;
	[tilespmem:$0x1F800] =	vst v63  }
0x167: {  	_ =	swait.ge [sflag:s11], $0x2800  }
0x168: {  	[sflag:s11] =	ssyncset.done $0x0  }
0x169: {  	s28 =	simm.s32 $0x580;
	s8 =	simm.s32 $0x8000;
	[sflag:s11] =	ssyncadd.s32 $0xFFFFD800  }
0x16a: {  	[spmem:s2] =	stream.indirect.scatter.add.f32 [tilespmem:s8], [sflag:$0x11], $0x80, s28, s22, $0xb8;
	[tilespmem:$0x1F800] =	vst v63  }
0x16b: {  	s0 =	sadd.s32 $0x46, s18;
	s26 =	simm.s32 $0x380  }
0x16c: {  	[tilespmem:s26], [sflag:$0x8] =	stream.linear.gather [hbm4b:s0+s3], $0x50, $0x38;
	[tilespmem:$0x1F800] =	vst v63  }
0x16d: {  	s7 =	sadd.s32 $0x4E66, s18;
	s0 =	simm.s32 $0x780  }
0x16e: {  	[tilespmem:s0], [sflag:$0x8] =	stream.linear.gather [hbm4b:s7+s3], $0x50, $0x38;
	[tilespmem:$0x1F800] =	vst v63  }
0x16f: {  	s7 =	simm.s32 $0x7  }
0x170: {  	_ =	swait.ge [sflag:s7], $0x50  }
0x171: {  	[sflag:s7] =	ssyncset.done $0x0  }
0x172: {  	[sflag:s7] =	ssyncadd.s32 $0xFFFFFFB0  }
0x173: {  	_ =	swait.ge [sflag:s7], $0x50  }
0x174: {  	[sflag:s7] =	ssyncset.done $0x0  }
0x175: {  	[sflag:s7] =	ssyncadd.s32 $0xFFFFFFB0  }
0x176: {  	v2 =	vld [tilespmem:$0x300]  }
0x177: {  	v3 =	vld [tilespmem:$0x310]  }
0x178: {  	v46 =	vld [tilespmem:$0x320]  }
0x179: {  	v47 =	vld [tilespmem:$0x330]  }
0x17a: {  	v48 =	vld [tilespmem:$0x340]  }
0x17b: {  	v2 =	vshll.u32 v2, $0x1  }
0x17c: {  	v3 =	vshll.u32 v3, $0x1;
	v2 =	vor.u32 v0, v2  }
0x17d: {  	[tilespmem:$0x300] =	vst v2;
	v2 =	vor.u32 v0, v3;
	v3 =	vshll.u32 v46, $0x1  }
0x17e: {  	[tilespmem:$0x310] =	vst v2;
	v2 =	vor.u32 v0, v3;
	v3 =	vshll.u32 v47, $0x1  }
0x17f: {  	[tilespmem:$0x320] =	vst v2;
	v2 =	vor.u32 v0, v3;
	v3 =	vshll.u32 v48, $0x1  }
0x180: {  	[tilespmem:$0x330] =	vst v2;
	v2 =	vor.u32 v0, v3  }
0x181: {  	[tilespmem:$0x340] =	vst v2  }
0x182: {  	_ =	swait.ge [sflag:s14], $0x2800  }
0x183: {  	[sflag:s14] =	ssyncset.done $0x0  }
0x184: {  	[sflag:s14] =	ssyncadd.s32 $0xFFFFD800  }
0x185: {  	[tilespmem:s19], [sflag:$0xC] =	stream.indirect.gather [hbm4b:s4+s22], $0x80, s6, s22, $0xb8;
	[tilespmem:$0x1F800] =	vst v63  }
0x186: {  	_ =	swait.ge [sflag:s15], $0x2800  }
0x187: {  	[sflag:s15] =	ssyncset.done $0x0  }
0x188: {  	s6 =	simm.s32 $0x600;
	[sflag:s15] =	ssyncadd.s32 $0xFFFFD800  }
0x189: {  	[spmem:s2] =	stream.indirect.scatter.add.f32 [tilespmem:s21], [sflag:$0xE], $0x80, s6, s22, $0xb8;
	[tilespmem:$0x1F800] =	vst v63  }
0x18a: {  	s7 =	sadd.s32 $0x50, s18  }
0x18b: {  	[tilespmem:s3], [sflag:$0x1] =	stream.linear.gather [hbm4b:s7+s3], $0x50, $0x38;
	[tilespmem:$0x1F800] =	vst v63  }
0x18c: {  	s7 =	sadd.s32 $0x4E70, s18  }
0x18d: {  	[tilespmem:s10], [sflag:$0x1] =	stream.linear.gather [hbm4b:s7+s3], $0x50, $0x38;
	[tilespmem:$0x1F800] =	vst v63  }
0x18e: {  	s7 =	simm.s32 $0x8  }
0x18f: {  	_ =	swait.ge [sflag:s7], $0x50  }
0x190: {  	[sflag:s7] =	ssyncset.done $0x0  }
0x191: {  	[sflag:s7] =	ssyncadd.s32 $0xFFFFFFB0  }
0x192: {  	_ =	swait.ge [sflag:s7], $0x50  }
0x193: {  	[sflag:s7] =	ssyncset.done $0x0  }
0x194: {  	[sflag:s7] =	ssyncadd.s32 $0xFFFFFFB0  }
0x195: {  	v2 =	vld [tilespmem:$0x380]  }
0x196: {  	v3 =	vld [tilespmem:$0x390]  }
0x197: {  	v49 =	vld [tilespmem:$0x3A0]  }
0x198: {  	v50 =	vld [tilespmem:$0x3B0]  }
0x199: {  	v51 =	vld [tilespmem:$0x3C0]  }
0x19a: {  	v2 =	vshll.u32 v2, $0x1  }
0x19b: {  	v3 =	vshll.u32 v3, $0x1;
	v2 =	vor.u32 v0, v2  }
0x19c: {  	[tilespmem:$0x380] =	vst v2;
	v2 =	vor.u32 v0, v3;
	v3 =	vshll.u32 v49, $0x1  }
0x19d: {  	[tilespmem:$0x390] =	vst v2;
	v2 =	vor.u32 v0, v3;
	v3 =	vshll.u32 v50, $0x1  }
0x19e: {  	[tilespmem:$0x3A0] =	vst v2;
	v2 =	vor.u32 v0, v3;
	v3 =	vshll.u32 v51, $0x1  }
0x19f: {  	[tilespmem:$0x3B0] =	vst v2;
	v2 =	vor.u32 v0, v3  }
0x1a0: {  	[tilespmem:$0x3C0] =	vst v2  }
0x1a1: {  	_ =	swait.ge [sflag:s16], $0x2800  }
0x1a2: {  	[sflag:s16] =	ssyncset.done $0x0  }
0x1a3: {  	[sflag:s16] =	ssyncadd.s32 $0xFFFFD800  }
0x1a4: {  	[tilespmem:s8], [sflag:$0xD] =	stream.indirect.gather [hbm4b:s4+s22], $0x80, s26, s22, $0xb8;
	[tilespmem:$0x1F800] =	vst v63  }
0x1a5: {  	s26 =	simm.s32 $0xB  }
0x1a6: {  	_ =	swait.ge [sflag:s26], $0x2800  }
0x1a7: {  	[sflag:s26] =	ssyncset.done $0x0  }
0x1a8: {  	[sflag:s26] =	ssyncadd.s32 $0xFFFFD800  }
0x1a9: {  	[spmem:s2] =	stream.indirect.scatter.add.f32 [tilespmem:s1], [sflag:$0xF], $0x80, s12, s22, $0xb8;
	[tilespmem:$0x1F800] =	vst v63  }
0x1aa: {  	s31 =	simm.s32 $0x80;
	s12 =	sadd.s32 $0x5A, s18  }
0x1ab: {  	[tilespmem:s31], [sflag:$0x2] =	stream.linear.gather [hbm4b:s12+s3], $0x50, $0x38;
	[tilespmem:$0x1F800] =	vst v63  }
0x1ac: {  	s7 =	sadd.s32 $0x4E7A, s18;
	s12 =	simm.s32 $0x480  }
0x1ad: {  	[tilespmem:s12], [sflag:$0x2] =	stream.linear.gather [hbm4b:s7+s3], $0x50, $0x38;
	[tilespmem:$0x1F800] =	vst v63  }
0x1ae: {  	s7 =	simm.s32 $0x1  }
0x1af: {  	_ =	swait.ge [sflag:s7], $0x50  }
0x1b0: {  	[sflag:s7] =	ssyncset.done $0x0  }
0x1b1: {  	[sflag:s7] =	ssyncadd.s32 $0xFFFFFFB0  }
0x1b2: {  	_ =	swait.ge [sflag:s7], $0x50  }
0x1b3: {  	[sflag:s7] =	ssyncset.done $0x0  }
0x1b4: {  	[sflag:s7] =	ssyncadd.s32 $0xFFFFFFB0  }
0x1b5: {  	v2 =	vld [tilespmem:$0x0]  }
0x1b6: {  	v3 =	vld [tilespmem:$0x10]  }
0x1b7: {  	v52 =	vld [tilespmem:$0x20]  }
0x1b8: {  	v53 =	vld [tilespmem:$0x30]  }
0x1b9: {  	v54 =	vld [tilespmem:$0x40]  }
0x1ba: {  	v2 =	vshll.u32 v2, $0x1  }
0x1bb: {  	v3 =	vshll.u32 v3, $0x1;
	v2 =	vor.u32 v0, v2  }
0x1bc: {  	[tilespmem:$0x0] =	vst v2;
	v2 =	vor.u32 v0, v3;
	v3 =	vshll.u32 v52, $0x1  }
0x1bd: {  	[tilespmem:$0x10] =	vst v2;
	v2 =	vor.u32 v0, v3;
	v3 =	vshll.u32 v53, $0x1  }
0x1be: {  	[tilespmem:$0x20] =	vst v2;
	v2 =	vor.u32 v0, v3;
	v3 =	vshll.u32 v54, $0x1  }
0x1bf: {  	[tilespmem:$0x30] =	vst v2;
	v2 =	vor.u32 v0, v3  }
0x1c0: {  	[tilespmem:$0x40] =	vst v2  }
0x1c1: {  	_ =	swait.ge [sflag:s5], $0x2800  }
0x1c2: {  	[sflag:s5] =	ssyncset.done $0x0  }
0x1c3: {  	[sflag:s5] =	ssyncadd.s32 $0xFFFFD800  }
0x1c4: {  	[tilespmem:s21], [sflag:$0xA] =	stream.indirect.gather [hbm4b:s4+s22], $0x80, s3, s22, $0xb8;
	[tilespmem:$0x1F800] =	vst v63  }
0x1c5: {  	_ =	swait.ge [sflag:s23], $0x2800  }
0x1c6: {  	[sflag:s23] =	ssyncset.done $0x0  }
0x1c7: {  	[sflag:s23] =	ssyncadd.s32 $0xFFFFD800  }
0x1c8: {  	[spmem:s2] =	stream.indirect.scatter.add.f32 [tilespmem:s19], [sflag:$0x10], $0x80, s25, s22, $0xb8;
	[tilespmem:$0x1F800] =	vst v63  }
0x1c9: {  	s23 =	sadd.s32 $0x64, s18;
	s25 =	simm.s32 $0x100  }
0x1ca: {  	[tilespmem:s25], [sflag:$0x3] =	stream.linear.gather [hbm4b:s23+s3], $0x50, $0x38;
	[tilespmem:$0x1F800] =	vst v63  }
0x1cb: {  	s23 =	sadd.s32 $0x4E84, s18  }
0x1cc: {  	[tilespmem:s24], [sflag:$0x3] =	stream.linear.gather [hbm4b:s23+s3], $0x50, $0x38;
	[tilespmem:$0x1F800] =	vst v63  }
0x1cd: {  	s24 =	simm.s32 $0x2  }
0x1ce: {  	_ =	swait.ge [sflag:s24], $0x50  }
0x1cf: {  	[sflag:s24] =	ssyncset.done $0x0  }
0x1d0: {  	[sflag:s24] =	ssyncadd.s32 $0xFFFFFFB0  }
0x1d1: {  	_ =	swait.ge [sflag:s24], $0x50  }
0x1d2: {  	[sflag:s24] =	ssyncset.done $0x0  }
0x1d3: {  	[sflag:s24] =	ssyncadd.s32 $0xFFFFFFB0  }
0x1d4: {  	v2 =	vld [tilespmem:$0x80]  }
0x1d5: {  	v3 =	vld [tilespmem:$0x90]  }
0x1d6: {  	v55 =	vld [tilespmem:$0xA0]  }
0x1d7: {  	v56 =	vld [tilespmem:$0xB0]  }
0x1d8: {  	v57 =	vld [tilespmem:$0xC0]  }
0x1d9: {  	v2 =	vshll.u32 v2, $0x1  }
0x1da: {  	v3 =	vshll.u32 v3, $0x1;
	v2 =	vor.u32 v0, v2  }
0x1db: {  	[tilespmem:$0x80] =	vst v2;
	v2 =	vor.u32 v0, v3;
	v3 =	vshll.u32 v55, $0x1  }
0x1dc: {  	[tilespmem:$0x90] =	vst v2;
	v2 =	vor.u32 v0, v3;
	v3 =	vshll.u32 v56, $0x1  }
0x1dd: {  	[tilespmem:$0xA0] =	vst v2;
	v2 =	vor.u32 v0, v3;
	v3 =	vshll.u32 v57, $0x1  }
0x1de: {  	[tilespmem:$0xB0] =	vst v2;
	v2 =	vor.u32 v0, v3  }
0x1df: {  	[tilespmem:$0xC0] =	vst v2  }
0x1e0: {  	_ =	swait.ge [sflag:s30], $0x2800  }
0x1e1: {  	[sflag:s30] =	ssyncset.done $0x0  }
0x1e2: {  	[sflag:s30] =	ssyncadd.s32 $0xFFFFD800  }
0x1e3: {  	[tilespmem:s1], [sflag:$0xB] =	stream.indirect.gather [hbm4b:s4+s22], $0x80, s31, s22, $0xb8;
	[tilespmem:$0x1F800] =	vst v63  }
0x1e4: {  	_ =	swait.ge [sflag:s11], $0x2800  }
0x1e5: {  	[sflag:s11] =	ssyncset.done $0x0  }
0x1e6: {  	[sflag:s11] =	ssyncadd.s32 $0xFFFFD800  }
0x1e7: {  	[spmem:s2] =	stream.indirect.scatter.add.f32 [tilespmem:s8], [sflag:$0x11], $0x80, s0, s22, $0xb8;
	[tilespmem:$0x1F800] =	vst v63  }
0x1e8: {  	s31 =	simm.s32 $0x180;
	s0 =	sadd.s32 $0x6E, s18  }
0x1e9: {  	[tilespmem:s31], [sflag:$0x4] =	stream.linear.gather [hbm4b:s0+s3], $0x50, $0x38;
	[tilespmem:$0x1F800] =	vst v63  }
0x1ea: {  	s23 =	sadd.s32 $0x4E8E, s18;
	s24 =	simm.s32 $0x3  }
0x1eb: {  	[tilespmem:s28], [sflag:$0x4] =	stream.linear.gather [hbm4b:s23+s3], $0x50, $0x38;
	[tilespmem:$0x1F800] =	vst v63  }
0x1ec: {  	_ =	swait.ge [sflag:s24], $0x50  }
0x1ed: {  	[sflag:s24] =	ssyncset.done $0x0  }
0x1ee: {  	[sflag:s24] =	ssyncadd.s32 $0xFFFFFFB0  }
0x1ef: {  	_ =	swait.ge [sflag:s24], $0x50  }
0x1f0: {  	[sflag:s24] =	ssyncset.done $0x0  }
0x1f1: {  	[sflag:s24] =	ssyncadd.s32 $0xFFFFFFB0  }
0x1f2: {  	v2 =	vld [tilespmem:$0x100]  }
0x1f3: {  	v3 =	vld [tilespmem:$0x110]  }
0x1f4: {  	v58 =	vld [tilespmem:$0x120]  }
0x1f5: {  	v59 =	vld [tilespmem:$0x130]  }
0x1f6: {  	v60 =	vld [tilespmem:$0x140]  }
0x1f7: {  	v2 =	vshll.u32 v2, $0x1  }
0x1f8: {  	v3 =	vshll.u32 v3, $0x1;
	v2 =	vor.u32 v0, v2  }
0x1f9: {  	[tilespmem:$0x100] =	vst v2;
	v2 =	vor.u32 v0, v3;
	v3 =	vshll.u32 v58, $0x1  }
0x1fa: {  	[tilespmem:$0x110] =	vst v2;
	v2 =	vor.u32 v0, v3;
	v3 =	vshll.u32 v59, $0x1  }
0x1fb: {  	[tilespmem:$0x120] =	vst v2;
	v2 =	vor.u32 v0, v3;
	v3 =	vshll.u32 v60, $0x1  }
0x1fc: {  	[tilespmem:$0x130] =	vst v2;
	v2 =	vor.u32 v0, v3  }
0x1fd: {  	[tilespmem:$0x140] =	vst v2  }
0x1fe: {  	_ =	swait.ge [sflag:s14], $0x2800  }
0x1ff: {  	[sflag:s14] =	ssyncset.done $0x0  }
0x200: {  	[sflag:s14] =	ssyncadd.s32 $0xFFFFD800  }
0x201: {  	[tilespmem:s19], [sflag:$0xC] =	stream.indirect.gather [hbm4b:s4+s22], $0x80, s25, s22, $0xb8;
	[tilespmem:$0x1F800] =	vst v63  }
0x202: {  	_ =	swait.ge [sflag:s15], $0x2800  }
0x203: {  	[sflag:s15] =	ssyncset.done $0x0  }
0x204: {  	[sflag:s15] =	ssyncadd.s32 $0xFFFFD800  }
0x205: {  	[spmem:s2] =	stream.indirect.scatter.add.f32 [tilespmem:s21], [sflag:$0xE], $0x80, s10, s22, $0xb8;
	[tilespmem:$0x1F800] =	vst v63  }
0x206: {  	s25 =	sadd.s32 $0x78, s18  }
0x207: {  	[tilespmem:s20], [sflag:$0x5] =	stream.linear.gather [hbm4b:s25+s3], $0x50, $0x38;
	[tilespmem:$0x1F800] =	vst v63  }
0x208: {  	s0 =	sadd.s32 $0x4E98, s18;
	s25 =	simm.s32 $0x4  }
0x209: {  	[tilespmem:s6], [sflag:$0x5] =	stream.linear.gather [hbm4b:s0+s3], $0x50, $0x38;
	[tilespmem:$0x1F800] =	vst v63  }
0x20a: {  	_ =	swait.ge [sflag:s25], $0x50  }
0x20b: {  	[sflag:s25] =	ssyncset.done $0x0  }
0x20c: {  	[sflag:s25] =	ssyncadd.s32 $0xFFFFFFB0  }
0x20d: {  	_ =	swait.ge [sflag:s25], $0x50  }
0x20e: {  	[sflag:s25] =	ssyncset.done $0x0  }
0x20f: {  	[sflag:s25] =	ssyncadd.s32 $0xFFFFFFB0  }
0x210: {  	v2 =	vld [tilespmem:$0x180]  }
0x211: {  	v3 =	vld [tilespmem:$0x190]  }
0x212: {  	v61 =	vld [tilespmem:$0x1A0]  }
0x213: {  	v62 =	vld [tilespmem:$0x1B0]  }
0x214: {  	v63 =	vld [tilespmem:$0x1C0]  }
0x215: {  	v2 =	vshll.u32 v2, $0x1  }
0x216: {  	v3 =	vshll.u32 v3, $0x1;
	v2 =	vor.u32 v0, v2  }
0x217: {  	[tilespmem:$0x180] =	vst v2;
	v2 =	vor.u32 v0, v3;
	v3 =	vshll.u32 v61, $0x1  }
0x218: {  	[tilespmem:$0x190] =	vst v2;
	v2 =	vor.u32 v0, v3;
	v3 =	vshll.u32 v62, $0x1  }
0x219: {  	[tilespmem:$0x1A0] =	vst v2;
	v2 =	vor.u32 v0, v3;
	v3 =	vshll.u32 v63, $0x1  }
0x21a: {  	[tilespmem:$0x1B0] =	vst v2;
	v2 =	vor.u32 v0, v3  }
0x21b: {  	[tilespmem:$0x1C0] =	vst v2  }
0x21c: {  	_ =	swait.ge [sflag:s16], $0x2800  }
0x21d: {  	[sflag:s16] =	ssyncset.done $0x0  }
0x21e: {  	p1 =	seq.s32 s17, $0x460;
	[sflag:s16] =	ssyncadd.s32 $0xFFFFD800  }
0x21f: {  	[tilespmem:s8], [sflag:$0xD] =	stream.indirect.gather [hbm4b:s4+s22], $0x80, s31, s22, $0xb8;
	[tilespmem:$0x1F800] =	vst v63  }
.Ltmp3:
0x220: {  	s30 =	simm.s32 $0x80;
	s23 =	simm.s32 $0x5800;
	(pc) =	sbr.rel @p1 .LBB2_6-.Ltmp3, $4  }
0x221: {  	s28 =	simm.s32 $0x180;
	s24 =	simm.s32 $0x100;
	_ =	swait.ge [sflag:s26], $0x2800  }
0x222: {  	s19 =	simm.s32 $0x200;
	s20 =	simm.s32 $0x600;
	[sflag:s26] =	ssyncset.done $0x0  }
0x223: {  	s6 =	simm.s32 $0x8000;
	s31 =	simm.s32 $0x480;
	[sflag:s26] =	ssyncadd.s32 $0xFFFFD800  }
0x224: {  	[spmem:s2] =	stream.indirect.scatter.add.f32 [tilespmem:s1], [sflag:$0xF], $0x80, s12, s22, $0xb8;
	[tilespmem:$0x1F800] =	vst v63  }
.Ltmp4:
0x225: {  	(pc) =	sbr.rel .LBB2_4-.Ltmp4, $4  }
0x226: {  	s7 =	sadd.s32 $0x82, s18;
	s31 =	sadd.s32 $0x4EA2, s18  }
0x227: {  	[tilespmem:s13], [sflag:$0x6] =	stream.linear.gather [hbm4b:s7+s3], $0x50, $0x38;
	[tilespmem:$0x1F800] =	vst v63  }
0x228: {  	s17 =	sadd.s32 $0x50, s17;
	s8 =	simm.s32 $0x280;
	s12 =	simm.s32 $0x680  }
0x229: {  	[tilespmem:s29], [sflag:$0x6] =	stream.linear.gather [hbm4b:s31+s3], $0x50, $0x38;
	[tilespmem:$0x1F800] =	vst v63  }
.LBB2_7:
0x22a: {  	_ =	sfence.sel $0x180000  }
0x22b: {  	[bflag:$0x0] =	sbarrier.arrive $0xFFFF  }
0x22c: {  	_ =	strace $0x90000047  }
0x22d: {  	s0 =	stileid.u32;
	[bflag:$0x2] =	sbarrier.arrive $0xFFFF  }
0x22e: {  	p0 =	sne.s32 s0, $0x0;
	s0 =	rddreg [dreg:$0x3]  }
0x22f: {  	s0 =	sadd.s32 @!p0 $0x100000, s0  }
0x230: {  	[sflag:s0] =	ssyncadd.tile.s32 @!p0 $0x1;
	_ =	shalt  }
.Lfunc_end2:
_tile_overlayer_lowered:
.L_overlay_start_2:
0x231: {  	(tag) =	ssettag $0x2  }
0x232: {  	s0 =	rddreg [dreg:$0x0];
	s2 =	stileid.u32  }
0x233: {  	s1 =	rddreg [dreg:$0x1];
	p0 =	sne.s32 s2, $0x0  }
0x234: {  	s3 =	rddreg [dreg:$0x2];
	[bflag:$0x3] =	sbarrier.arrive $0xFFFF;
	s2 =	simm.s32 @!p0 $0x1C12  }
0x235: {  	[timem:s3], [sflag:s2] =	dma.local @!p0 [hbm:s0], s1  }
0x236: {  	s0 =	simm.s32 @!p0 $0x12  }
0x237: {  	_ =	swait.ge @!p0 [sflag:s0], s1  }
0x238: {  	s1 =	ssub.s32 @!p0 $0x0, s1;
	[sflag:s0] =	ssyncset.done @!p0 $0x0  }
0x239: {  	[sflag:s0] =	ssyncadd.s32 @!p0 s1  }
0x23a: {  	[bflag:$0x3] =	sbarrier.arrive $0xFFFF  }
0x23b: {  	_ =	shalt  }

</sc_bundles>
